<compile_context>
chip_gen: v7x
topology: tpu7x:2x2x1
jax: 0.10.2.dev20260603
libtpu: 0.0.44.dev20260713+nightly
codegen_flags: <defaults>
</compile_context>

<pallas_src>
import functools

import jax
import jax.numpy as jnp
from jax import lax
from jax.experimental import pallas as pl
from jax.experimental.pallas import tpu as pltpu
from jax.experimental.pallas import tpu_sc as plsc

EMB = 32
HID = 128
OUT = 2
SEQ = 200
BATCH = 4096

NC = 2
NS = 16
NW = NC * NS
BPW = BATCH // NW
LANES = 16
VPR = EMB // LANES
VECS = BPW * VPR


VOCAB = 1000000
VT = 128
NT = 7813
VOCAB_P = NT * VT
KPW = 246
TILE_ELEMS = VT * EMB


def _transpose_table(table_t):
    mesh = plsc.VectorSubcoreMesh(core_axis_name="c", subcore_axis_name="s")

    @functools.partial(
        pl.kernel,
        mesh=mesh,
        out_type=jax.ShapeDtypeStruct((VOCAB_P * EMB,), jnp.float32),
        scratch_types=[
            pltpu.VMEM((EMB, VT), jnp.float32),
            pltpu.VMEM((EMB, VT), jnp.float32),
            pltpu.VMEM((TILE_ELEMS,), jnp.float32),
            pltpu.VMEM((TILE_ELEMS,), jnp.float32),
            pltpu.SemaphoreType.DMA,
            pltpu.SemaphoreType.DMA,
            pltpu.SemaphoreType.DMA,
            pltpu.SemaphoreType.DMA,
        ],
        compiler_params=pltpu.CompilerParams(
            use_tc_tiling_on_sc=True, needs_layout_passes=False),
    )
    def tr(tt_hbm, out_hbm, src0, src1, dst0, dst1, si0, si1, so0, so1):
        wid = lax.axis_index("s") * NC + lax.axis_index("c")
        t0 = wid * KPW
        srcs = (src0, src1)
        dsts = (dst0, dst1)
        sin = (si0, si1)
        sout = (so0, so1)

        lane = lax.iota(jnp.int32, LANES)

        def voff(k):
            return jnp.minimum(t0 + k, NT - 1) * VT

        def start_in(k, b):
            pltpu.make_async_copy(
                tt_hbm.at[:, pl.ds(voff(k), VT)], srcs[b], sin[b]).start()

        def start_out(k, b):
            pltpu.make_async_copy(
                dsts[b], out_hbm.at[pl.ds(voff(k) * EMB, TILE_ELEMS)],
                sout[b]).start()

        def wait_in(b):
            pltpu.make_async_copy(
                tt_hbm.at[:, pl.ds(0, VT)], srcs[b], sin[b]).wait()

        def wait_out(b):
            pltpu.make_async_copy(
                dsts[b], out_hbm.at[pl.ds(0, TILE_ELEMS)], sout[b]).wait()

        def scatter(b):
            @plsc.parallel_loop(0, EMB * (VT // LANES), unroll=8)
            def _(i):
                d = ((i >> 3) + lane) & (EMB - 1)
                vj = (i & 7) * LANES + lane
                x = plsc.load_gather(srcs[b], [d, vj])
                plsc.store_scatter(dsts[b], [vj * EMB + d], x)

        start_in(0, 0)
        start_in(1, 1)

        def gbody(g, _):
            k0 = 2 * g

            @pl.when(g > 0)
            def _():
                wait_out(0)

            wait_in(0)
            scatter(0)
            start_out(k0, 0)

            @pl.when(k0 + 2 < KPW)
            def _():
                start_in(k0 + 2, 0)

            @pl.when(g > 0)
            def _():
                wait_out(1)

            wait_in(1)
            scatter(1)
            start_out(k0 + 1, 1)

            @pl.when(k0 + 3 < KPW)
            def _():
                start_in(k0 + 3, 1)

            return 0

        lax.fori_loop(0, KPW // 2, gbody, 0)
        wait_out(0)
        wait_out(1)

    return tr(table_t)


def _pool_sums(text, emb_table):
    mesh = plsc.VectorSubcoreMesh(core_axis_name="c", subcore_axis_name="s")

    @functools.partial(
        pl.kernel,
        mesh=mesh,
        out_type=jax.ShapeDtypeStruct((BATCH, EMB), jnp.float32),
        scratch_types=[
            pltpu.VMEM((SEQ, BPW), jnp.int32),
            pltpu.VMEM((BPW, EMB), jnp.float32),
            pltpu.VMEM((4, BPW, EMB), jnp.float32),
        ] + [pltpu.SemaphoreType.DMA] * 4,
        compiler_params=pltpu.CompilerParams(use_tc_tiling_on_sc=False),
    )
    def pool(text_hbm, table_hbm, out_hbm, idx_v, acc_v, rows_v, *sems):
        wid = lax.axis_index("s") * NC + lax.axis_index("c")
        base = wid * BPW
        pltpu.sync_copy(text_hbm.at[:, pl.ds(base, BPW)], idx_v)

        zero = jnp.zeros((LANES,), jnp.float32)

        def zbody(r, _):
            acc_v[r, pl.ds(0, LANES)] = zero
            acc_v[r, pl.ds(LANES, LANES)] = zero
            return 0

        lax.fori_loop(0, BPW, zbody, 0, unroll=8)

        def start(s, b):
            pltpu.make_async_copy(
                table_hbm.at[idx_v.at[s]], rows_v.at[b], sems[b]).start()

        def wait_acc(b):
            pltpu.make_async_copy(
                table_hbm.at[idx_v.at[0]], rows_v.at[b], sems[b]).wait()

            def abody(r, _):
                plsc.addupdate(acc_v.at[r, pl.ds(0, LANES)],
                               rows_v[b, r, pl.ds(0, LANES)])
                plsc.addupdate(acc_v.at[r, pl.ds(LANES, LANES)],
                               rows_v[b, r, pl.ds(LANES, LANES)])
                return 0

            lax.fori_loop(0, BPW, abody, 0, unroll=8)

        DEPTH = 4
        for b in range(DEPTH):
            start(b, b)

        def gbody(g, _):
            s0 = DEPTH * g
            for b in range(DEPTH):
                wait_acc(b)
                start(s0 + DEPTH + b, b)
            return 0

        lax.fori_loop(0, SEQ // DEPTH - 1, gbody, 0)
        for b in range(DEPTH):
            wait_acc(b)

        pltpu.sync_copy(acc_v, out_hbm.at[pl.ds(base, BPW)])

    return pool(text, emb_table)


def _mlp(sums, W1, b1, W2, b2):
    BN = 1024

    def mlp_body(x_ref, w1_ref, b1_ref, w2_ref, b2_ref, o_ref):
        x = x_ref[...]
        h = jnp.dot(x, w1_ref[...], preferred_element_type=jnp.float32)
        h = h * (1.0 / SEQ) + b1_ref[...]
        h = jnp.maximum(h, 0.0)
        o_ref[...] = (jnp.dot(h, w2_ref[...], preferred_element_type=jnp.float32)
                      + b2_ref[...])

    return pl.pallas_call(
        mlp_body,
        grid=(BATCH // BN,),
        in_specs=[
            pl.BlockSpec((BN, EMB), lambda i: (i, 0)),
            pl.BlockSpec((EMB, HID), lambda i: (0, 0)),
            pl.BlockSpec((1, HID), lambda i: (0, 0)),
            pl.BlockSpec((HID, OUT), lambda i: (0, 0)),
            pl.BlockSpec((1, OUT), lambda i: (0, 0)),
        ],
        out_specs=pl.BlockSpec((BN, OUT), lambda i: (i, 0)),
        out_shape=jax.ShapeDtypeStruct((BATCH, OUT), jnp.float32),
    )(sums, W1, b1.reshape(1, HID), W2, b2.reshape(1, OUT))


def kernel(text, emb_table, W1, b1, W2, b2):
    text = text.astype(jnp.int32)
    table_rm = _transpose_table(emb_table.T).reshape(VOCAB_P, EMB)
    sums = _pool_sums(text, table_rm)
    return _mlp(sums, W1, b1, W2, b2)

# --- scband reference (transcript-rebuilt; emitter-appended) ---
"""Pipeline reference for scband-word-emb-avg-2linear-42193758716429 (READ-ONLY COPY).

The authoritative reference and input builder live on the scoring server;
editing this copy changes nothing except your own understanding.
"""

import jax, jax.numpy as jnp
import numpy as np

VOCAB = 1000000
EMB = 32
HID = 128
OUT = 2
PAD_IDX = 0
SEQ = 200
BATCH = 4096


def setup_inputs(seed: int = 0) -> dict:
    key = jax.random.key(seed)
    k0, k1, k2, k3, k4, k5 = jax.random.split(key, 6)
    text = jax.random.randint(k0, (SEQ, BATCH), 0, VOCAB, dtype=jnp.int64 if jax.config.jax_enable_x64 else jnp.int32)
    emb_table = jax.random.normal(k1, (VOCAB, EMB), dtype=jnp.float32)
    # nn.Embedding with padding_idx zeroes the pad row at init
    emb_table = emb_table.at[PAD_IDX].set(0.0)
    W1 = jax.random.normal(k2, (EMB, HID), dtype=jnp.float32) * 0.05
    b1 = jax.random.normal(k3, (HID,), dtype=jnp.float32) * 0.01
    W2 = jax.random.normal(k4, (HID, OUT), dtype=jnp.float32) * 0.05
    b2 = jax.random.normal(k5, (OUT,), dtype=jnp.float32) * 0.01
    return {"text": text, "emb_table": emb_table, "W1": W1, "b1": b1, "W2": W2, "b2": b2}


def reference(text, emb_table, W1, b1, W2, b2):
    # embedding lookup: [SEQ, BATCH, EMB]
    emb = jnp.take(emb_table, text, axis=0)
    # mean over sequence dim (dim=0): [BATCH, EMB]
    emb = jnp.mean(emb, axis=0)
    # torch .squeeze(1) is a no-op here since BATCH != 1
    ot1 = emb @ W1 + b1
    ot2 = jax.nn.relu(ot1)
    output = ot2 @ W2 + b2
    return output

if __name__ == "__main__":
    import jax
    _d = setup_inputs()
    print(jax.jit(kernel)(*tuple(_d.values())))

</pallas_src>

<mosaic_0001>
#map = affine_map<(d0, d1) -> (0, 0)>
module attributes {stable_mosaic.version = 14 : i64} {
  func.func @pool(%arg0: i32, %arg1: i32, %arg2: memref<200x4096xi32, #tpu.memory_space<hbm>>, %arg3: memref<1000064x32xf32, #tpu.memory_space<hbm>>, %arg4: memref<4096x32xf32, #tpu.memory_space<hbm>>, %arg5: memref<200x128xi32, #tpu.memory_space<vmem>>, %arg6: memref<128x32xf32, #tpu.memory_space<vmem>>, %arg7: memref<4x128x32xf32, #tpu.memory_space<vmem>>, %arg8: memref<!tpu.dma_semaphore, #tpu.memory_space<semaphore_mem>>, %arg9: memref<!tpu.dma_semaphore, #tpu.memory_space<semaphore_mem>>, %arg10: memref<!tpu.dma_semaphore, #tpu.memory_space<semaphore_mem>>, %arg11: memref<!tpu.dma_semaphore, #tpu.memory_space<semaphore_mem>>) attributes {dimension_semantics = [#tpu.dimension_semantics<core_parallel>, #tpu.dimension_semantics<subcore_parallel>], iteration_bounds = array<i64: 2, 16>, scalar_prefetch = 0 : i64, scratch_operands = 7 : i64, tpu.core_type = #tpu.core_type<sc_vector_subcore>, window_params = [{transform_indices = #map}, {transform_indices = #map}, {transform_indices = #map}]} {
    %mul3A = arith.constant 2 : i32
    %mul3A_0 = arith.muli %arg1, %mul3A : i32
    %add3A = arith.addi %mul3A_0, %arg0 : i32
    %mul3A_1 = arith.constant 128 : i32
    %mul3A_2 = arith.muli %add3A, %mul3A_1 : i32
    "tpu.region"() ({
      %run_scoped3A = tpu.sem_alloc : memref<!tpu.dma_semaphore, #tpu.memory_space<semaphore_mem>>
      %dma_start3A_139 = arith.constant 0 : i32
      %dma_start3A_140 = tpu.memref_slice %arg2[%dma_start3A_139, %mul3A_2] : memref<200x4096xi32, #tpu.memory_space<hbm>> -> memref<200x128xi32, #tpu.memory_space<hbm>>
      %dma_start3A_141 = arith.constant 0 : i32
      %dma_start3A_142 = tpu.memref_slice %arg2[%dma_start3A_141, %mul3A_2] : memref<200x4096xi32, #tpu.memory_space<hbm>> -> memref<200x128xi32, #tpu.memory_space<hbm>>
      tpu.enqueue_dma source(%dma_start3A_142 : memref<200x128xi32, #tpu.memory_space<hbm>>) target(%arg5 : memref<200x128xi32, #tpu.memory_space<vmem>>) target_semaphore(%run_scoped3A : memref<!tpu.dma_semaphore, #tpu.memory_space<semaphore_mem>>)
      %dma_wait3A_143 = arith.constant 0 : i32
      %dma_wait3A_144 = tpu.memref_slice %arg2[%dma_wait3A_143, %mul3A_2] : memref<200x4096xi32, #tpu.memory_space<hbm>> -> memref<200x128xi32, #tpu.memory_space<hbm>>
      %dma_wait3A_145 = arith.constant 0 : i32
      %dma_wait3A_146 = tpu.memref_slice %arg2[%dma_wait3A_145, %mul3A_2] : memref<200x4096xi32, #tpu.memory_space<hbm>> -> memref<200x128xi32, #tpu.memory_space<hbm>>
      tpu.wait_dma2 semaphore(%run_scoped3A : memref<!tpu.dma_semaphore, #tpu.memory_space<semaphore_mem>>) src(%dma_wait3A_146 : memref<200x128xi32, #tpu.memory_space<hbm>>) dst(%arg5 : memref<200x128xi32, #tpu.memory_space<vmem>>)
      tpu.yield
    }) : () -> ()
    %broadcast_in_dim3A = arith.constant 0.000000e+00 : f32
    %broadcast_in_dim3A_3 = vector.broadcast %broadcast_in_dim3A : f32 to vector<16xf32>
    %scan3A = arith.constant 0 : i32
    %scan3A_4 = arith.constant 0 : i32
    %scan3A_5 = arith.constant 128 : i32
    %scan3A_6 = arith.addi %scan3A_4, %scan3A_5 : i32
    %scan3A_7 = arith.constant 8 : i32
    %scan3A_8 = scf.for %scan3A_139 = %scan3A_4 to %scan3A_6 step %scan3A_7 iter_args(%scan3A_140 = %scan3A) -> (i32)  : i32 {
      %swap3A = arith.index_cast %scan3A_139 : i32 to index
      %swap3A_141 = arith.constant 0 : index
      %swap3A_142 = tpu.vector_load %arg6[%swap3A, %swap3A_141] {strides = array<i32>} : memref<128x32xf32, #tpu.memory_space<vmem>>, vector<1x16xf32>,
      %swap3A_143 = vector.shape_cast %swap3A_142 : vector<1x16xf32> to vector<16xf32>
      %swap3A_144 = vector.shape_cast %broadcast_in_dim3A_3 : vector<16xf32> to vector<1x16xf32>
      tpu.vector_store %arg6[%swap3A, %swap3A_141], %swap3A_144 {strides = array<i32>} : memref<128x32xf32, #tpu.memory_space<vmem>>, vector<1x16xf32>,
      %swap3A_145 = arith.index_cast %scan3A_139 : i32 to index
      %swap3A_146 = arith.constant 16 : index
      %swap3A_147 = tpu.vector_load %arg6[%swap3A_145, %swap3A_146] {strides = array<i32>} : memref<128x32xf32, #tpu.memory_space<vmem>>, vector<1x16xf32>,
      %swap3A_148 = vector.shape_cast %swap3A_147 : vector<1x16xf32> to vector<16xf32>
      %swap3A_149 = vector.shape_cast %broadcast_in_dim3A_3 : vector<16xf32> to vector<1x16xf32>
      tpu.vector_store %arg6[%swap3A_145, %swap3A_146], %swap3A_149 {strides = array<i32>} : memref<128x32xf32, #tpu.memory_space<vmem>>, vector<1x16xf32>,
      %scan3A_150 = arith.constant 0 : i32
      %scan3A_151 = arith.constant 1 : i32
      %scan3A_152 = arith.addi %scan3A_139, %scan3A_151 : i32
      %swap3A_153 = arith.index_cast %scan3A_152 : i32 to index
      %swap3A_154 = arith.constant 0 : index
      %swap3A_155 = tpu.vector_load %arg6[%swap3A_153, %swap3A_154] {strides = array<i32>} : memref<128x32xf32, #tpu.memory_space<vmem>>, vector<1x16xf32>,
      %swap3A_156 = vector.shape_cast %swap3A_155 : vector<1x16xf32> to vector<16xf32>
      %swap3A_157 = vector.shape_cast %broadcast_in_dim3A_3 : vector<16xf32> to vector<1x16xf32>
      tpu.vector_store %arg6[%swap3A_153, %swap3A_154], %swap3A_157 {strides = array<i32>} : memref<128x32xf32, #tpu.memory_space<vmem>>, vector<1x16xf32>,
      %swap3A_158 = arith.index_cast %scan3A_152 : i32 to index
      %swap3A_159 = arith.constant 16 : index
      %swap3A_160 = tpu.vector_load %arg6[%swap3A_158, %swap3A_159] {strides = array<i32>} : memref<128x32xf32, #tpu.memory_space<vmem>>, vector<1x16xf32>,
      %swap3A_161 = vector.shape_cast %swap3A_160 : vector<1x16xf32> to vector<16xf32>
      %swap3A_162 = vector.shape_cast %broadcast_in_dim3A_3 : vector<16xf32> to vector<1x16xf32>
      tpu.vector_store %arg6[%swap3A_158, %swap3A_159], %swap3A_162 {strides = array<i32>} : memref<128x32xf32, #tpu.memory_space<vmem>>, vector<1x16xf32>,
      %scan3A_163 = arith.constant 0 : i32
      %scan3A_164 = arith.constant 2 : i32
      %scan3A_165 = arith.addi %scan3A_139, %scan3A_164 : i32
      %swap3A_166 = arith.index_cast %scan3A_165 : i32 to index
      %swap3A_167 = arith.constant 0 : index
      %swap3A_168 = tpu.vector_load %arg6[%swap3A_166, %swap3A_167] {strides = array<i32>} : memref<128x32xf32, #tpu.memory_space<vmem>>, vector<1x16xf32>,
      %swap3A_169 = vector.shape_cast %swap3A_168 : vector<1x16xf32> to vector<16xf32>
      %swap3A_170 = vector.shape_cast %broadcast_in_dim3A_3 : vector<16xf32> to vector<1x16xf32>
      tpu.vector_store %arg6[%swap3A_166, %swap3A_167], %swap3A_170 {strides = array<i32>} : memref<128x32xf32, #tpu.memory_space<vmem>>, vector<1x16xf32>,
      %swap3A_171 = arith.index_cast %scan3A_165 : i32 to index
      %swap3A_172 = arith.constant 16 : index
      %swap3A_173 = tpu.vector_load %arg6[%swap3A_171, %swap3A_172] {strides = array<i32>} : memref<128x32xf32, #tpu.memory_space<vmem>>, vector<1x16xf32>,
      %swap3A_174 = vector.shape_cast %swap3A_173 : vector<1x16xf32> to vector<16xf32>
      %swap3A_175 = vector.shape_cast %broadcast_in_dim3A_3 : vector<16xf32> to vector<1x16xf32>
      tpu.vector_store %arg6[%swap3A_171, %swap3A_172], %swap3A_175 {strides = array<i32>} : memref<128x32xf32, #tpu.memory_space<vmem>>, vector<1x16xf32>,
      %scan3A_176 = arith.constant 0 : i32
      %scan3A_177 = arith.constant 3 : i32
      %scan3A_178 = arith.addi %scan3A_139, %scan3A_177 : i32
      %swap3A_179 = arith.index_cast %scan3A_178 : i32 to index
      %swap3A_180 = arith.constant 0 : index
      %swap3A_181 = tpu.vector_load %arg6[%swap3A_179, %swap3A_180] {strides = array<i32>} : memref<128x32xf32, #tpu.memory_space<vmem>>, vector<1x16xf32>,
      %swap3A_182 = vector.shape_cast %swap3A_181 : vector<1x16xf32> to vector<16xf32>
      %swap3A_183 = vector.shape_cast %broadcast_in_dim3A_3 : vector<16xf32> to vector<1x16xf32>
      tpu.vector_store %arg6[%swap3A_179, %swap3A_180], %swap3A_183 {strides = array<i32>} : memref<128x32xf32, #tpu.memory_space<vmem>>, vector<1x16xf32>,
      %swap3A_184 = arith.index_cast %scan3A_178 : i32 to index
      %swap3A_185 = arith.constant 16 : index
      %swap3A_186 = tpu.vector_load %arg6[%swap3A_184, %swap3A_185] {strides = array<i32>} : memref<128x32xf32, #tpu.memory_space<vmem>>, vector<1x16xf32>,
      %swap3A_187 = vector.shape_cast %swap3A_186 : vector<1x16xf32> to vector<16xf32>
      %swap3A_188 = vector.shape_cast %broadcast_in_dim3A_3 : vector<16xf32> to vector<1x16xf32>
      tpu.vector_store %arg6[%swap3A_184, %swap3A_185], %swap3A_188 {strides = array<i32>} : memref<128x32xf32, #tpu.memory_space<vmem>>, vector<1x16xf32>,
      %scan3A_189 = arith.constant 0 : i32
      %scan3A_190 = arith.constant 4 : i32
      %scan3A_191 = arith.addi %scan3A_139, %scan3A_190 : i32
      %swap3A_192 = arith.index_cast %scan3A_191 : i32 to index
      %swap3A_193 = arith.constant 0 : index
      %swap3A_194 = tpu.vector_load %arg6[%swap3A_192, %swap3A_193] {strides = array<i32>} : memref<128x32xf32, #tpu.memory_space<vmem>>, vector<1x16xf32>,
      %swap3A_195 = vector.shape_cast %swap3A_194 : vector<1x16xf32> to vector<16xf32>
      %swap3A_196 = vector.shape_cast %broadcast_in_dim3A_3 : vector<16xf32> to vector<1x16xf32>
      tpu.vector_store %arg6[%swap3A_192, %swap3A_193], %swap3A_196 {strides = array<i32>} : memref<128x32xf32, #tpu.memory_space<vmem>>, vector<1x16xf32>,
      %swap3A_197 = arith.index_cast %scan3A_191 : i32 to index
      %swap3A_198 = arith.constant 16 : index
      %swap3A_199 = tpu.vector_load %arg6[%swap3A_197, %swap3A_198] {strides = array<i32>} : memref<128x32xf32, #tpu.memory_space<vmem>>, vector<1x16xf32>,
      %swap3A_200 = vector.shape_cast %swap3A_199 : vector<1x16xf32> to vector<16xf32>
      %swap3A_201 = vector.shape_cast %broadcast_in_dim3A_3 : vector<16xf32> to vector<1x16xf32>
      tpu.vector_store %arg6[%swap3A_197, %swap3A_198], %swap3A_201 {strides = array<i32>} : memref<128x32xf32, #tpu.memory_space<vmem>>, vector<1x16xf32>,
      %scan3A_202 = arith.constant 0 : i32
      %scan3A_203 = arith.constant 5 : i32
      %scan3A_204 = arith.addi %scan3A_139, %scan3A_203 : i32
      %swap3A_205 = arith.index_cast %scan3A_204 : i32 to index
      %swap3A_206 = arith.constant 0 : index
      %swap3A_207 = tpu.vector_load %arg6[%swap3A_205, %swap3A_206] {strides = array<i32>} : memref<128x32xf32, #tpu.memory_space<vmem>>, vector<1x16xf32>,
      %swap3A_208 = vector.shape_cast %swap3A_207 : vector<1x16xf32> to vector<16xf32>
      %swap3A_209 = vector.shape_cast %broadcast_in_dim3A_3 : vector<16xf32> to vector<1x16xf32>
      tpu.vector_store %arg6[%swap3A_205, %swap3A_206], %swap3A_209 {strides = array<i32>} : memref<128x32xf32, #tpu.memory_space<vmem>>, vector<1x16xf32>,
      %swap3A_210 = arith.index_cast %scan3A_204 : i32 to index
      %swap3A_211 = arith.constant 16 : index
      %swap3A_212 = tpu.vector_load %arg6[%swap3A_210, %swap3A_211] {strides = array<i32>} : memref<128x32xf32, #tpu.memory_space<vmem>>, vector<1x16xf32>,
      %swap3A_213 = vector.shape_cast %swap3A_212 : vector<1x16xf32> to vector<16xf32>
      %swap3A_214 = vector.shape_cast %broadcast_in_dim3A_3 : vector<16xf32> to vector<1x16xf32>
      tpu.vector_store %arg6[%swap3A_210, %swap3A_211], %swap3A_214 {strides = array<i32>} : memref<128x32xf32, #tpu.memory_space<vmem>>, vector<1x16xf32>,
      %scan3A_215 = arith.constant 0 : i32
      %scan3A_216 = arith.constant 6 : i32
      %scan3A_217 = arith.addi %scan3A_139, %scan3A_216 : i32
      %swap3A_218 = arith.index_cast %scan3A_217 : i32 to index
      %swap3A_219 = arith.constant 0 : index
      %swap3A_220 = tpu.vector_load %arg6[%swap3A_218, %swap3A_219] {strides = array<i32>} : memref<128x32xf32, #tpu.memory_space<vmem>>, vector<1x16xf32>,
      %swap3A_221 = vector.shape_cast %swap3A_220 : vector<1x16xf32> to vector<16xf32>
      %swap3A_222 = vector.shape_cast %broadcast_in_dim3A_3 : vector<16xf32> to vector<1x16xf32>
      tpu.vector_store %arg6[%swap3A_218, %swap3A_219], %swap3A_222 {strides = array<i32>} : memref<128x32xf32, #tpu.memory_space<vmem>>, vector<1x16xf32>,
      %swap3A_223 = arith.index_cast %scan3A_217 : i32 to index
      %swap3A_224 = arith.constant 16 : index
      %swap3A_225 = tpu.vector_load %arg6[%swap3A_223, %swap3A_224] {strides = array<i32>} : memref<128x32xf32, #tpu.memory_space<vmem>>, vector<1x16xf32>,
      %swap3A_226 = vector.shape_cast %swap3A_225 : vector<1x16xf32> to vector<16xf32>
      %swap3A_227 = vector.shape_cast %broadcast_in_dim3A_3 : vector<16xf32> to vector<1x16xf32>
      tpu.vector_store %arg6[%swap3A_223, %swap3A_224], %swap3A_227 {strides = array<i32>} : memref<128x32xf32, #tpu.memory_space<vmem>>, vector<1x16xf32>,
      %scan3A_228 = arith.constant 0 : i32
      %scan3A_229 = arith.constant 7 : i32
      %scan3A_230 = arith.addi %scan3A_139, %scan3A_229 : i32
      %swap3A_231 = arith.index_cast %scan3A_230 : i32 to index
      %swap3A_232 = arith.constant 0 : index
      %swap3A_233 = tpu.vector_load %arg6[%swap3A_231, %swap3A_232] {strides = array<i32>} : memref<128x32xf32, #tpu.memory_space<vmem>>, vector<1x16xf32>,
      %swap3A_234 = vector.shape_cast %swap3A_233 : vector<1x16xf32> to vector<16xf32>
      %swap3A_235 = vector.shape_cast %broadcast_in_dim3A_3 : vector<16xf32> to vector<1x16xf32>
      tpu.vector_store %arg6[%swap3A_231, %swap3A_232], %swap3A_235 {strides = array<i32>} : memref<128x32xf32, #tpu.memory_space<vmem>>, vector<1x16xf32>,
      %swap3A_236 = arith.index_cast %scan3A_230 : i32 to index
      %swap3A_237 = arith.constant 16 : index
      %swap3A_238 = tpu.vector_load %arg6[%swap3A_236, %swap3A_237] {strides = array<i32>} : memref<128x32xf32, #tpu.memory_space<vmem>>, vector<1x16xf32>,
      %swap3A_239 = vector.shape_cast %swap3A_238 : vector<1x16xf32> to vector<16xf32>
      %swap3A_240 = vector.shape_cast %broadcast_in_dim3A_3 : vector<16xf32> to vector<1x16xf32>
      tpu.vector_store %arg6[%swap3A_236, %swap3A_237], %swap3A_240 {strides = array<i32>} : memref<128x32xf32, #tpu.memory_space<vmem>>, vector<1x16xf32>,
      %scan3A_241 = arith.constant 0 : i32
      scf.yield %scan3A_241 : i32
    }
    %scan3A_9 = arith.constant 128 : i32
    %dma_start3A = arith.constant 0 : i32
    %dma_start3A_10 = arith.constant 0 : i32
    %dma_start3A_11 = arith.constant 0 : i32
    %dma_start3A_12 = arith.constant 0 : i32
    %dma_start3A_13 = tpu.memref_slice %arg7[%dma_start3A_10, %dma_start3A_11, %dma_start3A_12] : memref<4x128x32xf32, #tpu.memory_space<vmem>> -> memref<1x128x32xf32, #tpu.memory_space<vmem>>
    %dma_start3A_14 = tpu.memref_squeeze %dma_start3A_13 : memref<1x128x32xf32, #tpu.memory_space<vmem>> -> memref<128x32xf32, #tpu.memory_space<vmem>>
    %dma_start3A_15 = arith.constant 0 : i32
    %dma_start3A_16 = tpu.memref_slice %arg5[%dma_start3A, %dma_start3A_15] : memref<200x128xi32, #tpu.memory_space<vmem>> -> memref<1x128xi32, #tpu.memory_space<vmem>>
    %dma_start3A_17 = tpu.memref_squeeze %dma_start3A_16 : memref<1x128xi32, #tpu.memory_space<vmem>> -> memref<128xi32, #tpu.memory_space<vmem>>
    %dma_start3A_18 = arith.constant 0 : i32
    %dma_start3A_19 = arith.constant 0 : i32
    %dma_start3A_20 = tpu.memref_slice %arg3[%dma_start3A_18, %dma_start3A_19] : memref<1000064x32xf32, #tpu.memory_space<hbm>> -> memref<1000064x32xf32, #tpu.memory_space<hbm>>
    tpu.enqueue_indirect_dma source(%dma_start3A_20 : memref<1000064x32xf32, #tpu.memory_space<hbm>>) target(%dma_start3A_14 : memref<128x32xf32, #tpu.memory_space<vmem>>) offsets(%dma_start3A_17 : memref<128xi32, #tpu.memory_space<vmem>>) semaphore(%arg8 : memref<!tpu.dma_semaphore, #tpu.memory_space<semaphore_mem>>)
    %dma_start3A_21 = arith.constant 1 : i32
    %dma_start3A_22 = arith.constant 1 : i32
    %dma_start3A_23 = arith.constant 0 : i32
    %dma_start3A_24 = arith.constant 0 : i32
    %dma_start3A_25 = tpu.memref_slice %arg7[%dma_start3A_22, %dma_start3A_23, %dma_start3A_24] : memref<4x128x32xf32, #tpu.memory_space<vmem>> -> memref<1x128x32xf32, #tpu.memory_space<vmem>>
    %dma_start3A_26 = tpu.memref_squeeze %dma_start3A_25 : memref<1x128x32xf32, #tpu.memory_space<vmem>> -> memref<128x32xf32, #tpu.memory_space<vmem>>
    %dma_start3A_27 = arith.constant 0 : i32
    %dma_start3A_28 = tpu.memref_slice %arg5[%dma_start3A_21, %dma_start3A_27] : memref<200x128xi32, #tpu.memory_space<vmem>> -> memref<1x128xi32, #tpu.memory_space<vmem>>
    %dma_start3A_29 = tpu.memref_squeeze %dma_start3A_28 : memref<1x128xi32, #tpu.memory_space<vmem>> -> memref<128xi32, #tpu.memory_space<vmem>>
    %dma_start3A_30 = arith.constant 0 : i32
    %dma_start3A_31 = arith.constant 0 : i32
    %dma_start3A_32 = tpu.memref_slice %arg3[%dma_start3A_30, %dma_start3A_31] : memref<1000064x32xf32, #tpu.memory_space<hbm>> -> memref<1000064x32xf32, #tpu.memory_space<hbm>>
    tpu.enqueue_indirect_dma source(%dma_start3A_32 : memref<1000064x32xf32, #tpu.memory_space<hbm>>) target(%dma_start3A_26 : memref<128x32xf32, #tpu.memory_space<vmem>>) offsets(%dma_start3A_29 : memref<128xi32, #tpu.memory_space<vmem>>) semaphore(%arg9 : memref<!tpu.dma_semaphore, #tpu.memory_space<semaphore_mem>>)
    %dma_start3A_33 = arith.constant 2 : i32
    %dma_start3A_34 = arith.constant 2 : i32
    %dma_start3A_35 = arith.constant 0 : i32
    %dma_start3A_36 = arith.constant 0 : i32
    %dma_start3A_37 = tpu.memref_slice %arg7[%dma_start3A_34, %dma_start3A_35, %dma_start3A_36] : memref<4x128x32xf32, #tpu.memory_space<vmem>> -> memref<1x128x32xf32, #tpu.memory_space<vmem>>
    %dma_start3A_38 = tpu.memref_squeeze %dma_start3A_37 : memref<1x128x32xf32, #tpu.memory_space<vmem>> -> memref<128x32xf32, #tpu.memory_space<vmem>>
    %dma_start3A_39 = arith.constant 0 : i32
    %dma_start3A_40 = tpu.memref_slice %arg5[%dma_start3A_33, %dma_start3A_39] : memref<200x128xi32, #tpu.memory_space<vmem>> -> memref<1x128xi32, #tpu.memory_space<vmem>>
    %dma_start3A_41 = tpu.memref_squeeze %dma_start3A_40 : memref<1x128xi32, #tpu.memory_space<vmem>> -> memref<128xi32, #tpu.memory_space<vmem>>
    %dma_start3A_42 = arith.constant 0 : i32
    %dma_start3A_43 = arith.constant 0 : i32
    %dma_start3A_44 = tpu.memref_slice %arg3[%dma_start3A_42, %dma_start3A_43] : memref<1000064x32xf32, #tpu.memory_space<hbm>> -> memref<1000064x32xf32, #tpu.memory_space<hbm>>
    tpu.enqueue_indirect_dma source(%dma_start3A_44 : memref<1000064x32xf32, #tpu.memory_space<hbm>>) target(%dma_start3A_38 : memref<128x32xf32, #tpu.memory_space<vmem>>) offsets(%dma_start3A_41 : memref<128xi32, #tpu.memory_space<vmem>>) semaphore(%arg10 : memref<!tpu.dma_semaphore, #tpu.memory_space<semaphore_mem>>)
    %dma_start3A_45 = arith.constant 3 : i32
    %dma_start3A_46 = arith.constant 3 : i32
    %dma_start3A_47 = arith.constant 0 : i32
    %dma_start3A_48 = arith.constant 0 : i32
    %dma_start3A_49 = tpu.memref_slice %arg7[%dma_start3A_46, %dma_start3A_47, %dma_start3A_48] : memref<4x128x32xf32, #tpu.memory_space<vmem>> -> memref<1x128x32xf32, #tpu.memory_space<vmem>>
    %dma_start3A_50 = tpu.memref_squeeze %dma_start3A_49 : memref<1x128x32xf32, #tpu.memory_space<vmem>> -> memref<128x32xf32, #tpu.memory_space<vmem>>
    %dma_start3A_51 = arith.constant 0 : i32
    %dma_start3A_52 = tpu.memref_slice %arg5[%dma_start3A_45, %dma_start3A_51] : memref<200x128xi32, #tpu.memory_space<vmem>> -> memref<1x128xi32, #tpu.memory_space<vmem>>
    %dma_start3A_53 = tpu.memref_squeeze %dma_start3A_52 : memref<1x128xi32, #tpu.memory_space<vmem>> -> memref<128xi32, #tpu.memory_space<vmem>>
    %dma_start3A_54 = arith.constant 0 : i32
    %dma_start3A_55 = arith.constant 0 : i32
    %dma_start3A_56 = tpu.memref_slice %arg3[%dma_start3A_54, %dma_start3A_55] : memref<1000064x32xf32, #tpu.memory_space<hbm>> -> memref<1000064x32xf32, #tpu.memory_space<hbm>>
    tpu.enqueue_indirect_dma source(%dma_start3A_56 : memref<1000064x32xf32, #tpu.memory_space<hbm>>) target(%dma_start3A_50 : memref<128x32xf32, #tpu.memory_space<vmem>>) offsets(%dma_start3A_53 : memref<128xi32, #tpu.memory_space<vmem>>) semaphore(%arg11 : memref<!tpu.dma_semaphore, #tpu.memory_space<semaphore_mem>>)
    %scan3A_57 = arith.constant 0 : i32
    %scan3A_58 = arith.constant 0 : i32
    %scan3A_59 = arith.constant 49 : i32
    %scan3A_60 = arith.addi %scan3A_58, %scan3A_59 : i32
    %scan3A_61 = arith.constant 1 : i32
    %scan3A_62 = scf.for %scan3A_139 = %scan3A_58 to %scan3A_60 step %scan3A_61 iter_args(%scan3A_140 = %scan3A_57) -> (i32)  : i32 {
      %mul3A_141 = arith.constant 4 : i32
      %mul3A_142 = arith.muli %mul3A_141, %scan3A_139 : i32
      %dma_wait3A_143 = arith.constant 0 : i32
      %dma_wait3A_144 = arith.constant 0 : i32
      %dma_wait3A_145 = arith.constant 0 : i32
      %dma_wait3A_146 = arith.constant 0 : i32
      %dma_wait3A_147 = tpu.memref_slice %arg7[%dma_wait3A_144, %dma_wait3A_145, %dma_wait3A_146] : memref<4x128x32xf32, #tpu.memory_space<vmem>> -> memref<1x128x32xf32, #tpu.memory_space<vmem>>
      %dma_wait3A_148 = tpu.memref_squeeze %dma_wait3A_147 : memref<1x128x32xf32, #tpu.memory_space<vmem>> -> memref<128x32xf32, #tpu.memory_space<vmem>>
      %dma_wait3A_149 = arith.constant 0 : i32
      %dma_wait3A_150 = tpu.memref_slice %arg5[%dma_wait3A_143, %dma_wait3A_149] : memref<200x128xi32, #tpu.memory_space<vmem>> -> memref<1x128xi32, #tpu.memory_space<vmem>>
      %dma_wait3A_151 = tpu.memref_squeeze %dma_wait3A_150 : memref<1x128xi32, #tpu.memory_space<vmem>> -> memref<128xi32, #tpu.memory_space<vmem>>
      %dma_wait3A_152 = arith.constant 0 : i32
      %dma_wait3A_153 = arith.constant 0 : i32
      %dma_wait3A_154 = tpu.memref_slice %arg3[%dma_wait3A_152, %dma_wait3A_153] : memref<1000064x32xf32, #tpu.memory_space<hbm>> -> memref<1000064x32xf32, #tpu.memory_space<hbm>>
      tpu.wait_indirect_dma semaphore(%arg8 : memref<!tpu.dma_semaphore, #tpu.memory_space<semaphore_mem>>) src(%dma_wait3A_154 : memref<1000064x32xf32, #tpu.memory_space<hbm>>) dst(%dma_wait3A_148 : memref<128x32xf32, #tpu.memory_space<vmem>>)
      %scan3A_155 = arith.constant 0 : i32
      %scan3A_156 = arith.constant 0 : i32
      %scan3A_157 = arith.constant 128 : i32
      %scan3A_158 = arith.addi %scan3A_156, %scan3A_157 : i32
      %scan3A_159 = arith.constant 8 : i32
      %scan3A_160 = scf.for %scan3A_280 = %scan3A_156 to %scan3A_158 step %scan3A_159 iter_args(%scan3A_281 = %scan3A_155) -> (i32)  : i32 {
        %get3A = arith.constant 0 : i32
        %get3A_282 = arith.index_cast %get3A : i32 to index
        %get3A_283 = arith.index_cast %scan3A_280 : i32 to index
        %get3A_284 = arith.constant 0 : index
        %get3A_285 = tpu.vector_load %arg7[%get3A_282, %get3A_283, %get3A_284] {strides = array<i32>} : memref<4x128x32xf32, #tpu.memory_space<vmem>>, vector<1x1x16xf32>,
        %get3A_286 = vector.shape_cast %get3A_285 : vector<1x1x16xf32> to vector<16xf32>
        %swap3A = arith.index_cast %scan3A_280 : i32 to index
        %swap3A_287 = arith.constant 0 : index
        %swap3A_288 = tpu.vector_load %arg6[%swap3A, %swap3A_287] {strides = array<i32>} : memref<128x32xf32, #tpu.memory_space<vmem>>, vector<1x16xf32>,
        %swap3A_289 = vector.shape_cast %swap3A_288 : vector<1x16xf32> to vector<16xf32>
        %swap3A_290 = vector.shape_cast %get3A_286 : vector<16xf32> to vector<1x16xf32>
        tpu.vector_store %arg6[%swap3A, %swap3A_287], %swap3A_290 {add = true, strides = array<i32>} : memref<128x32xf32, #tpu.memory_space<vmem>>, vector<1x16xf32>,
        %get3A_291 = arith.constant 0 : i32
        %get3A_292 = arith.index_cast %get3A_291 : i32 to index
        %get3A_293 = arith.index_cast %scan3A_280 : i32 to index
        %get3A_294 = arith.constant 16 : index
        %get3A_295 = tpu.vector_load %arg7[%get3A_292, %get3A_293, %get3A_294] {strides = array<i32>} : memref<4x128x32xf32, #tpu.memory_space<vmem>>, vector<1x1x16xf32>,
        %get3A_296 = vector.shape_cast %get3A_295 : vector<1x1x16xf32> to vector<16xf32>
        %swap3A_297 = arith.index_cast %scan3A_280 : i32 to index
        %swap3A_298 = arith.constant 16 : index
        %swap3A_299 = tpu.vector_load %arg6[%swap3A_297, %swap3A_298] {strides = array<i32>} : memref<128x32xf32, #tpu.memory_space<vmem>>, vector<1x16xf32>,
        %swap3A_300 = vector.shape_cast %swap3A_299 : vector<1x16xf32> to vector<16xf32>
        %swap3A_301 = vector.shape_cast %get3A_296 : vector<16xf32> to vector<1x16xf32>
        tpu.vector_store %arg6[%swap3A_297, %swap3A_298], %swap3A_301 {add = true, strides = array<i32>} : memref<128x32xf32, #tpu.memory_space<vmem>>, vector<1x16xf32>,
        %scan3A_302 = arith.constant 0 : i32
        %scan3A_303 = arith.constant 1 : i32
        %scan3A_304 = arith.addi %scan3A_280, %scan3A_303 : i32
        %get3A_305 = arith.constant 0 : i32
        %get3A_306 = arith.index_cast %get3A_305 : i32 to index
        %get3A_307 = arith.index_cast %scan3A_304 : i32 to index
        %get3A_308 = arith.constant 0 : index
        %get3A_309 = tpu.vector_load %arg7[%get3A_306, %get3A_307, %get3A_308] {strides = array<i32>} : memref<4x128x32xf32, #tpu.memory_space<vmem>>, vector<1x1x16xf32>,
        %get3A_310 = vector.shape_cast %get3A_309 : vector<1x1x16xf32> to vector<16xf32>
        %swap3A_311 = arith.index_cast %scan3A_304 : i32 to index
        %swap3A_312 = arith.constant 0 : index
        %swap3A_313 = tpu.vector_load %arg6[%swap3A_311, %swap3A_312] {strides = array<i32>} : memref<128x32xf32, #tpu.memory_space<vmem>>, vector<1x16xf32>,
        %swap3A_314 = vector.shape_cast %swap3A_313 : vector<1x16xf32> to vector<16xf32>
        %swap3A_315 = vector.shape_cast %get3A_310 : vector<16xf32> to vector<1x16xf32>
        tpu.vector_store %arg6[%swap3A_311, %swap3A_312], %swap3A_315 {add = true, strides = array<i32>} : memref<128x32xf32, #tpu.memory_space<vmem>>, vector<1x16xf32>,
        %get3A_316 = arith.constant 0 : i32
        %get3A_317 = arith.index_cast %get3A_316 : i32 to index
        %get3A_318 = arith.index_cast %scan3A_304 : i32 to index
        %get3A_319 = arith.constant 16 : index
        %get3A_320 = tpu.vector_load %arg7[%get3A_317, %get3A_318, %get3A_319] {strides = array<i32>} : memref<4x128x32xf32, #tpu.memory_space<vmem>>, vector<1x1x16xf32>,
        %get3A_321 = vector.shape_cast %get3A_320 : vector<1x1x16xf32> to vector<16xf32>
        %swap3A_322 = arith.index_cast %scan3A_304 : i32 to index
        %swap3A_323 = arith.constant 16 : index
        %swap3A_324 = tpu.vector_load %arg6[%swap3A_322, %swap3A_323] {strides = array<i32>} : memref<128x32xf32, #tpu.memory_space<vmem>>, vector<1x16xf32>,
        %swap3A_325 = vector.shape_cast %swap3A_324 : vector<1x16xf32> to vector<16xf32>
        %swap3A_326 = vector.shape_cast %get3A_321 : vector<16xf32> to vector<1x16xf32>
        tpu.vector_store %arg6[%swap3A_322, %swap3A_323], %swap3A_326 {add = true, strides = array<i32>} : memref<128x32xf32, #tpu.memory_space<vmem>>, vector<1x16xf32>,
        %scan3A_327 = arith.constant 0 : i32
        %scan3A_328 = arith.constant 2 : i32
        %scan3A_329 = arith.addi %scan3A_280, %scan3A_328 : i32
        %get3A_330 = arith.constant 0 : i32
        %get3A_331 = arith.index_cast %get3A_330 : i32 to index
        %get3A_332 = arith.index_cast %scan3A_329 : i32 to index
        %get3A_333 = arith.constant 0 : index
        %get3A_334 = tpu.vector_load %arg7[%get3A_331, %get3A_332, %get3A_333] {strides = array<i32>} : memref<4x128x32xf32, #tpu.memory_space<vmem>>, vector<1x1x16xf32>,
        %get3A_335 = vector.shape_cast %get3A_334 : vector<1x1x16xf32> to vector<16xf32>
        %swap3A_336 = arith.index_cast %scan3A_329 : i32 to index
        %swap3A_337 = arith.constant 0 : index
        %swap3A_338 = tpu.vector_load %arg6[%swap3A_336, %swap3A_337] {strides = array<i32>} : memref<128x32xf32, #tpu.memory_space<vmem>>, vector<1x16xf32>,
        %swap3A_339 = vector.shape_cast %swap3A_338 : vector<1x16xf32> to vector<16xf32>
        %swap3A_340 = vector.shape_cast %get3A_335 : vector<16xf32> to vector<1x16xf32>
        tpu.vector_store %arg6[%swap3A_336, %swap3A_337], %swap3A_340 {add = true, strides = array<i32>} : memref<128x32xf32, #tpu.memory_space<vmem>>, vector<1x16xf32>,
        %get3A_341 = arith.constant 0 : i32
        %get3A_342 = arith.index_cast %get3A_341 : i32 to index
        %get3A_343 = arith.index_cast %scan3A_329 : i32 to index
        %get3A_344 = arith.constant 16 : index
        %get3A_345 = tpu.vector_load %arg7[%get3A_342, %get3A_343, %get3A_344] {strides = array<i32>} : memref<4x128x32xf32, #tpu.memory_space<vmem>>, vector<1x1x16xf32>,
        %get3A_346 = vector.shape_cast %get3A_345 : vector<1x1x16xf32> to vector<16xf32>
        %swap3A_347 = arith.index_cast %scan3A_329 : i32 to index
        %swap3A_348 = arith.constant 16 : index
        %swap3A_349 = tpu.vector_load %arg6[%swap3A_347, %swap3A_348] {strides = array<i32>} : memref<128x32xf32, #tpu.memory_space<vmem>>, vector<1x16xf32>,
        %swap3A_350 = vector.shape_cast %swap3A_349 : vector<1x16xf32> to vector<16xf32>
        %swap3A_351 = vector.shape_cast %get3A_346 : vector<16xf32> to vector<1x16xf32>
        tpu.vector_store %arg6[%swap3A_347, %swap3A_348], %swap3A_351 {add = true, strides = array<i32>} : memref<128x32xf32, #tpu.memory_space<vmem>>, vector<1x16xf32>,
        %scan3A_352 = arith.constant 0 : i32
        %scan3A_353 = arith.constant 3 : i32
        %scan3A_354 = arith.addi %scan3A_280, %scan3A_353 : i32
        %get3A_355 = arith.constant 0 : i32
        %get3A_356 = arith.index_cast %get3A_355 : i32 to index
        %get3A_357 = arith.index_cast %scan3A_354 : i32 to index
        %get3A_358 = arith.constant 0 : index
        %get3A_359 = tpu.vector_load %arg7[%get3A_356, %get3A_357, %get3A_358] {strides = array<i32>} : memref<4x128x32xf32, #tpu.memory_space<vmem>>, vector<1x1x16xf32>,
        %get3A_360 = vector.shape_cast %get3A_359 : vector<1x1x16xf32> to vector<16xf32>
        %swap3A_361 = arith.index_cast %scan3A_354 : i32 to index
        %swap3A_362 = arith.constant 0 : index
        %swap3A_363 = tpu.vector_load %arg6[%swap3A_361, %swap3A_362] {strides = array<i32>} : memref<128x32xf32, #tpu.memory_space<vmem>>, vector<1x16xf32>,
        %swap3A_364 = vector.shape_cast %swap3A_363 : vector<1x16xf32> to vector<16xf32>
        %swap3A_365 = vector.shape_cast %get3A_360 : vector<16xf32> to vector<1x16xf32>
        tpu.vector_store %arg6[%swap3A_361, %swap3A_362], %swap3A_365 {add = true, strides = array<i32>} : memref<128x32xf32, #tpu.memory_space<vmem>>, vector<1x16xf32>,
        %get3A_366 = arith.constant 0 : i32
        %get3A_367 = arith.index_cast %get3A_366 : i32 to index
        %get3A_368 = arith.index_cast %scan3A_354 : i32 to index
        %get3A_369 = arith.constant 16 : index
        %get3A_370 = tpu.vector_load %arg7[%get3A_367, %get3A_368, %get3A_369] {strides = array<i32>} : memref<4x128x32xf32, #tpu.memory_space<vmem>>, vector<1x1x16xf32>,
        %get3A_371 = vector.shape_cast %get3A_370 : vector<1x1x16xf32> to vector<16xf32>
        %swap3A_372 = arith.index_cast %scan3A_354 : i32 to index
        %swap3A_373 = arith.constant 16 : index
        %swap3A_374 = tpu.vector_load %arg6[%swap3A_372, %swap3A_373] {strides = array<i32>} : memref<128x32xf32, #tpu.memory_space<vmem>>, vector<1x16xf32>,
        %swap3A_375 = vector.shape_cast %swap3A_374 : vector<1x16xf32> to vector<16xf32>
        %swap3A_376 = vector.shape_cast %get3A_371 : vector<16xf32> to vector<1x16xf32>
        tpu.vector_store %arg6[%swap3A_372, %swap3A_373], %swap3A_376 {add = true, strides = array<i32>} : memref<128x32xf32, #tpu.memory_space<vmem>>, vector<1x16xf32>,
        %scan3A_377 = arith.constant 0 : i32
        %scan3A_378 = arith.constant 4 : i32
        %scan3A_379 = arith.addi %scan3A_280, %scan3A_378 : i32
        %get3A_380 = arith.constant 0 : i32
        %get3A_381 = arith.index_cast %get3A_380 : i32 to index
        %get3A_382 = arith.index_cast %scan3A_379 : i32 to index
        %get3A_383 = arith.constant 0 : index
        %get3A_384 = tpu.vector_load %arg7[%get3A_381, %get3A_382, %get3A_383] {strides = array<i32>} : memref<4x128x32xf32, #tpu.memory_space<vmem>>, vector<1x1x16xf32>,
        %get3A_385 = vector.shape_cast %get3A_384 : vector<1x1x16xf32> to vector<16xf32>
        %swap3A_386 = arith.index_cast %scan3A_379 : i32 to index
        %swap3A_387 = arith.constant 0 : index
        %swap3A_388 = tpu.vector_load %arg6[%swap3A_386, %swap3A_387] {strides = array<i32>} : memref<128x32xf32, #tpu.memory_space<vmem>>, vector<1x16xf32>,
        %swap3A_389 = vector.shape_cast %swap3A_388 : vector<1x16xf32> to vector<16xf32>
        %swap3A_390 = vector.shape_cast %get3A_385 : vector<16xf32> to vector<1x16xf32>
        tpu.vector_store %arg6[%swap3A_386, %swap3A_387], %swap3A_390 {add = true, strides = array<i32>} : memref<128x32xf32, #tpu.memory_space<vmem>>, vector<1x16xf32>,
        %get3A_391 = arith.constant 0 : i32
        %get3A_392 = arith.index_cast %get3A_391 : i32 to index
        %get3A_393 = arith.index_cast %scan3A_379 : i32 to index
        %get3A_394 = arith.constant 16 : index
        %get3A_395 = tpu.vector_load %arg7[%get3A_392, %get3A_393, %get3A_394] {strides = array<i32>} : memref<4x128x32xf32, #tpu.memory_space<vmem>>, vector<1x1x16xf32>,
        %get3A_396 = vector.shape_cast %get3A_395 : vector<1x1x16xf32> to vector<16xf32>
        %swap3A_397 = arith.index_cast %scan3A_379 : i32 to index
        %swap3A_398 = arith.constant 16 : index
        %swap3A_399 = tpu.vector_load %arg6[%swap3A_397, %swap3A_398] {strides = array<i32>} : memref<128x32xf32, #tpu.memory_space<vmem>>, vector<1x16xf32>,
        %swap3A_400 = vector.shape_cast %swap3A_399 : vector<1x16xf32> to vector<16xf32>
        %swap3A_401 = vector.shape_cast %get3A_396 : vector<16xf32> to vector<1x16xf32>
        tpu.vector_store %arg6[%swap3A_397, %swap3A_398], %swap3A_401 {add = true, strides = array<i32>} : memref<128x32xf32, #tpu.memory_space<vmem>>, vector<1x16xf32>,
        %scan3A_402 = arith.constant 0 : i32
        %scan3A_403 = arith.constant 5 : i32
        %scan3A_404 = arith.addi %scan3A_280, %scan3A_403 : i32
        %get3A_405 = arith.constant 0 : i32
        %get3A_406 = arith.index_cast %get3A_405 : i32 to index
        %get3A_407 = arith.index_cast %scan3A_404 : i32 to index
        %get3A_408 = arith.constant 0 : index
        %get3A_409 = tpu.vector_load %arg7[%get3A_406, %get3A_407, %get3A_408] {strides = array<i32>} : memref<4x128x32xf32, #tpu.memory_space<vmem>>, vector<1x1x16xf32>,
        %get3A_410 = vector.shape_cast %get3A_409 : vector<1x1x16xf32> to vector<16xf32>
        %swap3A_411 = arith.index_cast %scan3A_404 : i32 to index
        %swap3A_412 = arith.constant 0 : index
        %swap3A_413 = tpu.vector_load %arg6[%swap3A_411, %swap3A_412] {strides = array<i32>} : memref<128x32xf32, #tpu.memory_space<vmem>>, vector<1x16xf32>,
        %swap3A_414 = vector.shape_cast %swap3A_413 : vector<1x16xf32> to vector<16xf32>
        %swap3A_415 = vector.shape_cast %get3A_410 : vector<16xf32> to vector<1x16xf32>
        tpu.vector_store %arg6[%swap3A_411, %swap3A_412], %swap3A_415 {add = true, strides = array<i32>} : memref<128x32xf32, #tpu.memory_space<vmem>>, vector<1x16xf32>,
        %get3A_416 = arith.constant 0 : i32
        %get3A_417 = arith.index_cast %get3A_416 : i32 to index
        %get3A_418 = arith.index_cast %scan3A_404 : i32 to index
        %get3A_419 = arith.constant 16 : index
        %get3A_420 = tpu.vector_load %arg7[%get3A_417, %get3A_418, %get3A_419] {strides = array<i32>} : memref<4x128x32xf32, #tpu.memory_space<vmem>>, vector<1x1x16xf32>,
        %get3A_421 = vector.shape_cast %get3A_420 : vector<1x1x16xf32> to vector<16xf32>
        %swap3A_422 = arith.index_cast %scan3A_404 : i32 to index
        %swap3A_423 = arith.constant 16 : index
        %swap3A_424 = tpu.vector_load %arg6[%swap3A_422, %swap3A_423] {strides = array<i32>} : memref<128x32xf32, #tpu.memory_space<vmem>>, vector<1x16xf32>,
        %swap3A_425 = vector.shape_cast %swap3A_424 : vector<1x16xf32> to vector<16xf32>
        %swap3A_426 = vector.shape_cast %get3A_421 : vector<16xf32> to vector<1x16xf32>
        tpu.vector_store %arg6[%swap3A_422, %swap3A_423], %swap3A_426 {add = true, strides = array<i32>} : memref<128x32xf32, #tpu.memory_space<vmem>>, vector<1x16xf32>,
        %scan3A_427 = arith.constant 0 : i32
        %scan3A_428 = arith.constant 6 : i32
        %scan3A_429 = arith.addi %scan3A_280, %scan3A_428 : i32
        %get3A_430 = arith.constant 0 : i32
        %get3A_431 = arith.index_cast %get3A_430 : i32 to index
        %get3A_432 = arith.index_cast %scan3A_429 : i32 to index
        %get3A_433 = arith.constant 0 : index
        %get3A_434 = tpu.vector_load %arg7[%get3A_431, %get3A_432, %get3A_433] {strides = array<i32>} : memref<4x128x32xf32, #tpu.memory_space<vmem>>, vector<1x1x16xf32>,
        %get3A_435 = vector.shape_cast %get3A_434 : vector<1x1x16xf32> to vector<16xf32>
        %swap3A_436 = arith.index_cast %scan3A_429 : i32 to index
        %swap3A_437 = arith.constant 0 : index
        %swap3A_438 = tpu.vector_load %arg6[%swap3A_436, %swap3A_437] {strides = array<i32>} : memref<128x32xf32, #tpu.memory_space<vmem>>, vector<1x16xf32>,
        %swap3A_439 = vector.shape_cast %swap3A_438 : vector<1x16xf32> to vector<16xf32>
        %swap3A_440 = vector.shape_cast %get3A_435 : vector<16xf32> to vector<1x16xf32>
        tpu.vector_store %arg6[%swap3A_436, %swap3A_437], %swap3A_440 {add = true, strides = array<i32>} : memref<128x32xf32, #tpu.memory_space<vmem>>, vector<1x16xf32>,
        %get3A_441 = arith.constant 0 : i32
        %get3A_442 = arith.index_cast %get3A_441 : i32 to index
        %get3A_443 = arith.index_cast %scan3A_429 : i32 to index
        %get3A_444 = arith.constant 16 : index
        %get3A_445 = tpu.vector_load %arg7[%get3A_442, %get3A_443, %get3A_444] {strides = array<i32>} : memref<4x128x32xf32, #tpu.memory_space<vmem>>, vector<1x1x16xf32>,
        %get3A_446 = vector.shape_cast %get3A_445 : vector<1x1x16xf32> to vector<16xf32>
        %swap3A_447 = arith.index_cast %scan3A_429 : i32 to index
        %swap3A_448 = arith.constant 16 : index
        %swap3A_449 = tpu.vector_load %arg6[%swap3A_447, %swap3A_448] {strides = array<i32>} : memref<128x32xf32, #tpu.memory_space<vmem>>, vector<1x16xf32>,
        %swap3A_450 = vector.shape_cast %swap3A_449 : vector<1x16xf32> to vector<16xf32>
        %swap3A_451 = vector.shape_cast %get3A_446 : vector<16xf32> to vector<1x16xf32>
        tpu.vector_store %arg6[%swap3A_447, %swap3A_448], %swap3A_451 {add = true, strides = array<i32>} : memref<128x32xf32, #tpu.memory_space<vmem>>, vector<1x16xf32>,
        %scan3A_452 = arith.constant 0 : i32
        %scan3A_453 = arith.constant 7 : i32
        %scan3A_454 = arith.addi %scan3A_280, %scan3A_453 : i32
        %get3A_455 = arith.constant 0 : i32
        %get3A_456 = arith.index_cast %get3A_455 : i32 to index
        %get3A_457 = arith.index_cast %scan3A_454 : i32 to index
        %get3A_458 = arith.constant 0 : index
        %get3A_459 = tpu.vector_load %arg7[%get3A_456, %get3A_457, %get3A_458] {strides = array<i32>} : memref<4x128x32xf32, #tpu.memory_space<vmem>>, vector<1x1x16xf32>,
        %get3A_460 = vector.shape_cast %get3A_459 : vector<1x1x16xf32> to vector<16xf32>
        %swap3A_461 = arith.index_cast %scan3A_454 : i32 to index
        %swap3A_462 = arith.constant 0 : index
        %swap3A_463 = tpu.vector_load %arg6[%swap3A_461, %swap3A_462] {strides = array<i32>} : memref<128x32xf32, #tpu.memory_space<vmem>>, vector<1x16xf32>,
        %swap3A_464 = vector.shape_cast %swap3A_463 : vector<1x16xf32> to vector<16xf32>
        %swap3A_465 = vector.shape_cast %get3A_460 : vector<16xf32> to vector<1x16xf32>
        tpu.vector_store %arg6[%swap3A_461, %swap3A_462], %swap3A_465 {add = true, strides = array<i32>} : memref<128x32xf32, #tpu.memory_space<vmem>>, vector<1x16xf32>,
        %get3A_466 = arith.constant 0 : i32
        %get3A_467 = arith.index_cast %get3A_466 : i32 to index
        %get3A_468 = arith.index_cast %scan3A_454 : i32 to index
        %get3A_469 = arith.constant 16 : index
        %get3A_470 = tpu.vector_load %arg7[%get3A_467, %get3A_468, %get3A_469] {strides = array<i32>} : memref<4x128x32xf32, #tpu.memory_space<vmem>>, vector<1x1x16xf32>,
        %get3A_471 = vector.shape_cast %get3A_470 : vector<1x1x16xf32> to vector<16xf32>
        %swap3A_472 = arith.index_cast %scan3A_454 : i32 to index
        %swap3A_473 = arith.constant 16 : index
        %swap3A_474 = tpu.vector_load %arg6[%swap3A_472, %swap3A_473] {strides = array<i32>} : memref<128x32xf32, #tpu.memory_space<vmem>>, vector<1x16xf32>,
        %swap3A_475 = vector.shape_cast %swap3A_474 : vector<1x16xf32> to vector<16xf32>
        %swap3A_476 = vector.shape_cast %get3A_471 : vector<16xf32> to vector<1x16xf32>
        tpu.vector_store %arg6[%swap3A_472, %swap3A_473], %swap3A_476 {add = true, strides = array<i32>} : memref<128x32xf32, #tpu.memory_space<vmem>>, vector<1x16xf32>,
        %scan3A_477 = arith.constant 0 : i32
        scf.yield %scan3A_477 : i32
      }
      %scan3A_161 = arith.constant 128 : i32
      %add3A_162 = arith.constant 4 : i32
      %add3A_163 = arith.addi %mul3A_142, %add3A_162 : i32
      %add3A_164 = arith.constant 0 : i32
      %add3A_165 = arith.addi %add3A_163, %add3A_164 : i32
      %dma_start3A_166 = arith.constant 0 : i32
      %dma_start3A_167 = arith.constant 0 : i32
      %dma_start3A_168 = arith.constant 0 : i32
      %dma_start3A_169 = tpu.memref_slice %arg7[%dma_start3A_166, %dma_start3A_167, %dma_start3A_168] : memref<4x128x32xf32, #tpu.memory_space<vmem>> -> memref<1x128x32xf32, #tpu.memory_space<vmem>>
      %dma_start3A_170 = tpu.memref_squeeze %dma_start3A_169 : memref<1x128x32xf32, #tpu.memory_space<vmem>> -> memref<128x32xf32, #tpu.memory_space<vmem>>
      %dma_start3A_171 = arith.constant 0 : i32
      %dma_start3A_172 = tpu.memref_slice %arg5[%add3A_165, %dma_start3A_171] : memref<200x128xi32, #tpu.memory_space<vmem>> -> memref<1x128xi32, #tpu.memory_space<vmem>>
      %dma_start3A_173 = tpu.memref_squeeze %dma_start3A_172 : memref<1x128xi32, #tpu.memory_space<vmem>> -> memref<128xi32, #tpu.memory_space<vmem>>
      %dma_start3A_174 = arith.constant 0 : i32
      %dma_start3A_175 = arith.constant 0 : i32
      %dma_start3A_176 = tpu.memref_slice %arg3[%dma_start3A_174, %dma_start3A_175] : memref<1000064x32xf32, #tpu.memory_space<hbm>> -> memref<1000064x32xf32, #tpu.memory_space<hbm>>
      tpu.enqueue_indirect_dma source(%dma_start3A_176 : memref<1000064x32xf32, #tpu.memory_space<hbm>>) target(%dma_start3A_170 : memref<128x32xf32, #tpu.memory_space<vmem>>) offsets(%dma_start3A_173 : memref<128xi32, #tpu.memory_space<vmem>>) semaphore(%arg8 : memref<!tpu.dma_semaphore, #tpu.memory_space<semaphore_mem>>)
      %dma_wait3A_177 = arith.constant 0 : i32
      %dma_wait3A_178 = arith.constant 1 : i32
      %dma_wait3A_179 = arith.constant 0 : i32
      %dma_wait3A_180 = arith.constant 0 : i32
      %dma_wait3A_181 = tpu.memref_slice %arg7[%dma_wait3A_178, %dma_wait3A_179, %dma_wait3A_180] : memref<4x128x32xf32, #tpu.memory_space<vmem>> -> memref<1x128x32xf32, #tpu.memory_space<vmem>>
      %dma_wait3A_182 = tpu.memref_squeeze %dma_wait3A_181 : memref<1x128x32xf32, #tpu.memory_space<vmem>> -> memref<128x32xf32, #tpu.memory_space<vmem>>
      %dma_wait3A_183 = arith.constant 0 : i32
      %dma_wait3A_184 = tpu.memref_slice %arg5[%dma_wait3A_177, %dma_wait3A_183] : memref<200x128xi32, #tpu.memory_space<vmem>> -> memref<1x128xi32, #tpu.memory_space<vmem>>
      %dma_wait3A_185 = tpu.memref_squeeze %dma_wait3A_184 : memref<1x128xi32, #tpu.memory_space<vmem>> -> memref<128xi32, #tpu.memory_space<vmem>>
      %dma_wait3A_186 = arith.constant 0 : i32
      %dma_wait3A_187 = arith.constant 0 : i32
      %dma_wait3A_188 = tpu.memref_slice %arg3[%dma_wait3A_186, %dma_wait3A_187] : memref<1000064x32xf32, #tpu.memory_space<hbm>> -> memref<1000064x32xf32, #tpu.memory_space<hbm>>
      tpu.wait_indirect_dma semaphore(%arg9 : memref<!tpu.dma_semaphore, #tpu.memory_space<semaphore_mem>>) src(%dma_wait3A_188 : memref<1000064x32xf32, #tpu.memory_space<hbm>>) dst(%dma_wait3A_182 : memref<128x32xf32, #tpu.memory_space<vmem>>)
      %scan3A_189 = arith.constant 0 : i32
      %scan3A_190 = arith.constant 0 : i32
      %scan3A_191 = arith.constant 128 : i32
      %scan3A_192 = arith.addi %scan3A_190, %scan3A_191 : i32
      %scan3A_193 = arith.constant 8 : i32
      %scan3A_194 = scf.for %scan3A_280 = %scan3A_190 to %scan3A_192 step %scan3A_193 iter_args(%scan3A_281 = %scan3A_189) -> (i32)  : i32 {
        %get3A = arith.constant 1 : i32
        %get3A_282 = arith.index_cast %get3A : i32 to index
        %get3A_283 = arith.index_cast %scan3A_280 : i32 to index
        %get3A_284 = arith.constant 0 : index
        %get3A_285 = tpu.vector_load %arg7[%get3A_282, %get3A_283, %get3A_284] {strides = array<i32>} : memref<4x128x32xf32, #tpu.memory_space<vmem>>, vector<1x1x16xf32>,
        %get3A_286 = vector.shape_cast %get3A_285 : vector<1x1x16xf32> to vector<16xf32>
        %swap3A = arith.index_cast %scan3A_280 : i32 to index
        %swap3A_287 = arith.constant 0 : index
        %swap3A_288 = tpu.vector_load %arg6[%swap3A, %swap3A_287] {strides = array<i32>} : memref<128x32xf32, #tpu.memory_space<vmem>>, vector<1x16xf32>,
        %swap3A_289 = vector.shape_cast %swap3A_288 : vector<1x16xf32> to vector<16xf32>
        %swap3A_290 = vector.shape_cast %get3A_286 : vector<16xf32> to vector<1x16xf32>
        tpu.vector_store %arg6[%swap3A, %swap3A_287], %swap3A_290 {add = true, strides = array<i32>} : memref<128x32xf32, #tpu.memory_space<vmem>>, vector<1x16xf32>,
        %get3A_291 = arith.constant 1 : i32
        %get3A_292 = arith.index_cast %get3A_291 : i32 to index
        %get3A_293 = arith.index_cast %scan3A_280 : i32 to index
        %get3A_294 = arith.constant 16 : index
        %get3A_295 = tpu.vector_load %arg7[%get3A_292, %get3A_293, %get3A_294] {strides = array<i32>} : memref<4x128x32xf32, #tpu.memory_space<vmem>>, vector<1x1x16xf32>,
        %get3A_296 = vector.shape_cast %get3A_295 : vector<1x1x16xf32> to vector<16xf32>
        %swap3A_297 = arith.index_cast %scan3A_280 : i32 to index
        %swap3A_298 = arith.constant 16 : index
        %swap3A_299 = tpu.vector_load %arg6[%swap3A_297, %swap3A_298] {strides = array<i32>} : memref<128x32xf32, #tpu.memory_space<vmem>>, vector<1x16xf32>,
        %swap3A_300 = vector.shape_cast %swap3A_299 : vector<1x16xf32> to vector<16xf32>
        %swap3A_301 = vector.shape_cast %get3A_296 : vector<16xf32> to vector<1x16xf32>
        tpu.vector_store %arg6[%swap3A_297, %swap3A_298], %swap3A_301 {add = true, strides = array<i32>} : memref<128x32xf32, #tpu.memory_space<vmem>>, vector<1x16xf32>,
        %scan3A_302 = arith.constant 0 : i32
        %scan3A_303 = arith.constant 1 : i32
        %scan3A_304 = arith.addi %scan3A_280, %scan3A_303 : i32
        %get3A_305 = arith.constant 1 : i32
        %get3A_306 = arith.index_cast %get3A_305 : i32 to index
        %get3A_307 = arith.index_cast %scan3A_304 : i32 to index
        %get3A_308 = arith.constant 0 : index
        %get3A_309 = tpu.vector_load %arg7[%get3A_306, %get3A_307, %get3A_308] {strides = array<i32>} : memref<4x128x32xf32, #tpu.memory_space<vmem>>, vector<1x1x16xf32>,
        %get3A_310 = vector.shape_cast %get3A_309 : vector<1x1x16xf32> to vector<16xf32>
        %swap3A_311 = arith.index_cast %scan3A_304 : i32 to index
        %swap3A_312 = arith.constant 0 : index
        %swap3A_313 = tpu.vector_load %arg6[%swap3A_311, %swap3A_312] {strides = array<i32>} : memref<128x32xf32, #tpu.memory_space<vmem>>, vector<1x16xf32>,
        %swap3A_314 = vector.shape_cast %swap3A_313 : vector<1x16xf32> to vector<16xf32>
        %swap3A_315 = vector.shape_cast %get3A_310 : vector<16xf32> to vector<1x16xf32>
        tpu.vector_store %arg6[%swap3A_311, %swap3A_312], %swap3A_315 {add = true, strides = array<i32>} : memref<128x32xf32, #tpu.memory_space<vmem>>, vector<1x16xf32>,
        %get3A_316 = arith.constant 1 : i32
        %get3A_317 = arith.index_cast %get3A_316 : i32 to index
        %get3A_318 = arith.index_cast %scan3A_304 : i32 to index
        %get3A_319 = arith.constant 16 : index
        %get3A_320 = tpu.vector_load %arg7[%get3A_317, %get3A_318, %get3A_319] {strides = array<i32>} : memref<4x128x32xf32, #tpu.memory_space<vmem>>, vector<1x1x16xf32>,
        %get3A_321 = vector.shape_cast %get3A_320 : vector<1x1x16xf32> to vector<16xf32>
        %swap3A_322 = arith.index_cast %scan3A_304 : i32 to index
        %swap3A_323 = arith.constant 16 : index
        %swap3A_324 = tpu.vector_load %arg6[%swap3A_322, %swap3A_323] {strides = array<i32>} : memref<128x32xf32, #tpu.memory_space<vmem>>, vector<1x16xf32>,
        %swap3A_325 = vector.shape_cast %swap3A_324 : vector<1x16xf32> to vector<16xf32>
        %swap3A_326 = vector.shape_cast %get3A_321 : vector<16xf32> to vector<1x16xf32>
        tpu.vector_store %arg6[%swap3A_322, %swap3A_323], %swap3A_326 {add = true, strides = array<i32>} : memref<128x32xf32, #tpu.memory_space<vmem>>, vector<1x16xf32>,
        %scan3A_327 = arith.constant 0 : i32
        %scan3A_328 = arith.constant 2 : i32
        %scan3A_329 = arith.addi %scan3A_280, %scan3A_328 : i32
        %get3A_330 = arith.constant 1 : i32
        %get3A_331 = arith.index_cast %get3A_330 : i32 to index
        %get3A_332 = arith.index_cast %scan3A_329 : i32 to index
        %get3A_333 = arith.constant 0 : index
        %get3A_334 = tpu.vector_load %arg7[%get3A_331, %get3A_332, %get3A_333] {strides = array<i32>} : memref<4x128x32xf32, #tpu.memory_space<vmem>>, vector<1x1x16xf32>,
        %get3A_335 = vector.shape_cast %get3A_334 : vector<1x1x16xf32> to vector<16xf32>
        %swap3A_336 = arith.index_cast %scan3A_329 : i32 to index
        %swap3A_337 = arith.constant 0 : index
        %swap3A_338 = tpu.vector_load %arg6[%swap3A_336, %swap3A_337] {strides = array<i32>} : memref<128x32xf32, #tpu.memory_space<vmem>>, vector<1x16xf32>,
        %swap3A_339 = vector.shape_cast %swap3A_338 : vector<1x16xf32> to vector<16xf32>
        %swap3A_340 = vector.shape_cast %get3A_335 : vector<16xf32> to vector<1x16xf32>
        tpu.vector_store %arg6[%swap3A_336, %swap3A_337], %swap3A_340 {add = true, strides = array<i32>} : memref<128x32xf32, #tpu.memory_space<vmem>>, vector<1x16xf32>,
        %get3A_341 = arith.constant 1 : i32
        %get3A_342 = arith.index_cast %get3A_341 : i32 to index
        %get3A_343 = arith.index_cast %scan3A_329 : i32 to index
        %get3A_344 = arith.constant 16 : index
        %get3A_345 = tpu.vector_load %arg7[%get3A_342, %get3A_343, %get3A_344] {strides = array<i32>} : memref<4x128x32xf32, #tpu.memory_space<vmem>>, vector<1x1x16xf32>,
        %get3A_346 = vector.shape_cast %get3A_345 : vector<1x1x16xf32> to vector<16xf32>
        %swap3A_347 = arith.index_cast %scan3A_329 : i32 to index
        %swap3A_348 = arith.constant 16 : index
        %swap3A_349 = tpu.vector_load %arg6[%swap3A_347, %swap3A_348] {strides = array<i32>} : memref<128x32xf32, #tpu.memory_space<vmem>>, vector<1x16xf32>,
        %swap3A_350 = vector.shape_cast %swap3A_349 : vector<1x16xf32> to vector<16xf32>
        %swap3A_351 = vector.shape_cast %get3A_346 : vector<16xf32> to vector<1x16xf32>
        tpu.vector_store %arg6[%swap3A_347, %swap3A_348], %swap3A_351 {add = true, strides = array<i32>} : memref<128x32xf32, #tpu.memory_space<vmem>>, vector<1x16xf32>,
        %scan3A_352 = arith.constant 0 : i32
        %scan3A_353 = arith.constant 3 : i32
        %scan3A_354 = arith.addi %scan3A_280, %scan3A_353 : i32
        %get3A_355 = arith.constant 1 : i32
        %get3A_356 = arith.index_cast %get3A_355 : i32 to index
        %get3A_357 = arith.index_cast %scan3A_354 : i32 to index
        %get3A_358 = arith.constant 0 : index
        %get3A_359 = tpu.vector_load %arg7[%get3A_356, %get3A_357, %get3A_358] {strides = array<i32>} : memref<4x128x32xf32, #tpu.memory_space<vmem>>, vector<1x1x16xf32>,
        %get3A_360 = vector.shape_cast %get3A_359 : vector<1x1x16xf32> to vector<16xf32>
        %swap3A_361 = arith.index_cast %scan3A_354 : i32 to index
        %swap3A_362 = arith.constant 0 : index
        %swap3A_363 = tpu.vector_load %arg6[%swap3A_361, %swap3A_362] {strides = array<i32>} : memref<128x32xf32, #tpu.memory_space<vmem>>, vector<1x16xf32>,
        %swap3A_364 = vector.shape_cast %swap3A_363 : vector<1x16xf32> to vector<16xf32>
        %swap3A_365 = vector.shape_cast %get3A_360 : vector<16xf32> to vector<1x16xf32>
        tpu.vector_store %arg6[%swap3A_361, %swap3A_362], %swap3A_365 {add = true, strides = array<i32>} : memref<128x32xf32, #tpu.memory_space<vmem>>, vector<1x16xf32>,
        %get3A_366 = arith.constant 1 : i32
        %get3A_367 = arith.index_cast %get3A_366 : i32 to index
        %get3A_368 = arith.index_cast %scan3A_354 : i32 to index
        %get3A_369 = arith.constant 16 : index
        %get3A_370 = tpu.vector_load %arg7[%get3A_367, %get3A_368, %get3A_369] {strides = array<i32>} : memref<4x128x32xf32, #tpu.memory_space<vmem>>, vector<1x1x16xf32>,
        %get3A_371 = vector.shape_cast %get3A_370 : vector<1x1x16xf32> to vector<16xf32>
        %swap3A_372 = arith.index_cast %scan3A_354 : i32 to index
        %swap3A_373 = arith.constant 16 : index
        %swap3A_374 = tpu.vector_load %arg6[%swap3A_372, %swap3A_373] {strides = array<i32>} : memref<128x32xf32, #tpu.memory_space<vmem>>, vector<1x16xf32>,
        %swap3A_375 = vector.shape_cast %swap3A_374 : vector<1x16xf32> to vector<16xf32>
        %swap3A_376 = vector.shape_cast %get3A_371 : vector<16xf32> to vector<1x16xf32>
        tpu.vector_store %arg6[%swap3A_372, %swap3A_373], %swap3A_376 {add = true, strides = array<i32>} : memref<128x32xf32, #tpu.memory_space<vmem>>, vector<1x16xf32>,
        %scan3A_377 = arith.constant 0 : i32
        %scan3A_378 = arith.constant 4 : i32
        %scan3A_379 = arith.addi %scan3A_280, %scan3A_378 : i32
        %get3A_380 = arith.constant 1 : i32
        %get3A_381 = arith.index_cast %get3A_380 : i32 to index
        %get3A_382 = arith.index_cast %scan3A_379 : i32 to index
        %get3A_383 = arith.constant 0 : index
        %get3A_384 = tpu.vector_load %arg7[%get3A_381, %get3A_382, %get3A_383] {strides = array<i32>} : memref<4x128x32xf32, #tpu.memory_space<vmem>>, vector<1x1x16xf32>,
        %get3A_385 = vector.shape_cast %get3A_384 : vector<1x1x16xf32> to vector<16xf32>
        %swap3A_386 = arith.index_cast %scan3A_379 : i32 to index
        %swap3A_387 = arith.constant 0 : index
        %swap3A_388 = tpu.vector_load %arg6[%swap3A_386, %swap3A_387] {strides = array<i32>} : memref<128x32xf32, #tpu.memory_space<vmem>>, vector<1x16xf32>,
        %swap3A_389 = vector.shape_cast %swap3A_388 : vector<1x16xf32> to vector<16xf32>
        %swap3A_390 = vector.shape_cast %get3A_385 : vector<16xf32> to vector<1x16xf32>
        tpu.vector_store %arg6[%swap3A_386, %swap3A_387], %swap3A_390 {add = true, strides = array<i32>} : memref<128x32xf32, #tpu.memory_space<vmem>>, vector<1x16xf32>,
        %get3A_391 = arith.constant 1 : i32
        %get3A_392 = arith.index_cast %get3A_391 : i32 to index
        %get3A_393 = arith.index_cast %scan3A_379 : i32 to index
        %get3A_394 = arith.constant 16 : index
        %get3A_395 = tpu.vector_load %arg7[%get3A_392, %get3A_393, %get3A_394] {strides = array<i32>} : memref<4x128x32xf32, #tpu.memory_space<vmem>>, vector<1x1x16xf32>,
        %get3A_396 = vector.shape_cast %get3A_395 : vector<1x1x16xf32> to vector<16xf32>
        %swap3A_397 = arith.index_cast %scan3A_379 : i32 to index
        %swap3A_398 = arith.constant 16 : index
        %swap3A_399 = tpu.vector_load %arg6[%swap3A_397, %swap3A_398] {strides = array<i32>} : memref<128x32xf32, #tpu.memory_space<vmem>>, vector<1x16xf32>,
        %swap3A_400 = vector.shape_cast %swap3A_399 : vector<1x16xf32> to vector<16xf32>
        %swap3A_401 = vector.shape_cast %get3A_396 : vector<16xf32> to vector<1x16xf32>
        tpu.vector_store %arg6[%swap3A_397, %swap3A_398], %swap3A_401 {add = true, strides = array<i32>} : memref<128x32xf32, #tpu.memory_space<vmem>>, vector<1x16xf32>,
        %scan3A_402 = arith.constant 0 : i32
        %scan3A_403 = arith.constant 5 : i32
        %scan3A_404 = arith.addi %scan3A_280, %scan3A_403 : i32
        %get3A_405 = arith.constant 1 : i32
        %get3A_406 = arith.index_cast %get3A_405 : i32 to index
        %get3A_407 = arith.index_cast %scan3A_404 : i32 to index
        %get3A_408 = arith.constant 0 : index
        %get3A_409 = tpu.vector_load %arg7[%get3A_406, %get3A_407, %get3A_408] {strides = array<i32>} : memref<4x128x32xf32, #tpu.memory_space<vmem>>, vector<1x1x16xf32>,
        %get3A_410 = vector.shape_cast %get3A_409 : vector<1x1x16xf32> to vector<16xf32>
        %swap3A_411 = arith.index_cast %scan3A_404 : i32 to index
        %swap3A_412 = arith.constant 0 : index
        %swap3A_413 = tpu.vector_load %arg6[%swap3A_411, %swap3A_412] {strides = array<i32>} : memref<128x32xf32, #tpu.memory_space<vmem>>, vector<1x16xf32>,
        %swap3A_414 = vector.shape_cast %swap3A_413 : vector<1x16xf32> to vector<16xf32>
        %swap3A_415 = vector.shape_cast %get3A_410 : vector<16xf32> to vector<1x16xf32>
        tpu.vector_store %arg6[%swap3A_411, %swap3A_412], %swap3A_415 {add = true, strides = array<i32>} : memref<128x32xf32, #tpu.memory_space<vmem>>, vector<1x16xf32>,
        %get3A_416 = arith.constant 1 : i32
        %get3A_417 = arith.index_cast %get3A_416 : i32 to index
        %get3A_418 = arith.index_cast %scan3A_404 : i32 to index
        %get3A_419 = arith.constant 16 : index
        %get3A_420 = tpu.vector_load %arg7[%get3A_417, %get3A_418, %get3A_419] {strides = array<i32>} : memref<4x128x32xf32, #tpu.memory_space<vmem>>, vector<1x1x16xf32>,
        %get3A_421 = vector.shape_cast %get3A_420 : vector<1x1x16xf32> to vector<16xf32>
        %swap3A_422 = arith.index_cast %scan3A_404 : i32 to index
        %swap3A_423 = arith.constant 16 : index
        %swap3A_424 = tpu.vector_load %arg6[%swap3A_422, %swap3A_423] {strides = array<i32>} : memref<128x32xf32, #tpu.memory_space<vmem>>, vector<1x16xf32>,
        %swap3A_425 = vector.shape_cast %swap3A_424 : vector<1x16xf32> to vector<16xf32>
        %swap3A_426 = vector.shape_cast %get3A_421 : vector<16xf32> to vector<1x16xf32>
        tpu.vector_store %arg6[%swap3A_422, %swap3A_423], %swap3A_426 {add = true, strides = array<i32>} : memref<128x32xf32, #tpu.memory_space<vmem>>, vector<1x16xf32>,
        %scan3A_427 = arith.constant 0 : i32
        %scan3A_428 = arith.constant 6 : i32
        %scan3A_429 = arith.addi %scan3A_280, %scan3A_428 : i32
        %get3A_430 = arith.constant 1 : i32
        %get3A_431 = arith.index_cast %get3A_430 : i32 to index
        %get3A_432 = arith.index_cast %scan3A_429 : i32 to index
        %get3A_433 = arith.constant 0 : index
        %get3A_434 = tpu.vector_load %arg7[%get3A_431, %get3A_432, %get3A_433] {strides = array<i32>} : memref<4x128x32xf32, #tpu.memory_space<vmem>>, vector<1x1x16xf32>,
        %get3A_435 = vector.shape_cast %get3A_434 : vector<1x1x16xf32> to vector<16xf32>
        %swap3A_436 = arith.index_cast %scan3A_429 : i32 to index
        %swap3A_437 = arith.constant 0 : index
        %swap3A_438 = tpu.vector_load %arg6[%swap3A_436, %swap3A_437] {strides = array<i32>} : memref<128x32xf32, #tpu.memory_space<vmem>>, vector<1x16xf32>,
        %swap3A_439 = vector.shape_cast %swap3A_438 : vector<1x16xf32> to vector<16xf32>
        %swap3A_440 = vector.shape_cast %get3A_435 : vector<16xf32> to vector<1x16xf32>
        tpu.vector_store %arg6[%swap3A_436, %swap3A_437], %swap3A_440 {add = true, strides = array<i32>} : memref<128x32xf32, #tpu.memory_space<vmem>>, vector<1x16xf32>,
        %get3A_441 = arith.constant 1 : i32
        %get3A_442 = arith.index_cast %get3A_441 : i32 to index
        %get3A_443 = arith.index_cast %scan3A_429 : i32 to index
        %get3A_444 = arith.constant 16 : index
        %get3A_445 = tpu.vector_load %arg7[%get3A_442, %get3A_443, %get3A_444] {strides = array<i32>} : memref<4x128x32xf32, #tpu.memory_space<vmem>>, vector<1x1x16xf32>,
        %get3A_446 = vector.shape_cast %get3A_445 : vector<1x1x16xf32> to vector<16xf32>
        %swap3A_447 = arith.index_cast %scan3A_429 : i32 to index
        %swap3A_448 = arith.constant 16 : index
        %swap3A_449 = tpu.vector_load %arg6[%swap3A_447, %swap3A_448] {strides = array<i32>} : memref<128x32xf32, #tpu.memory_space<vmem>>, vector<1x16xf32>,
        %swap3A_450 = vector.shape_cast %swap3A_449 : vector<1x16xf32> to vector<16xf32>
        %swap3A_451 = vector.shape_cast %get3A_446 : vector<16xf32> to vector<1x16xf32>
        tpu.vector_store %arg6[%swap3A_447, %swap3A_448], %swap3A_451 {add = true, strides = array<i32>} : memref<128x32xf32, #tpu.memory_space<vmem>>, vector<1x16xf32>,
        %scan3A_452 = arith.constant 0 : i32
        %scan3A_453 = arith.constant 7 : i32
        %scan3A_454 = arith.addi %scan3A_280, %scan3A_453 : i32
        %get3A_455 = arith.constant 1 : i32
        %get3A_456 = arith.index_cast %get3A_455 : i32 to index
        %get3A_457 = arith.index_cast %scan3A_454 : i32 to index
        %get3A_458 = arith.constant 0 : index
        %get3A_459 = tpu.vector_load %arg7[%get3A_456, %get3A_457, %get3A_458] {strides = array<i32>} : memref<4x128x32xf32, #tpu.memory_space<vmem>>, vector<1x1x16xf32>,
        %get3A_460 = vector.shape_cast %get3A_459 : vector<1x1x16xf32> to vector<16xf32>
        %swap3A_461 = arith.index_cast %scan3A_454 : i32 to index
        %swap3A_462 = arith.constant 0 : index
        %swap3A_463 = tpu.vector_load %arg6[%swap3A_461, %swap3A_462] {strides = array<i32>} : memref<128x32xf32, #tpu.memory_space<vmem>>, vector<1x16xf32>,
        %swap3A_464 = vector.shape_cast %swap3A_463 : vector<1x16xf32> to vector<16xf32>
        %swap3A_465 = vector.shape_cast %get3A_460 : vector<16xf32> to vector<1x16xf32>
        tpu.vector_store %arg6[%swap3A_461, %swap3A_462], %swap3A_465 {add = true, strides = array<i32>} : memref<128x32xf32, #tpu.memory_space<vmem>>, vector<1x16xf32>,
        %get3A_466 = arith.constant 1 : i32
        %get3A_467 = arith.index_cast %get3A_466 : i32 to index
        %get3A_468 = arith.index_cast %scan3A_454 : i32 to index
        %get3A_469 = arith.constant 16 : index
        %get3A_470 = tpu.vector_load %arg7[%get3A_467, %get3A_468, %get3A_469] {strides = array<i32>} : memref<4x128x32xf32, #tpu.memory_space<vmem>>, vector<1x1x16xf32>,
        %get3A_471 = vector.shape_cast %get3A_470 : vector<1x1x16xf32> to vector<16xf32>
        %swap3A_472 = arith.index_cast %scan3A_454 : i32 to index
        %swap3A_473 = arith.constant 16 : index
        %swap3A_474 = tpu.vector_load %arg6[%swap3A_472, %swap3A_473] {strides = array<i32>} : memref<128x32xf32, #tpu.memory_space<vmem>>, vector<1x16xf32>,
        %swap3A_475 = vector.shape_cast %swap3A_474 : vector<1x16xf32> to vector<16xf32>
        %swap3A_476 = vector.shape_cast %get3A_471 : vector<16xf32> to vector<1x16xf32>
        tpu.vector_store %arg6[%swap3A_472, %swap3A_473], %swap3A_476 {add = true, strides = array<i32>} : memref<128x32xf32, #tpu.memory_space<vmem>>, vector<1x16xf32>,
        %scan3A_477 = arith.constant 0 : i32
        scf.yield %scan3A_477 : i32
      }
      %scan3A_195 = arith.constant 128 : i32
      %add3A_196 = arith.constant 4 : i32
      %add3A_197 = arith.addi %mul3A_142, %add3A_196 : i32
      %add3A_198 = arith.constant 1 : i32
      %add3A_199 = arith.addi %add3A_197, %add3A_198 : i32
      %dma_start3A_200 = arith.constant 1 : i32
      %dma_start3A_201 = arith.constant 0 : i32
      %dma_start3A_202 = arith.constant 0 : i32
      %dma_start3A_203 = tpu.memref_slice %arg7[%dma_start3A_200, %dma_start3A_201, %dma_start3A_202] : memref<4x128x32xf32, #tpu.memory_space<vmem>> -> memref<1x128x32xf32, #tpu.memory_space<vmem>>
      %dma_start3A_204 = tpu.memref_squeeze %dma_start3A_203 : memref<1x128x32xf32, #tpu.memory_space<vmem>> -> memref<128x32xf32, #tpu.memory_space<vmem>>
      %dma_start3A_205 = arith.constant 0 : i32
      %dma_start3A_206 = tpu.memref_slice %arg5[%add3A_199, %dma_start3A_205] : memref<200x128xi32, #tpu.memory_space<vmem>> -> memref<1x128xi32, #tpu.memory_space<vmem>>
      %dma_start3A_207 = tpu.memref_squeeze %dma_start3A_206 : memref<1x128xi32, #tpu.memory_space<vmem>> -> memref<128xi32, #tpu.memory_space<vmem>>
      %dma_start3A_208 = arith.constant 0 : i32
      %dma_start3A_209 = arith.constant 0 : i32
      %dma_start3A_210 = tpu.memref_slice %arg3[%dma_start3A_208, %dma_start3A_209] : memref<1000064x32xf32, #tpu.memory_space<hbm>> -> memref<1000064x32xf32, #tpu.memory_space<hbm>>
      tpu.enqueue_indirect_dma source(%dma_start3A_210 : memref<1000064x32xf32, #tpu.memory_space<hbm>>) target(%dma_start3A_204 : memref<128x32xf32, #tpu.memory_space<vmem>>) offsets(%dma_start3A_207 : memref<128xi32, #tpu.memory_space<vmem>>) semaphore(%arg9 : memref<!tpu.dma_semaphore, #tpu.memory_space<semaphore_mem>>)
      %dma_wait3A_211 = arith.constant 0 : i32
      %dma_wait3A_212 = arith.constant 2 : i32
      %dma_wait3A_213 = arith.constant 0 : i32
      %dma_wait3A_214 = arith.constant 0 : i32
      %dma_wait3A_215 = tpu.memref_slice %arg7[%dma_wait3A_212, %dma_wait3A_213, %dma_wait3A_214] : memref<4x128x32xf32, #tpu.memory_space<vmem>> -> memref<1x128x32xf32, #tpu.memory_space<vmem>>
      %dma_wait3A_216 = tpu.memref_squeeze %dma_wait3A_215 : memref<1x128x32xf32, #tpu.memory_space<vmem>> -> memref<128x32xf32, #tpu.memory_space<vmem>>
      %dma_wait3A_217 = arith.constant 0 : i32
      %dma_wait3A_218 = tpu.memref_slice %arg5[%dma_wait3A_211, %dma_wait3A_217] : memref<200x128xi32, #tpu.memory_space<vmem>> -> memref<1x128xi32, #tpu.memory_space<vmem>>
      %dma_wait3A_219 = tpu.memref_squeeze %dma_wait3A_218 : memref<1x128xi32, #tpu.memory_space<vmem>> -> memref<128xi32, #tpu.memory_space<vmem>>
      %dma_wait3A_220 = arith.constant 0 : i32
      %dma_wait3A_221 = arith.constant 0 : i32
      %dma_wait3A_222 = tpu.memref_slice %arg3[%dma_wait3A_220, %dma_wait3A_221] : memref<1000064x32xf32, #tpu.memory_space<hbm>> -> memref<1000064x32xf32, #tpu.memory_space<hbm>>
      tpu.wait_indirect_dma semaphore(%arg10 : memref<!tpu.dma_semaphore, #tpu.memory_space<semaphore_mem>>) src(%dma_wait3A_222 : memref<1000064x32xf32, #tpu.memory_space<hbm>>) dst(%dma_wait3A_216 : memref<128x32xf32, #tpu.memory_space<vmem>>)
      %scan3A_223 = arith.constant 0 : i32
      %scan3A_224 = arith.constant 0 : i32
      %scan3A_225 = arith.constant 128 : i32
      %scan3A_226 = arith.addi %scan3A_224, %scan3A_225 : i32
      %scan3A_227 = arith.constant 8 : i32
      %scan3A_228 = scf.for %scan3A_280 = %scan3A_224 to %scan3A_226 step %scan3A_227 iter_args(%scan3A_281 = %scan3A_223) -> (i32)  : i32 {
        %get3A = arith.constant 2 : i32
        %get3A_282 = arith.index_cast %get3A : i32 to index
        %get3A_283 = arith.index_cast %scan3A_280 : i32 to index
        %get3A_284 = arith.constant 0 : index
        %get3A_285 = tpu.vector_load %arg7[%get3A_282, %get3A_283, %get3A_284] {strides = array<i32>} : memref<4x128x32xf32, #tpu.memory_space<vmem>>, vector<1x1x16xf32>,
        %get3A_286 = vector.shape_cast %get3A_285 : vector<1x1x16xf32> to vector<16xf32>
        %swap3A = arith.index_cast %scan3A_280 : i32 to index
        %swap3A_287 = arith.constant 0 : index
        %swap3A_288 = tpu.vector_load %arg6[%swap3A, %swap3A_287] {strides = array<i32>} : memref<128x32xf32, #tpu.memory_space<vmem>>, vector<1x16xf32>,
        %swap3A_289 = vector.shape_cast %swap3A_288 : vector<1x16xf32> to vector<16xf32>
        %swap3A_290 = vector.shape_cast %get3A_286 : vector<16xf32> to vector<1x16xf32>
        tpu.vector_store %arg6[%swap3A, %swap3A_287], %swap3A_290 {add = true, strides = array<i32>} : memref<128x32xf32, #tpu.memory_space<vmem>>, vector<1x16xf32>,
        %get3A_291 = arith.constant 2 : i32
        %get3A_292 = arith.index_cast %get3A_291 : i32 to index
        %get3A_293 = arith.index_cast %scan3A_280 : i32 to index
        %get3A_294 = arith.constant 16 : index
        %get3A_295 = tpu.vector_load %arg7[%get3A_292, %get3A_293, %get3A_294] {strides = array<i32>} : memref<4x128x32xf32, #tpu.memory_space<vmem>>, vector<1x1x16xf32>,
        %get3A_296 = vector.shape_cast %get3A_295 : vector<1x1x16xf32> to vector<16xf32>
        %swap3A_297 = arith.index_cast %scan3A_280 : i32 to index
        %swap3A_298 = arith.constant 16 : index
        %swap3A_299 = tpu.vector_load %arg6[%swap3A_297, %swap3A_298] {strides = array<i32>} : memref<128x32xf32, #tpu.memory_space<vmem>>, vector<1x16xf32>,
        %swap3A_300 = vector.shape_cast %swap3A_299 : vector<1x16xf32> to vector<16xf32>
        %swap3A_301 = vector.shape_cast %get3A_296 : vector<16xf32> to vector<1x16xf32>
        tpu.vector_store %arg6[%swap3A_297, %swap3A_298], %swap3A_301 {add = true, strides = array<i32>} : memref<128x32xf32, #tpu.memory_space<vmem>>, vector<1x16xf32>,
        %scan3A_302 = arith.constant 0 : i32
        %scan3A_303 = arith.constant 1 : i32
        %scan3A_304 = arith.addi %scan3A_280, %scan3A_303 : i32
        %get3A_305 = arith.constant 2 : i32
        %get3A_306 = arith.index_cast %get3A_305 : i32 to index
        %get3A_307 = arith.index_cast %scan3A_304 : i32 to index
        %get3A_308 = arith.constant 0 : index
        %get3A_309 = tpu.vector_load %arg7[%get3A_306, %get3A_307, %get3A_308] {strides = array<i32>} : memref<4x128x32xf32, #tpu.memory_space<vmem>>, vector<1x1x16xf32>,
        %get3A_310 = vector.shape_cast %get3A_309 : vector<1x1x16xf32> to vector<16xf32>
        %swap3A_311 = arith.index_cast %scan3A_304 : i32 to index
        %swap3A_312 = arith.constant 0 : index
        %swap3A_313 = tpu.vector_load %arg6[%swap3A_311, %swap3A_312] {strides = array<i32>} : memref<128x32xf32, #tpu.memory_space<vmem>>, vector<1x16xf32>,
        %swap3A_314 = vector.shape_cast %swap3A_313 : vector<1x16xf32> to vector<16xf32>
        %swap3A_315 = vector.shape_cast %get3A_310 : vector<16xf32> to vector<1x16xf32>
        tpu.vector_store %arg6[%swap3A_311, %swap3A_312], %swap3A_315 {add = true, strides = array<i32>} : memref<128x32xf32, #tpu.memory_space<vmem>>, vector<1x16xf32>,
        %get3A_316 = arith.constant 2 : i32
        %get3A_317 = arith.index_cast %get3A_316 : i32 to index
        %get3A_318 = arith.index_cast %scan3A_304 : i32 to index
        %get3A_319 = arith.constant 16 : index
        %get3A_320 = tpu.vector_load %arg7[%get3A_317, %get3A_318, %get3A_319] {strides = array<i32>} : memref<4x128x32xf32, #tpu.memory_space<vmem>>, vector<1x1x16xf32>,
        %get3A_321 = vector.shape_cast %get3A_320 : vector<1x1x16xf32> to vector<16xf32>
        %swap3A_322 = arith.index_cast %scan3A_304 : i32 to index
        %swap3A_323 = arith.constant 16 : index
        %swap3A_324 = tpu.vector_load %arg6[%swap3A_322, %swap3A_323] {strides = array<i32>} : memref<128x32xf32, #tpu.memory_space<vmem>>, vector<1x16xf32>,
        %swap3A_325 = vector.shape_cast %swap3A_324 : vector<1x16xf32> to vector<16xf32>
        %swap3A_326 = vector.shape_cast %get3A_321 : vector<16xf32> to vector<1x16xf32>
        tpu.vector_store %arg6[%swap3A_322, %swap3A_323], %swap3A_326 {add = true, strides = array<i32>} : memref<128x32xf32, #tpu.memory_space<vmem>>, vector<1x16xf32>,
        %scan3A_327 = arith.constant 0 : i32
        %scan3A_328 = arith.constant 2 : i32
        %scan3A_329 = arith.addi %scan3A_280, %scan3A_328 : i32
        %get3A_330 = arith.constant 2 : i32
        %get3A_331 = arith.index_cast %get3A_330 : i32 to index
        %get3A_332 = arith.index_cast %scan3A_329 : i32 to index
        %get3A_333 = arith.constant 0 : index
        %get3A_334 = tpu.vector_load %arg7[%get3A_331, %get3A_332, %get3A_333] {strides = array<i32>} : memref<4x128x32xf32, #tpu.memory_space<vmem>>, vector<1x1x16xf32>,
        %get3A_335 = vector.shape_cast %get3A_334 : vector<1x1x16xf32> to vector<16xf32>
        %swap3A_336 = arith.index_cast %scan3A_329 : i32 to index
        %swap3A_337 = arith.constant 0 : index
        %swap3A_338 = tpu.vector_load %arg6[%swap3A_336, %swap3A_337] {strides = array<i32>} : memref<128x32xf32, #tpu.memory_space<vmem>>, vector<1x16xf32>,
        %swap3A_339 = vector.shape_cast %swap3A_338 : vector<1x16xf32> to vector<16xf32>
        %swap3A_340 = vector.shape_cast %get3A_335 : vector<16xf32> to vector<1x16xf32>
        tpu.vector_store %arg6[%swap3A_336, %swap3A_337], %swap3A_340 {add = true, strides = array<i32>} : memref<128x32xf32, #tpu.memory_space<vmem>>, vector<1x16xf32>,
        %get3A_341 = arith.constant 2 : i32
        %get3A_342 = arith.index_cast %get3A_341 : i32 to index
        %get3A_343 = arith.index_cast %scan3A_329 : i32 to index
        %get3A_344 = arith.constant 16 : index
        %get3A_345 = tpu.vector_load %arg7[%get3A_342, %get3A_343, %get3A_344] {strides = array<i32>} : memref<4x128x32xf32, #tpu.memory_space<vmem>>, vector<1x1x16xf32>,
        %get3A_346 = vector.shape_cast %get3A_345 : vector<1x1x16xf32> to vector<16xf32>
        %swap3A_347 = arith.index_cast %scan3A_329 : i32 to index
        %swap3A_348 = arith.constant 16 : index
        %swap3A_349 = tpu.vector_load %arg6[%swap3A_347, %swap3A_348] {strides = array<i32>} : memref<128x32xf32, #tpu.memory_space<vmem>>, vector<1x16xf32>,
        %swap3A_350 = vector.shape_cast %swap3A_349 : vector<1x16xf32> to vector<16xf32>
        %swap3A_351 = vector.shape_cast %get3A_346 : vector<16xf32> to vector<1x16xf32>
        tpu.vector_store %arg6[%swap3A_347, %swap3A_348], %swap3A_351 {add = true, strides = array<i32>} : memref<128x32xf32, #tpu.memory_space<vmem>>, vector<1x16xf32>,
        %scan3A_352 = arith.constant 0 : i32
        %scan3A_353 = arith.constant 3 : i32
        %scan3A_354 = arith.addi %scan3A_280, %scan3A_353 : i32
        %get3A_355 = arith.constant 2 : i32
        %get3A_356 = arith.index_cast %get3A_355 : i32 to index
        %get3A_357 = arith.index_cast %scan3A_354 : i32 to index
        %get3A_358 = arith.constant 0 : index
        %get3A_359 = tpu.vector_load %arg7[%get3A_356, %get3A_357, %get3A_358] {strides = array<i32>} : memref<4x128x32xf32, #tpu.memory_space<vmem>>, vector<1x1x16xf32>,
        %get3A_360 = vector.shape_cast %get3A_359 : vector<1x1x16xf32> to vector<16xf32>
        %swap3A_361 = arith.index_cast %scan3A_354 : i32 to index
        %swap3A_362 = arith.constant 0 : index
        %swap3A_363 = tpu.vector_load %arg6[%swap3A_361, %swap3A_362] {strides = array<i32>} : memref<128x32xf32, #tpu.memory_space<vmem>>, vector<1x16xf32>,
        %swap3A_364 = vector.shape_cast %swap3A_363 : vector<1x16xf32> to vector<16xf32>
        %swap3A_365 = vector.shape_cast %get3A_360 : vector<16xf32> to vector<1x16xf32>
        tpu.vector_store %arg6[%swap3A_361, %swap3A_362], %swap3A_365 {add = true, strides = array<i32>} : memref<128x32xf32, #tpu.memory_space<vmem>>, vector<1x16xf32>,
        %get3A_366 = arith.constant 2 : i32
        %get3A_367 = arith.index_cast %get3A_366 : i32 to index
        %get3A_368 = arith.index_cast %scan3A_354 : i32 to index
        %get3A_369 = arith.constant 16 : index
        %get3A_370 = tpu.vector_load %arg7[%get3A_367, %get3A_368, %get3A_369] {strides = array<i32>} : memref<4x128x32xf32, #tpu.memory_space<vmem>>, vector<1x1x16xf32>,
        %get3A_371 = vector.shape_cast %get3A_370 : vector<1x1x16xf32> to vector<16xf32>
        %swap3A_372 = arith.index_cast %scan3A_354 : i32 to index
        %swap3A_373 = arith.constant 16 : index
        %swap3A_374 = tpu.vector_load %arg6[%swap3A_372, %swap3A_373] {strides = array<i32>} : memref<128x32xf32, #tpu.memory_space<vmem>>, vector<1x16xf32>,
        %swap3A_375 = vector.shape_cast %swap3A_374 : vector<1x16xf32> to vector<16xf32>
        %swap3A_376 = vector.shape_cast %get3A_371 : vector<16xf32> to vector<1x16xf32>
        tpu.vector_store %arg6[%swap3A_372, %swap3A_373], %swap3A_376 {add = true, strides = array<i32>} : memref<128x32xf32, #tpu.memory_space<vmem>>, vector<1x16xf32>,
        %scan3A_377 = arith.constant 0 : i32
        %scan3A_378 = arith.constant 4 : i32
        %scan3A_379 = arith.addi %scan3A_280, %scan3A_378 : i32
        %get3A_380 = arith.constant 2 : i32
        %get3A_381 = arith.index_cast %get3A_380 : i32 to index
        %get3A_382 = arith.index_cast %scan3A_379 : i32 to index
        %get3A_383 = arith.constant 0 : index
        %get3A_384 = tpu.vector_load %arg7[%get3A_381, %get3A_382, %get3A_383] {strides = array<i32>} : memref<4x128x32xf32, #tpu.memory_space<vmem>>, vector<1x1x16xf32>,
        %get3A_385 = vector.shape_cast %get3A_384 : vector<1x1x16xf32> to vector<16xf32>
        %swap3A_386 = arith.index_cast %scan3A_379 : i32 to index
        %swap3A_387 = arith.constant 0 : index
        %swap3A_388 = tpu.vector_load %arg6[%swap3A_386, %swap3A_387] {strides = array<i32>} : memref<128x32xf32, #tpu.memory_space<vmem>>, vector<1x16xf32>,
        %swap3A_389 = vector.shape_cast %swap3A_388 : vector<1x16xf32> to vector<16xf32>
        %swap3A_390 = vector.shape_cast %get3A_385 : vector<16xf32> to vector<1x16xf32>
        tpu.vector_store %arg6[%swap3A_386, %swap3A_387], %swap3A_390 {add = true, strides = array<i32>} : memref<128x32xf32, #tpu.memory_space<vmem>>, vector<1x16xf32>,
        %get3A_391 = arith.constant 2 : i32
        %get3A_392 = arith.index_cast %get3A_391 : i32 to index
        %get3A_393 = arith.index_cast %scan3A_379 : i32 to index
        %get3A_394 = arith.constant 16 : index
        %get3A_395 = tpu.vector_load %arg7[%get3A_392, %get3A_393, %get3A_394] {strides = array<i32>} : memref<4x128x32xf32, #tpu.memory_space<vmem>>, vector<1x1x16xf32>,
        %get3A_396 = vector.shape_cast %get3A_395 : vector<1x1x16xf32> to vector<16xf32>
        %swap3A_397 = arith.index_cast %scan3A_379 : i32 to index
        %swap3A_398 = arith.constant 16 : index
        %swap3A_399 = tpu.vector_load %arg6[%swap3A_397, %swap3A_398] {strides = array<i32>} : memref<128x32xf32, #tpu.memory_space<vmem>>, vector<1x16xf32>,
        %swap3A_400 = vector.shape_cast %swap3A_399 : vector<1x16xf32> to vector<16xf32>
        %swap3A_401 = vector.shape_cast %get3A_396 : vector<16xf32> to vector<1x16xf32>
        tpu.vector_store %arg6[%swap3A_397, %swap3A_398], %swap3A_401 {add = true, strides = array<i32>} : memref<128x32xf32, #tpu.memory_space<vmem>>, vector<1x16xf32>,
        %scan3A_402 = arith.constant 0 : i32
        %scan3A_403 = arith.constant 5 : i32
        %scan3A_404 = arith.addi %scan3A_280, %scan3A_403 : i32
        %get3A_405 = arith.constant 2 : i32
        %get3A_406 = arith.index_cast %get3A_405 : i32 to index
        %get3A_407 = arith.index_cast %scan3A_404 : i32 to index
        %get3A_408 = arith.constant 0 : index
        %get3A_409 = tpu.vector_load %arg7[%get3A_406, %get3A_407, %get3A_408] {strides = array<i32>} : memref<4x128x32xf32, #tpu.memory_space<vmem>>, vector<1x1x16xf32>,
        %get3A_410 = vector.shape_cast %get3A_409 : vector<1x1x16xf32> to vector<16xf32>
        %swap3A_411 = arith.index_cast %scan3A_404 : i32 to index
        %swap3A_412 = arith.constant 0 : index
        %swap3A_413 = tpu.vector_load %arg6[%swap3A_411, %swap3A_412] {strides = array<i32>} : memref<128x32xf32, #tpu.memory_space<vmem>>, vector<1x16xf32>,
        %swap3A_414 = vector.shape_cast %swap3A_413 : vector<1x16xf32> to vector<16xf32>
        %swap3A_415 = vector.shape_cast %get3A_410 : vector<16xf32> to vector<1x16xf32>
        tpu.vector_store %arg6[%swap3A_411, %swap3A_412], %swap3A_415 {add = true, strides = array<i32>} : memref<128x32xf32, #tpu.memory_space<vmem>>, vector<1x16xf32>,
        %get3A_416 = arith.constant 2 : i32
        %get3A_417 = arith.index_cast %get3A_416 : i32 to index
        %get3A_418 = arith.index_cast %scan3A_404 : i32 to index
        %get3A_419 = arith.constant 16 : index
        %get3A_420 = tpu.vector_load %arg7[%get3A_417, %get3A_418, %get3A_419] {strides = array<i32>} : memref<4x128x32xf32, #tpu.memory_space<vmem>>, vector<1x1x16xf32>,
        %get3A_421 = vector.shape_cast %get3A_420 : vector<1x1x16xf32> to vector<16xf32>
        %swap3A_422 = arith.index_cast %scan3A_404 : i32 to index
        %swap3A_423 = arith.constant 16 : index
        %swap3A_424 = tpu.vector_load %arg6[%swap3A_422, %swap3A_423] {strides = array<i32>} : memref<128x32xf32, #tpu.memory_space<vmem>>, vector<1x16xf32>,
        %swap3A_425 = vector.shape_cast %swap3A_424 : vector<1x16xf32> to vector<16xf32>
        %swap3A_426 = vector.shape_cast %get3A_421 : vector<16xf32> to vector<1x16xf32>
        tpu.vector_store %arg6[%swap3A_422, %swap3A_423], %swap3A_426 {add = true, strides = array<i32>} : memref<128x32xf32, #tpu.memory_space<vmem>>, vector<1x16xf32>,
        %scan3A_427 = arith.constant 0 : i32
        %scan3A_428 = arith.constant 6 : i32
        %scan3A_429 = arith.addi %scan3A_280, %scan3A_428 : i32
        %get3A_430 = arith.constant 2 : i32
        %get3A_431 = arith.index_cast %get3A_430 : i32 to index
        %get3A_432 = arith.index_cast %scan3A_429 : i32 to index
        %get3A_433 = arith.constant 0 : index
        %get3A_434 = tpu.vector_load %arg7[%get3A_431, %get3A_432, %get3A_433] {strides = array<i32>} : memref<4x128x32xf32, #tpu.memory_space<vmem>>, vector<1x1x16xf32>,
        %get3A_435 = vector.shape_cast %get3A_434 : vector<1x1x16xf32> to vector<16xf32>
        %swap3A_436 = arith.index_cast %scan3A_429 : i32 to index
        %swap3A_437 = arith.constant 0 : index
        %swap3A_438 = tpu.vector_load %arg6[%swap3A_436, %swap3A_437] {strides = array<i32>} : memref<128x32xf32, #tpu.memory_space<vmem>>, vector<1x16xf32>,
        %swap3A_439 = vector.shape_cast %swap3A_438 : vector<1x16xf32> to vector<16xf32>
        %swap3A_440 = vector.shape_cast %get3A_435 : vector<16xf32> to vector<1x16xf32>
        tpu.vector_store %arg6[%swap3A_436, %swap3A_437], %swap3A_440 {add = true, strides = array<i32>} : memref<128x32xf32, #tpu.memory_space<vmem>>, vector<1x16xf32>,
        %get3A_441 = arith.constant 2 : i32
        %get3A_442 = arith.index_cast %get3A_441 : i32 to index
        %get3A_443 = arith.index_cast %scan3A_429 : i32 to index
        %get3A_444 = arith.constant 16 : index
        %get3A_445 = tpu.vector_load %arg7[%get3A_442, %get3A_443, %get3A_444] {strides = array<i32>} : memref<4x128x32xf32, #tpu.memory_space<vmem>>, vector<1x1x16xf32>,
        %get3A_446 = vector.shape_cast %get3A_445 : vector<1x1x16xf32> to vector<16xf32>
        %swap3A_447 = arith.index_cast %scan3A_429 : i32 to index
        %swap3A_448 = arith.constant 16 : index
        %swap3A_449 = tpu.vector_load %arg6[%swap3A_447, %swap3A_448] {strides = array<i32>} : memref<128x32xf32, #tpu.memory_space<vmem>>, vector<1x16xf32>,
        %swap3A_450 = vector.shape_cast %swap3A_449 : vector<1x16xf32> to vector<16xf32>
        %swap3A_451 = vector.shape_cast %get3A_446 : vector<16xf32> to vector<1x16xf32>
        tpu.vector_store %arg6[%swap3A_447, %swap3A_448], %swap3A_451 {add = true, strides = array<i32>} : memref<128x32xf32, #tpu.memory_space<vmem>>, vector<1x16xf32>,
        %scan3A_452 = arith.constant 0 : i32
        %scan3A_453 = arith.constant 7 : i32
        %scan3A_454 = arith.addi %scan3A_280, %scan3A_453 : i32
        %get3A_455 = arith.constant 2 : i32
        %get3A_456 = arith.index_cast %get3A_455 : i32 to index
        %get3A_457 = arith.index_cast %scan3A_454 : i32 to index
        %get3A_458 = arith.constant 0 : index
        %get3A_459 = tpu.vector_load %arg7[%get3A_456, %get3A_457, %get3A_458] {strides = array<i32>} : memref<4x128x32xf32, #tpu.memory_space<vmem>>, vector<1x1x16xf32>,
        %get3A_460 = vector.shape_cast %get3A_459 : vector<1x1x16xf32> to vector<16xf32>
        %swap3A_461 = arith.index_cast %scan3A_454 : i32 to index
        %swap3A_462 = arith.constant 0 : index
        %swap3A_463 = tpu.vector_load %arg6[%swap3A_461, %swap3A_462] {strides = array<i32>} : memref<128x32xf32, #tpu.memory_space<vmem>>, vector<1x16xf32>,
        %swap3A_464 = vector.shape_cast %swap3A_463 : vector<1x16xf32> to vector<16xf32>
        %swap3A_465 = vector.shape_cast %get3A_460 : vector<16xf32> to vector<1x16xf32>
        tpu.vector_store %arg6[%swap3A_461, %swap3A_462], %swap3A_465 {add = true, strides = array<i32>} : memref<128x32xf32, #tpu.memory_space<vmem>>, vector<1x16xf32>,
        %get3A_466 = arith.constant 2 : i32
        %get3A_467 = arith.index_cast %get3A_466 : i32 to index
        %get3A_468 = arith.index_cast %scan3A_454 : i32 to index
        %get3A_469 = arith.constant 16 : index
        %get3A_470 = tpu.vector_load %arg7[%get3A_467, %get3A_468, %get3A_469] {strides = array<i32>} : memref<4x128x32xf32, #tpu.memory_space<vmem>>, vector<1x1x16xf32>,
        %get3A_471 = vector.shape_cast %get3A_470 : vector<1x1x16xf32> to vector<16xf32>
        %swap3A_472 = arith.index_cast %scan3A_454 : i32 to index
        %swap3A_473 = arith.constant 16 : index
        %swap3A_474 = tpu.vector_load %arg6[%swap3A_472, %swap3A_473] {strides = array<i32>} : memref<128x32xf32, #tpu.memory_space<vmem>>, vector<1x16xf32>,
        %swap3A_475 = vector.shape_cast %swap3A_474 : vector<1x16xf32> to vector<16xf32>
        %swap3A_476 = vector.shape_cast %get3A_471 : vector<16xf32> to vector<1x16xf32>
        tpu.vector_store %arg6[%swap3A_472, %swap3A_473], %swap3A_476 {add = true, strides = array<i32>} : memref<128x32xf32, #tpu.memory_space<vmem>>, vector<1x16xf32>,
        %scan3A_477 = arith.constant 0 : i32
        scf.yield %scan3A_477 : i32
      }
      %scan3A_229 = arith.constant 128 : i32
      %add3A_230 = arith.constant 4 : i32
      %add3A_231 = arith.addi %mul3A_142, %add3A_230 : i32
      %add3A_232 = arith.constant 2 : i32
      %add3A_233 = arith.addi %add3A_231, %add3A_232 : i32
      %dma_start3A_234 = arith.constant 2 : i32
      %dma_start3A_235 = arith.constant 0 : i32
      %dma_start3A_236 = arith.constant 0 : i32
      %dma_start3A_237 = tpu.memref_slice %arg7[%dma_start3A_234, %dma_start3A_235, %dma_start3A_236] : memref<4x128x32xf32, #tpu.memory_space<vmem>> -> memref<1x128x32xf32, #tpu.memory_space<vmem>>
      %dma_start3A_238 = tpu.memref_squeeze %dma_start3A_237 : memref<1x128x32xf32, #tpu.memory_space<vmem>> -> memref<128x32xf32, #tpu.memory_space<vmem>>
      %dma_start3A_239 = arith.constant 0 : i32
      %dma_start3A_240 = tpu.memref_slice %arg5[%add3A_233, %dma_start3A_239] : memref<200x128xi32, #tpu.memory_space<vmem>> -> memref<1x128xi32, #tpu.memory_space<vmem>>
      %dma_start3A_241 = tpu.memref_squeeze %dma_start3A_240 : memref<1x128xi32, #tpu.memory_space<vmem>> -> memref<128xi32, #tpu.memory_space<vmem>>
      %dma_start3A_242 = arith.constant 0 : i32
      %dma_start3A_243 = arith.constant 0 : i32
      %dma_start3A_244 = tpu.memref_slice %arg3[%dma_start3A_242, %dma_start3A_243] : memref<1000064x32xf32, #tpu.memory_space<hbm>> -> memref<1000064x32xf32, #tpu.memory_space<hbm>>
      tpu.enqueue_indirect_dma source(%dma_start3A_244 : memref<1000064x32xf32, #tpu.memory_space<hbm>>) target(%dma_start3A_238 : memref<128x32xf32, #tpu.memory_space<vmem>>) offsets(%dma_start3A_241 : memref<128xi32, #tpu.memory_space<vmem>>) semaphore(%arg10 : memref<!tpu.dma_semaphore, #tpu.memory_space<semaphore_mem>>)
      %dma_wait3A_245 = arith.constant 0 : i32
      %dma_wait3A_246 = arith.constant 3 : i32
      %dma_wait3A_247 = arith.constant 0 : i32
      %dma_wait3A_248 = arith.constant 0 : i32
      %dma_wait3A_249 = tpu.memref_slice %arg7[%dma_wait3A_246, %dma_wait3A_247, %dma_wait3A_248] : memref<4x128x32xf32, #tpu.memory_space<vmem>> -> memref<1x128x32xf32, #tpu.memory_space<vmem>>
      %dma_wait3A_250 = tpu.memref_squeeze %dma_wait3A_249 : memref<1x128x32xf32, #tpu.memory_space<vmem>> -> memref<128x32xf32, #tpu.memory_space<vmem>>
      %dma_wait3A_251 = arith.constant 0 : i32
      %dma_wait3A_252 = tpu.memref_slice %arg5[%dma_wait3A_245, %dma_wait3A_251] : memref<200x128xi32, #tpu.memory_space<vmem>> -> memref<1x128xi32, #tpu.memory_space<vmem>>
      %dma_wait3A_253 = tpu.memref_squeeze %dma_wait3A_252 : memref<1x128xi32, #tpu.memory_space<vmem>> -> memref<128xi32, #tpu.memory_space<vmem>>
      %dma_wait3A_254 = arith.constant 0 : i32
      %dma_wait3A_255 = arith.constant 0 : i32
      %dma_wait3A_256 = tpu.memref_slice %arg3[%dma_wait3A_254, %dma_wait3A_255] : memref<1000064x32xf32, #tpu.memory_space<hbm>> -> memref<1000064x32xf32, #tpu.memory_space<hbm>>
      tpu.wait_indirect_dma semaphore(%arg11 : memref<!tpu.dma_semaphore, #tpu.memory_space<semaphore_mem>>) src(%dma_wait3A_256 : memref<1000064x32xf32, #tpu.memory_space<hbm>>) dst(%dma_wait3A_250 : memref<128x32xf32, #tpu.memory_space<vmem>>)
      %scan3A_257 = arith.constant 0 : i32
      %scan3A_258 = arith.constant 0 : i32
      %scan3A_259 = arith.constant 128 : i32
      %scan3A_260 = arith.addi %scan3A_258, %scan3A_259 : i32
      %scan3A_261 = arith.constant 8 : i32
      %scan3A_262 = scf.for %scan3A_280 = %scan3A_258 to %scan3A_260 step %scan3A_261 iter_args(%scan3A_281 = %scan3A_257) -> (i32)  : i32 {
        %get3A = arith.constant 3 : i32
        %get3A_282 = arith.index_cast %get3A : i32 to index
        %get3A_283 = arith.index_cast %scan3A_280 : i32 to index
        %get3A_284 = arith.constant 0 : index
        %get3A_285 = tpu.vector_load %arg7[%get3A_282, %get3A_283, %get3A_284] {strides = array<i32>} : memref<4x128x32xf32, #tpu.memory_space<vmem>>, vector<1x1x16xf32>,
        %get3A_286 = vector.shape_cast %get3A_285 : vector<1x1x16xf32> to vector<16xf32>
        %swap3A = arith.index_cast %scan3A_280 : i32 to index
        %swap3A_287 = arith.constant 0 : index
        %swap3A_288 = tpu.vector_load %arg6[%swap3A, %swap3A_287] {strides = array<i32>} : memref<128x32xf32, #tpu.memory_space<vmem>>, vector<1x16xf32>,
        %swap3A_289 = vector.shape_cast %swap3A_288 : vector<1x16xf32> to vector<16xf32>
        %swap3A_290 = vector.shape_cast %get3A_286 : vector<16xf32> to vector<1x16xf32>
        tpu.vector_store %arg6[%swap3A, %swap3A_287], %swap3A_290 {add = true, strides = array<i32>} : memref<128x32xf32, #tpu.memory_space<vmem>>, vector<1x16xf32>,
        %get3A_291 = arith.constant 3 : i32
        %get3A_292 = arith.index_cast %get3A_291 : i32 to index
        %get3A_293 = arith.index_cast %scan3A_280 : i32 to index
        %get3A_294 = arith.constant 16 : index
        %get3A_295 = tpu.vector_load %arg7[%get3A_292, %get3A_293, %get3A_294] {strides = array<i32>} : memref<4x128x32xf32, #tpu.memory_space<vmem>>, vector<1x1x16xf32>,
        %get3A_296 = vector.shape_cast %get3A_295 : vector<1x1x16xf32> to vector<16xf32>
        %swap3A_297 = arith.index_cast %scan3A_280 : i32 to index
        %swap3A_298 = arith.constant 16 : index
        %swap3A_299 = tpu.vector_load %arg6[%swap3A_297, %swap3A_298] {strides = array<i32>} : memref<128x32xf32, #tpu.memory_space<vmem>>, vector<1x16xf32>,
        %swap3A_300 = vector.shape_cast %swap3A_299 : vector<1x16xf32> to vector<16xf32>
        %swap3A_301 = vector.shape_cast %get3A_296 : vector<16xf32> to vector<1x16xf32>
        tpu.vector_store %arg6[%swap3A_297, %swap3A_298], %swap3A_301 {add = true, strides = array<i32>} : memref<128x32xf32, #tpu.memory_space<vmem>>, vector<1x16xf32>,
        %scan3A_302 = arith.constant 0 : i32
        %scan3A_303 = arith.constant 1 : i32
        %scan3A_304 = arith.addi %scan3A_280, %scan3A_303 : i32
        %get3A_305 = arith.constant 3 : i32
        %get3A_306 = arith.index_cast %get3A_305 : i32 to index
        %get3A_307 = arith.index_cast %scan3A_304 : i32 to index
        %get3A_308 = arith.constant 0 : index
        %get3A_309 = tpu.vector_load %arg7[%get3A_306, %get3A_307, %get3A_308] {strides = array<i32>} : memref<4x128x32xf32, #tpu.memory_space<vmem>>, vector<1x1x16xf32>,
        %get3A_310 = vector.shape_cast %get3A_309 : vector<1x1x16xf32> to vector<16xf32>
        %swap3A_311 = arith.index_cast %scan3A_304 : i32 to index
        %swap3A_312 = arith.constant 0 : index
        %swap3A_313 = tpu.vector_load %arg6[%swap3A_311, %swap3A_312] {strides = array<i32>} : memref<128x32xf32, #tpu.memory_space<vmem>>, vector<1x16xf32>,
        %swap3A_314 = vector.shape_cast %swap3A_313 : vector<1x16xf32> to vector<16xf32>
        %swap3A_315 = vector.shape_cast %get3A_310 : vector<16xf32> to vector<1x16xf32>
        tpu.vector_store %arg6[%swap3A_311, %swap3A_312], %swap3A_315 {add = true, strides = array<i32>} : memref<128x32xf32, #tpu.memory_space<vmem>>, vector<1x16xf32>,
        %get3A_316 = arith.constant 3 : i32
        %get3A_317 = arith.index_cast %get3A_316 : i32 to index
        %get3A_318 = arith.index_cast %scan3A_304 : i32 to index
        %get3A_319 = arith.constant 16 : index
        %get3A_320 = tpu.vector_load %arg7[%get3A_317, %get3A_318, %get3A_319] {strides = array<i32>} : memref<4x128x32xf32, #tpu.memory_space<vmem>>, vector<1x1x16xf32>,
        %get3A_321 = vector.shape_cast %get3A_320 : vector<1x1x16xf32> to vector<16xf32>
        %swap3A_322 = arith.index_cast %scan3A_304 : i32 to index
        %swap3A_323 = arith.constant 16 : index
        %swap3A_324 = tpu.vector_load %arg6[%swap3A_322, %swap3A_323] {strides = array<i32>} : memref<128x32xf32, #tpu.memory_space<vmem>>, vector<1x16xf32>,
        %swap3A_325 = vector.shape_cast %swap3A_324 : vector<1x16xf32> to vector<16xf32>
        %swap3A_326 = vector.shape_cast %get3A_321 : vector<16xf32> to vector<1x16xf32>
        tpu.vector_store %arg6[%swap3A_322, %swap3A_323], %swap3A_326 {add = true, strides = array<i32>} : memref<128x32xf32, #tpu.memory_space<vmem>>, vector<1x16xf32>,
        %scan3A_327 = arith.constant 0 : i32
        %scan3A_328 = arith.constant 2 : i32
        %scan3A_329 = arith.addi %scan3A_280, %scan3A_328 : i32
        %get3A_330 = arith.constant 3 : i32
        %get3A_331 = arith.index_cast %get3A_330 : i32 to index
        %get3A_332 = arith.index_cast %scan3A_329 : i32 to index
        %get3A_333 = arith.constant 0 : index
        %get3A_334 = tpu.vector_load %arg7[%get3A_331, %get3A_332, %get3A_333] {strides = array<i32>} : memref<4x128x32xf32, #tpu.memory_space<vmem>>, vector<1x1x16xf32>,
        %get3A_335 = vector.shape_cast %get3A_334 : vector<1x1x16xf32> to vector<16xf32>
        %swap3A_336 = arith.index_cast %scan3A_329 : i32 to index
        %swap3A_337 = arith.constant 0 : index
        %swap3A_338 = tpu.vector_load %arg6[%swap3A_336, %swap3A_337] {strides = array<i32>} : memref<128x32xf32, #tpu.memory_space<vmem>>, vector<1x16xf32>,
        %swap3A_339 = vector.shape_cast %swap3A_338 : vector<1x16xf32> to vector<16xf32>
        %swap3A_340 = vector.shape_cast %get3A_335 : vector<16xf32> to vector<1x16xf32>
        tpu.vector_store %arg6[%swap3A_336, %swap3A_337], %swap3A_340 {add = true, strides = array<i32>} : memref<128x32xf32, #tpu.memory_space<vmem>>, vector<1x16xf32>,
        %get3A_341 = arith.constant 3 : i32
        %get3A_342 = arith.index_cast %get3A_341 : i32 to index
        %get3A_343 = arith.index_cast %scan3A_329 : i32 to index
        %get3A_344 = arith.constant 16 : index
        %get3A_345 = tpu.vector_load %arg7[%get3A_342, %get3A_343, %get3A_344] {strides = array<i32>} : memref<4x128x32xf32, #tpu.memory_space<vmem>>, vector<1x1x16xf32>,
        %get3A_346 = vector.shape_cast %get3A_345 : vector<1x1x16xf32> to vector<16xf32>
        %swap3A_347 = arith.index_cast %scan3A_329 : i32 to index
        %swap3A_348 = arith.constant 16 : index
        %swap3A_349 = tpu.vector_load %arg6[%swap3A_347, %swap3A_348] {strides = array<i32>} : memref<128x32xf32, #tpu.memory_space<vmem>>, vector<1x16xf32>,
        %swap3A_350 = vector.shape_cast %swap3A_349 : vector<1x16xf32> to vector<16xf32>
        %swap3A_351 = vector.shape_cast %get3A_346 : vector<16xf32> to vector<1x16xf32>
        tpu.vector_store %arg6[%swap3A_347, %swap3A_348], %swap3A_351 {add = true, strides = array<i32>} : memref<128x32xf32, #tpu.memory_space<vmem>>, vector<1x16xf32>,
        %scan3A_352 = arith.constant 0 : i32
        %scan3A_353 = arith.constant 3 : i32
        %scan3A_354 = arith.addi %scan3A_280, %scan3A_353 : i32
        %get3A_355 = arith.constant 3 : i32
        %get3A_356 = arith.index_cast %get3A_355 : i32 to index
        %get3A_357 = arith.index_cast %scan3A_354 : i32 to index
        %get3A_358 = arith.constant 0 : index
        %get3A_359 = tpu.vector_load %arg7[%get3A_356, %get3A_357, %get3A_358] {strides = array<i32>} : memref<4x128x32xf32, #tpu.memory_space<vmem>>, vector<1x1x16xf32>,
        %get3A_360 = vector.shape_cast %get3A_359 : vector<1x1x16xf32> to vector<16xf32>
        %swap3A_361 = arith.index_cast %scan3A_354 : i32 to index
        %swap3A_362 = arith.constant 0 : index
        %swap3A_363 = tpu.vector_load %arg6[%swap3A_361, %swap3A_362] {strides = array<i32>} : memref<128x32xf32, #tpu.memory_space<vmem>>, vector<1x16xf32>,
        %swap3A_364 = vector.shape_cast %swap3A_363 : vector<1x16xf32> to vector<16xf32>
        %swap3A_365 = vector.shape_cast %get3A_360 : vector<16xf32> to vector<1x16xf32>
        tpu.vector_store %arg6[%swap3A_361, %swap3A_362], %swap3A_365 {add = true, strides = array<i32>} : memref<128x32xf32, #tpu.memory_space<vmem>>, vector<1x16xf32>,
        %get3A_366 = arith.constant 3 : i32
        %get3A_367 = arith.index_cast %get3A_366 : i32 to index
        %get3A_368 = arith.index_cast %scan3A_354 : i32 to index
        %get3A_369 = arith.constant 16 : index
        %get3A_370 = tpu.vector_load %arg7[%get3A_367, %get3A_368, %get3A_369] {strides = array<i32>} : memref<4x128x32xf32, #tpu.memory_space<vmem>>, vector<1x1x16xf32>,
        %get3A_371 = vector.shape_cast %get3A_370 : vector<1x1x16xf32> to vector<16xf32>
        %swap3A_372 = arith.index_cast %scan3A_354 : i32 to index
        %swap3A_373 = arith.constant 16 : index
        %swap3A_374 = tpu.vector_load %arg6[%swap3A_372, %swap3A_373] {strides = array<i32>} : memref<128x32xf32, #tpu.memory_space<vmem>>, vector<1x16xf32>,
        %swap3A_375 = vector.shape_cast %swap3A_374 : vector<1x16xf32> to vector<16xf32>
        %swap3A_376 = vector.shape_cast %get3A_371 : vector<16xf32> to vector<1x16xf32>
        tpu.vector_store %arg6[%swap3A_372, %swap3A_373], %swap3A_376 {add = true, strides = array<i32>} : memref<128x32xf32, #tpu.memory_space<vmem>>, vector<1x16xf32>,
        %scan3A_377 = arith.constant 0 : i32
        %scan3A_378 = arith.constant 4 : i32
        %scan3A_379 = arith.addi %scan3A_280, %scan3A_378 : i32
        %get3A_380 = arith.constant 3 : i32
        %get3A_381 = arith.index_cast %get3A_380 : i32 to index
        %get3A_382 = arith.index_cast %scan3A_379 : i32 to index
        %get3A_383 = arith.constant 0 : index
        %get3A_384 = tpu.vector_load %arg7[%get3A_381, %get3A_382, %get3A_383] {strides = array<i32>} : memref<4x128x32xf32, #tpu.memory_space<vmem>>, vector<1x1x16xf32>,
        %get3A_385 = vector.shape_cast %get3A_384 : vector<1x1x16xf32> to vector<16xf32>
        %swap3A_386 = arith.index_cast %scan3A_379 : i32 to index
        %swap3A_387 = arith.constant 0 : index
        %swap3A_388 = tpu.vector_load %arg6[%swap3A_386, %swap3A_387] {strides = array<i32>} : memref<128x32xf32, #tpu.memory_space<vmem>>, vector<1x16xf32>,
        %swap3A_389 = vector.shape_cast %swap3A_388 : vector<1x16xf32> to vector<16xf32>
        %swap3A_390 = vector.shape_cast %get3A_385 : vector<16xf32> to vector<1x16xf32>
        tpu.vector_store %arg6[%swap3A_386, %swap3A_387], %swap3A_390 {add = true, strides = array<i32>} : memref<128x32xf32, #tpu.memory_space<vmem>>, vector<1x16xf32>,
        %get3A_391 = arith.constant 3 : i32
        %get3A_392 = arith.index_cast %get3A_391 : i32 to index
        %get3A_393 = arith.index_cast %scan3A_379 : i32 to index
        %get3A_394 = arith.constant 16 : index
        %get3A_395 = tpu.vector_load %arg7[%get3A_392, %get3A_393, %get3A_394] {strides = array<i32>} : memref<4x128x32xf32, #tpu.memory_space<vmem>>, vector<1x1x16xf32>,
        %get3A_396 = vector.shape_cast %get3A_395 : vector<1x1x16xf32> to vector<16xf32>
        %swap3A_397 = arith.index_cast %scan3A_379 : i32 to index
        %swap3A_398 = arith.constant 16 : index
        %swap3A_399 = tpu.vector_load %arg6[%swap3A_397, %swap3A_398] {strides = array<i32>} : memref<128x32xf32, #tpu.memory_space<vmem>>, vector<1x16xf32>,
        %swap3A_400 = vector.shape_cast %swap3A_399 : vector<1x16xf32> to vector<16xf32>
        %swap3A_401 = vector.shape_cast %get3A_396 : vector<16xf32> to vector<1x16xf32>
        tpu.vector_store %arg6[%swap3A_397, %swap3A_398], %swap3A_401 {add = true, strides = array<i32>} : memref<128x32xf32, #tpu.memory_space<vmem>>, vector<1x16xf32>,
        %scan3A_402 = arith.constant 0 : i32
        %scan3A_403 = arith.constant 5 : i32
        %scan3A_404 = arith.addi %scan3A_280, %scan3A_403 : i32
        %get3A_405 = arith.constant 3 : i32
        %get3A_406 = arith.index_cast %get3A_405 : i32 to index
        %get3A_407 = arith.index_cast %scan3A_404 : i32 to index
        %get3A_408 = arith.constant 0 : index
        %get3A_409 = tpu.vector_load %arg7[%get3A_406, %get3A_407, %get3A_408] {strides = array<i32>} : memref<4x128x32xf32, #tpu.memory_space<vmem>>, vector<1x1x16xf32>,
        %get3A_410 = vector.shape_cast %get3A_409 : vector<1x1x16xf32> to vector<16xf32>
        %swap3A_411 = arith.index_cast %scan3A_404 : i32 to index
        %swap3A_412 = arith.constant 0 : index
        %swap3A_413 = tpu.vector_load %arg6[%swap3A_411, %swap3A_412] {strides = array<i32>} : memref<128x32xf32, #tpu.memory_space<vmem>>, vector<1x16xf32>,
        %swap3A_414 = vector.shape_cast %swap3A_413 : vector<1x16xf32> to vector<16xf32>
        %swap3A_415 = vector.shape_cast %get3A_410 : vector<16xf32> to vector<1x16xf32>
        tpu.vector_store %arg6[%swap3A_411, %swap3A_412], %swap3A_415 {add = true, strides = array<i32>} : memref<128x32xf32, #tpu.memory_space<vmem>>, vector<1x16xf32>,
        %get3A_416 = arith.constant 3 : i32
        %get3A_417 = arith.index_cast %get3A_416 : i32 to index
        %get3A_418 = arith.index_cast %scan3A_404 : i32 to index
        %get3A_419 = arith.constant 16 : index
        %get3A_420 = tpu.vector_load %arg7[%get3A_417, %get3A_418, %get3A_419] {strides = array<i32>} : memref<4x128x32xf32, #tpu.memory_space<vmem>>, vector<1x1x16xf32>,
        %get3A_421 = vector.shape_cast %get3A_420 : vector<1x1x16xf32> to vector<16xf32>
        %swap3A_422 = arith.index_cast %scan3A_404 : i32 to index
        %swap3A_423 = arith.constant 16 : index
        %swap3A_424 = tpu.vector_load %arg6[%swap3A_422, %swap3A_423] {strides = array<i32>} : memref<128x32xf32, #tpu.memory_space<vmem>>, vector<1x16xf32>,
        %swap3A_425 = vector.shape_cast %swap3A_424 : vector<1x16xf32> to vector<16xf32>
        %swap3A_426 = vector.shape_cast %get3A_421 : vector<16xf32> to vector<1x16xf32>
        tpu.vector_store %arg6[%swap3A_422, %swap3A_423], %swap3A_426 {add = true, strides = array<i32>} : memref<128x32xf32, #tpu.memory_space<vmem>>, vector<1x16xf32>,
        %scan3A_427 = arith.constant 0 : i32
        %scan3A_428 = arith.constant 6 : i32
        %scan3A_429 = arith.addi %scan3A_280, %scan3A_428 : i32
        %get3A_430 = arith.constant 3 : i32
        %get3A_431 = arith.index_cast %get3A_430 : i32 to index
        %get3A_432 = arith.index_cast %scan3A_429 : i32 to index
        %get3A_433 = arith.constant 0 : index
        %get3A_434 = tpu.vector_load %arg7[%get3A_431, %get3A_432, %get3A_433] {strides = array<i32>} : memref<4x128x32xf32, #tpu.memory_space<vmem>>, vector<1x1x16xf32>,
        %get3A_435 = vector.shape_cast %get3A_434 : vector<1x1x16xf32> to vector<16xf32>
        %swap3A_436 = arith.index_cast %scan3A_429 : i32 to index
        %swap3A_437 = arith.constant 0 : index
        %swap3A_438 = tpu.vector_load %arg6[%swap3A_436, %swap3A_437] {strides = array<i32>} : memref<128x32xf32, #tpu.memory_space<vmem>>, vector<1x16xf32>,
        %swap3A_439 = vector.shape_cast %swap3A_438 : vector<1x16xf32> to vector<16xf32>
        %swap3A_440 = vector.shape_cast %get3A_435 : vector<16xf32> to vector<1x16xf32>
        tpu.vector_store %arg6[%swap3A_436, %swap3A_437], %swap3A_440 {add = true, strides = array<i32>} : memref<128x32xf32, #tpu.memory_space<vmem>>, vector<1x16xf32>,
        %get3A_441 = arith.constant 3 : i32
        %get3A_442 = arith.index_cast %get3A_441 : i32 to index
        %get3A_443 = arith.index_cast %scan3A_429 : i32 to index
        %get3A_444 = arith.constant 16 : index
        %get3A_445 = tpu.vector_load %arg7[%get3A_442, %get3A_443, %get3A_444] {strides = array<i32>} : memref<4x128x32xf32, #tpu.memory_space<vmem>>, vector<1x1x16xf32>,
        %get3A_446 = vector.shape_cast %get3A_445 : vector<1x1x16xf32> to vector<16xf32>
        %swap3A_447 = arith.index_cast %scan3A_429 : i32 to index
        %swap3A_448 = arith.constant 16 : index
        %swap3A_449 = tpu.vector_load %arg6[%swap3A_447, %swap3A_448] {strides = array<i32>} : memref<128x32xf32, #tpu.memory_space<vmem>>, vector<1x16xf32>,
        %swap3A_450 = vector.shape_cast %swap3A_449 : vector<1x16xf32> to vector<16xf32>
        %swap3A_451 = vector.shape_cast %get3A_446 : vector<16xf32> to vector<1x16xf32>
        tpu.vector_store %arg6[%swap3A_447, %swap3A_448], %swap3A_451 {add = true, strides = array<i32>} : memref<128x32xf32, #tpu.memory_space<vmem>>, vector<1x16xf32>,
        %scan3A_452 = arith.constant 0 : i32
        %scan3A_453 = arith.constant 7 : i32
        %scan3A_454 = arith.addi %scan3A_280, %scan3A_453 : i32
        %get3A_455 = arith.constant 3 : i32
        %get3A_456 = arith.index_cast %get3A_455 : i32 to index
        %get3A_457 = arith.index_cast %scan3A_454 : i32 to index
        %get3A_458 = arith.constant 0 : index
        %get3A_459 = tpu.vector_load %arg7[%get3A_456, %get3A_457, %get3A_458] {strides = array<i32>} : memref<4x128x32xf32, #tpu.memory_space<vmem>>, vector<1x1x16xf32>,
        %get3A_460 = vector.shape_cast %get3A_459 : vector<1x1x16xf32> to vector<16xf32>
        %swap3A_461 = arith.index_cast %scan3A_454 : i32 to index
        %swap3A_462 = arith.constant 0 : index
        %swap3A_463 = tpu.vector_load %arg6[%swap3A_461, %swap3A_462] {strides = array<i32>} : memref<128x32xf32, #tpu.memory_space<vmem>>, vector<1x16xf32>,
        %swap3A_464 = vector.shape_cast %swap3A_463 : vector<1x16xf32> to vector<16xf32>
        %swap3A_465 = vector.shape_cast %get3A_460 : vector<16xf32> to vector<1x16xf32>
        tpu.vector_store %arg6[%swap3A_461, %swap3A_462], %swap3A_465 {add = true, strides = array<i32>} : memref<128x32xf32, #tpu.memory_space<vmem>>, vector<1x16xf32>,
        %get3A_466 = arith.constant 3 : i32
        %get3A_467 = arith.index_cast %get3A_466 : i32 to index
        %get3A_468 = arith.index_cast %scan3A_454 : i32 to index
        %get3A_469 = arith.constant 16 : index
        %get3A_470 = tpu.vector_load %arg7[%get3A_467, %get3A_468, %get3A_469] {strides = array<i32>} : memref<4x128x32xf32, #tpu.memory_space<vmem>>, vector<1x1x16xf32>,
        %get3A_471 = vector.shape_cast %get3A_470 : vector<1x1x16xf32> to vector<16xf32>
        %swap3A_472 = arith.index_cast %scan3A_454 : i32 to index
        %swap3A_473 = arith.constant 16 : index
        %swap3A_474 = tpu.vector_load %arg6[%swap3A_472, %swap3A_473] {strides = array<i32>} : memref<128x32xf32, #tpu.memory_space<vmem>>, vector<1x16xf32>,
        %swap3A_475 = vector.shape_cast %swap3A_474 : vector<1x16xf32> to vector<16xf32>
        %swap3A_476 = vector.shape_cast %get3A_471 : vector<16xf32> to vector<1x16xf32>
        tpu.vector_store %arg6[%swap3A_472, %swap3A_473], %swap3A_476 {add = true, strides = array<i32>} : memref<128x32xf32, #tpu.memory_space<vmem>>, vector<1x16xf32>,
        %scan3A_477 = arith.constant 0 : i32
        scf.yield %scan3A_477 : i32
      }
      %scan3A_263 = arith.constant 128 : i32
      %add3A_264 = arith.constant 4 : i32
      %add3A_265 = arith.addi %mul3A_142, %add3A_264 : i32
      %add3A_266 = arith.constant 3 : i32
      %add3A_267 = arith.addi %add3A_265, %add3A_266 : i32
      %dma_start3A_268 = arith.constant 3 : i32
      %dma_start3A_269 = arith.constant 0 : i32
      %dma_start3A_270 = arith.constant 0 : i32
      %dma_start3A_271 = tpu.memref_slice %arg7[%dma_start3A_268, %dma_start3A_269, %dma_start3A_270] : memref<4x128x32xf32, #tpu.memory_space<vmem>> -> memref<1x128x32xf32, #tpu.memory_space<vmem>>
      %dma_start3A_272 = tpu.memref_squeeze %dma_start3A_271 : memref<1x128x32xf32, #tpu.memory_space<vmem>> -> memref<128x32xf32, #tpu.memory_space<vmem>>
      %dma_start3A_273 = arith.constant 0 : i32
      %dma_start3A_274 = tpu.memref_slice %arg5[%add3A_267, %dma_start3A_273] : memref<200x128xi32, #tpu.memory_space<vmem>> -> memref<1x128xi32, #tpu.memory_space<vmem>>
      %dma_start3A_275 = tpu.memref_squeeze %dma_start3A_274 : memref<1x128xi32, #tpu.memory_space<vmem>> -> memref<128xi32, #tpu.memory_space<vmem>>
      %dma_start3A_276 = arith.constant 0 : i32
      %dma_start3A_277 = arith.constant 0 : i32
      %dma_start3A_278 = tpu.memref_slice %arg3[%dma_start3A_276, %dma_start3A_277] : memref<1000064x32xf32, #tpu.memory_space<hbm>> -> memref<1000064x32xf32, #tpu.memory_space<hbm>>
      tpu.enqueue_indirect_dma source(%dma_start3A_278 : memref<1000064x32xf32, #tpu.memory_space<hbm>>) target(%dma_start3A_272 : memref<128x32xf32, #tpu.memory_space<vmem>>) offsets(%dma_start3A_275 : memref<128xi32, #tpu.memory_space<vmem>>) semaphore(%arg11 : memref<!tpu.dma_semaphore, #tpu.memory_space<semaphore_mem>>)
      %scan3A_279 = arith.constant 0 : i32
      scf.yield %scan3A_279 : i32
    }
    %scan3A_63 = arith.constant 49 : i32
    %dma_wait3A = arith.constant 0 : i32
    %dma_wait3A_64 = arith.constant 0 : i32
    %dma_wait3A_65 = arith.constant 0 : i32
    %dma_wait3A_66 = arith.constant 0 : i32
    %dma_wait3A_67 = tpu.memref_slice %arg7[%dma_wait3A_64, %dma_wait3A_65, %dma_wait3A_66] : memref<4x128x32xf32, #tpu.memory_space<vmem>> -> memref<1x128x32xf32, #tpu.memory_space<vmem>>
    %dma_wait3A_68 = tpu.memref_squeeze %dma_wait3A_67 : memref<1x128x32xf32, #tpu.memory_space<vmem>> -> memref<128x32xf32, #tpu.memory_space<vmem>>
    %dma_wait3A_69 = arith.constant 0 : i32
    %dma_wait3A_70 = tpu.memref_slice %arg5[%dma_wait3A, %dma_wait3A_69] : memref<200x128xi32, #tpu.memory_space<vmem>> -> memref<1x128xi32, #tpu.memory_space<vmem>>
    %dma_wait3A_71 = tpu.memref_squeeze %dma_wait3A_70 : memref<1x128xi32, #tpu.memory_space<vmem>> -> memref<128xi32, #tpu.memory_space<vmem>>
    %dma_wait3A_72 = arith.constant 0 : i32
    %dma_wait3A_73 = arith.constant 0 : i32
    %dma_wait3A_74 = tpu.memref_slice %arg3[%dma_wait3A_72, %dma_wait3A_73] : memref<1000064x32xf32, #tpu.memory_space<hbm>> -> memref<1000064x32xf32, #tpu.memory_space<hbm>>
    tpu.wait_indirect_dma semaphore(%arg8 : memref<!tpu.dma_semaphore, #tpu.memory_space<semaphore_mem>>) src(%dma_wait3A_74 : memref<1000064x32xf32, #tpu.memory_space<hbm>>) dst(%dma_wait3A_68 : memref<128x32xf32, #tpu.memory_space<vmem>>)
    %scan3A_75 = arith.constant 0 : i32
    %scan3A_76 = arith.constant 0 : i32
    %scan3A_77 = arith.constant 128 : i32
    %scan3A_78 = arith.addi %scan3A_76, %scan3A_77 : i32
    %scan3A_79 = arith.constant 8 : i32
    %scan3A_80 = scf.for %scan3A_139 = %scan3A_76 to %scan3A_78 step %scan3A_79 iter_args(%scan3A_140 = %scan3A_75) -> (i32)  : i32 {
      %get3A = arith.constant 0 : i32
      %get3A_141 = arith.index_cast %get3A : i32 to index
      %get3A_142 = arith.index_cast %scan3A_139 : i32 to index
      %get3A_143 = arith.constant 0 : index
      %get3A_144 = tpu.vector_load %arg7[%get3A_141, %get3A_142, %get3A_143] {strides = array<i32>} : memref<4x128x32xf32, #tpu.memory_space<vmem>>, vector<1x1x16xf32>,
      %get3A_145 = vector.shape_cast %get3A_144 : vector<1x1x16xf32> to vector<16xf32>
      %swap3A = arith.index_cast %scan3A_139 : i32 to index
      %swap3A_146 = arith.constant 0 : index
      %swap3A_147 = tpu.vector_load %arg6[%swap3A, %swap3A_146] {strides = array<i32>} : memref<128x32xf32, #tpu.memory_space<vmem>>, vector<1x16xf32>,
      %swap3A_148 = vector.shape_cast %swap3A_147 : vector<1x16xf32> to vector<16xf32>
      %swap3A_149 = vector.shape_cast %get3A_145 : vector<16xf32> to vector<1x16xf32>
      tpu.vector_store %arg6[%swap3A, %swap3A_146], %swap3A_149 {add = true, strides = array<i32>} : memref<128x32xf32, #tpu.memory_space<vmem>>, vector<1x16xf32>,
      %get3A_150 = arith.constant 0 : i32
      %get3A_151 = arith.index_cast %get3A_150 : i32 to index
      %get3A_152 = arith.index_cast %scan3A_139 : i32 to index
      %get3A_153 = arith.constant 16 : index
      %get3A_154 = tpu.vector_load %arg7[%get3A_151, %get3A_152, %get3A_153] {strides = array<i32>} : memref<4x128x32xf32, #tpu.memory_space<vmem>>, vector<1x1x16xf32>,
      %get3A_155 = vector.shape_cast %get3A_154 : vector<1x1x16xf32> to vector<16xf32>
      %swap3A_156 = arith.index_cast %scan3A_139 : i32 to index
      %swap3A_157 = arith.constant 16 : index
      %swap3A_158 = tpu.vector_load %arg6[%swap3A_156, %swap3A_157] {strides = array<i32>} : memref<128x32xf32, #tpu.memory_space<vmem>>, vector<1x16xf32>,
      %swap3A_159 = vector.shape_cast %swap3A_158 : vector<1x16xf32> to vector<16xf32>
      %swap3A_160 = vector.shape_cast %get3A_155 : vector<16xf32> to vector<1x16xf32>
      tpu.vector_store %arg6[%swap3A_156, %swap3A_157], %swap3A_160 {add = true, strides = array<i32>} : memref<128x32xf32, #tpu.memory_space<vmem>>, vector<1x16xf32>,
      %scan3A_161 = arith.constant 0 : i32
      %scan3A_162 = arith.constant 1 : i32
      %scan3A_163 = arith.addi %scan3A_139, %scan3A_162 : i32
      %get3A_164 = arith.constant 0 : i32
      %get3A_165 = arith.index_cast %get3A_164 : i32 to index
      %get3A_166 = arith.index_cast %scan3A_163 : i32 to index
      %get3A_167 = arith.constant 0 : index
      %get3A_168 = tpu.vector_load %arg7[%get3A_165, %get3A_166, %get3A_167] {strides = array<i32>} : memref<4x128x32xf32, #tpu.memory_space<vmem>>, vector<1x1x16xf32>,
      %get3A_169 = vector.shape_cast %get3A_168 : vector<1x1x16xf32> to vector<16xf32>
      %swap3A_170 = arith.index_cast %scan3A_163 : i32 to index
      %swap3A_171 = arith.constant 0 : index
      %swap3A_172 = tpu.vector_load %arg6[%swap3A_170, %swap3A_171] {strides = array<i32>} : memref<128x32xf32, #tpu.memory_space<vmem>>, vector<1x16xf32>,
      %swap3A_173 = vector.shape_cast %swap3A_172 : vector<1x16xf32> to vector<16xf32>
      %swap3A_174 = vector.shape_cast %get3A_169 : vector<16xf32> to vector<1x16xf32>
      tpu.vector_store %arg6[%swap3A_170, %swap3A_171], %swap3A_174 {add = true, strides = array<i32>} : memref<128x32xf32, #tpu.memory_space<vmem>>, vector<1x16xf32>,
      %get3A_175 = arith.constant 0 : i32
      %get3A_176 = arith.index_cast %get3A_175 : i32 to index
      %get3A_177 = arith.index_cast %scan3A_163 : i32 to index
      %get3A_178 = arith.constant 16 : index
      %get3A_179 = tpu.vector_load %arg7[%get3A_176, %get3A_177, %get3A_178] {strides = array<i32>} : memref<4x128x32xf32, #tpu.memory_space<vmem>>, vector<1x1x16xf32>,
      %get3A_180 = vector.shape_cast %get3A_179 : vector<1x1x16xf32> to vector<16xf32>
      %swap3A_181 = arith.index_cast %scan3A_163 : i32 to index
      %swap3A_182 = arith.constant 16 : index
      %swap3A_183 = tpu.vector_load %arg6[%swap3A_181, %swap3A_182] {strides = array<i32>} : memref<128x32xf32, #tpu.memory_space<vmem>>, vector<1x16xf32>,
      %swap3A_184 = vector.shape_cast %swap3A_183 : vector<1x16xf32> to vector<16xf32>
      %swap3A_185 = vector.shape_cast %get3A_180 : vector<16xf32> to vector<1x16xf32>
      tpu.vector_store %arg6[%swap3A_181, %swap3A_182], %swap3A_185 {add = true, strides = array<i32>} : memref<128x32xf32, #tpu.memory_space<vmem>>, vector<1x16xf32>,
      %scan3A_186 = arith.constant 0 : i32
      %scan3A_187 = arith.constant 2 : i32
      %scan3A_188 = arith.addi %scan3A_139, %scan3A_187 : i32
      %get3A_189 = arith.constant 0 : i32
      %get3A_190 = arith.index_cast %get3A_189 : i32 to index
      %get3A_191 = arith.index_cast %scan3A_188 : i32 to index
      %get3A_192 = arith.constant 0 : index
      %get3A_193 = tpu.vector_load %arg7[%get3A_190, %get3A_191, %get3A_192] {strides = array<i32>} : memref<4x128x32xf32, #tpu.memory_space<vmem>>, vector<1x1x16xf32>,
      %get3A_194 = vector.shape_cast %get3A_193 : vector<1x1x16xf32> to vector<16xf32>
      %swap3A_195 = arith.index_cast %scan3A_188 : i32 to index
      %swap3A_196 = arith.constant 0 : index
      %swap3A_197 = tpu.vector_load %arg6[%swap3A_195, %swap3A_196] {strides = array<i32>} : memref<128x32xf32, #tpu.memory_space<vmem>>, vector<1x16xf32>,
      %swap3A_198 = vector.shape_cast %swap3A_197 : vector<1x16xf32> to vector<16xf32>
      %swap3A_199 = vector.shape_cast %get3A_194 : vector<16xf32> to vector<1x16xf32>
      tpu.vector_store %arg6[%swap3A_195, %swap3A_196], %swap3A_199 {add = true, strides = array<i32>} : memref<128x32xf32, #tpu.memory_space<vmem>>, vector<1x16xf32>,
      %get3A_200 = arith.constant 0 : i32
      %get3A_201 = arith.index_cast %get3A_200 : i32 to index
      %get3A_202 = arith.index_cast %scan3A_188 : i32 to index
      %get3A_203 = arith.constant 16 : index
      %get3A_204 = tpu.vector_load %arg7[%get3A_201, %get3A_202, %get3A_203] {strides = array<i32>} : memref<4x128x32xf32, #tpu.memory_space<vmem>>, vector<1x1x16xf32>,
      %get3A_205 = vector.shape_cast %get3A_204 : vector<1x1x16xf32> to vector<16xf32>
      %swap3A_206 = arith.index_cast %scan3A_188 : i32 to index
      %swap3A_207 = arith.constant 16 : index
      %swap3A_208 = tpu.vector_load %arg6[%swap3A_206, %swap3A_207] {strides = array<i32>} : memref<128x32xf32, #tpu.memory_space<vmem>>, vector<1x16xf32>,
      %swap3A_209 = vector.shape_cast %swap3A_208 : vector<1x16xf32> to vector<16xf32>
      %swap3A_210 = vector.shape_cast %get3A_205 : vector<16xf32> to vector<1x16xf32>
      tpu.vector_store %arg6[%swap3A_206, %swap3A_207], %swap3A_210 {add = true, strides = array<i32>} : memref<128x32xf32, #tpu.memory_space<vmem>>, vector<1x16xf32>,
      %scan3A_211 = arith.constant 0 : i32
      %scan3A_212 = arith.constant 3 : i32
      %scan3A_213 = arith.addi %scan3A_139, %scan3A_212 : i32
      %get3A_214 = arith.constant 0 : i32
      %get3A_215 = arith.index_cast %get3A_214 : i32 to index
      %get3A_216 = arith.index_cast %scan3A_213 : i32 to index
      %get3A_217 = arith.constant 0 : index
      %get3A_218 = tpu.vector_load %arg7[%get3A_215, %get3A_216, %get3A_217] {strides = array<i32>} : memref<4x128x32xf32, #tpu.memory_space<vmem>>, vector<1x1x16xf32>,
      %get3A_219 = vector.shape_cast %get3A_218 : vector<1x1x16xf32> to vector<16xf32>
      %swap3A_220 = arith.index_cast %scan3A_213 : i32 to index
      %swap3A_221 = arith.constant 0 : index
      %swap3A_222 = tpu.vector_load %arg6[%swap3A_220, %swap3A_221] {strides = array<i32>} : memref<128x32xf32, #tpu.memory_space<vmem>>, vector<1x16xf32>,
      %swap3A_223 = vector.shape_cast %swap3A_222 : vector<1x16xf32> to vector<16xf32>
      %swap3A_224 = vector.shape_cast %get3A_219 : vector<16xf32> to vector<1x16xf32>
      tpu.vector_store %arg6[%swap3A_220, %swap3A_221], %swap3A_224 {add = true, strides = array<i32>} : memref<128x32xf32, #tpu.memory_space<vmem>>, vector<1x16xf32>,
      %get3A_225 = arith.constant 0 : i32
      %get3A_226 = arith.index_cast %get3A_225 : i32 to index
      %get3A_227 = arith.index_cast %scan3A_213 : i32 to index
      %get3A_228 = arith.constant 16 : index
      %get3A_229 = tpu.vector_load %arg7[%get3A_226, %get3A_227, %get3A_228] {strides = array<i32>} : memref<4x128x32xf32, #tpu.memory_space<vmem>>, vector<1x1x16xf32>,
      %get3A_230 = vector.shape_cast %get3A_229 : vector<1x1x16xf32> to vector<16xf32>
      %swap3A_231 = arith.index_cast %scan3A_213 : i32 to index
      %swap3A_232 = arith.constant 16 : index
      %swap3A_233 = tpu.vector_load %arg6[%swap3A_231, %swap3A_232] {strides = array<i32>} : memref<128x32xf32, #tpu.memory_space<vmem>>, vector<1x16xf32>,
      %swap3A_234 = vector.shape_cast %swap3A_233 : vector<1x16xf32> to vector<16xf32>
      %swap3A_235 = vector.shape_cast %get3A_230 : vector<16xf32> to vector<1x16xf32>
      tpu.vector_store %arg6[%swap3A_231, %swap3A_232], %swap3A_235 {add = true, strides = array<i32>} : memref<128x32xf32, #tpu.memory_space<vmem>>, vector<1x16xf32>,
      %scan3A_236 = arith.constant 0 : i32
      %scan3A_237 = arith.constant 4 : i32
      %scan3A_238 = arith.addi %scan3A_139, %scan3A_237 : i32
      %get3A_239 = arith.constant 0 : i32
      %get3A_240 = arith.index_cast %get3A_239 : i32 to index
      %get3A_241 = arith.index_cast %scan3A_238 : i32 to index
      %get3A_242 = arith.constant 0 : index
      %get3A_243 = tpu.vector_load %arg7[%get3A_240, %get3A_241, %get3A_242] {strides = array<i32>} : memref<4x128x32xf32, #tpu.memory_space<vmem>>, vector<1x1x16xf32>,
      %get3A_244 = vector.shape_cast %get3A_243 : vector<1x1x16xf32> to vector<16xf32>
      %swap3A_245 = arith.index_cast %scan3A_238 : i32 to index
      %swap3A_246 = arith.constant 0 : index
      %swap3A_247 = tpu.vector_load %arg6[%swap3A_245, %swap3A_246] {strides = array<i32>} : memref<128x32xf32, #tpu.memory_space<vmem>>, vector<1x16xf32>,
      %swap3A_248 = vector.shape_cast %swap3A_247 : vector<1x16xf32> to vector<16xf32>
      %swap3A_249 = vector.shape_cast %get3A_244 : vector<16xf32> to vector<1x16xf32>
      tpu.vector_store %arg6[%swap3A_245, %swap3A_246], %swap3A_249 {add = true, strides = array<i32>} : memref<128x32xf32, #tpu.memory_space<vmem>>, vector<1x16xf32>,
      %get3A_250 = arith.constant 0 : i32
      %get3A_251 = arith.index_cast %get3A_250 : i32 to index
      %get3A_252 = arith.index_cast %scan3A_238 : i32 to index
      %get3A_253 = arith.constant 16 : index
      %get3A_254 = tpu.vector_load %arg7[%get3A_251, %get3A_252, %get3A_253] {strides = array<i32>} : memref<4x128x32xf32, #tpu.memory_space<vmem>>, vector<1x1x16xf32>,
      %get3A_255 = vector.shape_cast %get3A_254 : vector<1x1x16xf32> to vector<16xf32>
      %swap3A_256 = arith.index_cast %scan3A_238 : i32 to index
      %swap3A_257 = arith.constant 16 : index
      %swap3A_258 = tpu.vector_load %arg6[%swap3A_256, %swap3A_257] {strides = array<i32>} : memref<128x32xf32, #tpu.memory_space<vmem>>, vector<1x16xf32>,
      %swap3A_259 = vector.shape_cast %swap3A_258 : vector<1x16xf32> to vector<16xf32>
      %swap3A_260 = vector.shape_cast %get3A_255 : vector<16xf32> to vector<1x16xf32>
      tpu.vector_store %arg6[%swap3A_256, %swap3A_257], %swap3A_260 {add = true, strides = array<i32>} : memref<128x32xf32, #tpu.memory_space<vmem>>, vector<1x16xf32>,
      %scan3A_261 = arith.constant 0 : i32
      %scan3A_262 = arith.constant 5 : i32
      %scan3A_263 = arith.addi %scan3A_139, %scan3A_262 : i32
      %get3A_264 = arith.constant 0 : i32
      %get3A_265 = arith.index_cast %get3A_264 : i32 to index
      %get3A_266 = arith.index_cast %scan3A_263 : i32 to index
      %get3A_267 = arith.constant 0 : index
      %get3A_268 = tpu.vector_load %arg7[%get3A_265, %get3A_266, %get3A_267] {strides = array<i32>} : memref<4x128x32xf32, #tpu.memory_space<vmem>>, vector<1x1x16xf32>,
      %get3A_269 = vector.shape_cast %get3A_268 : vector<1x1x16xf32> to vector<16xf32>
      %swap3A_270 = arith.index_cast %scan3A_263 : i32 to index
      %swap3A_271 = arith.constant 0 : index
      %swap3A_272 = tpu.vector_load %arg6[%swap3A_270, %swap3A_271] {strides = array<i32>} : memref<128x32xf32, #tpu.memory_space<vmem>>, vector<1x16xf32>,
      %swap3A_273 = vector.shape_cast %swap3A_272 : vector<1x16xf32> to vector<16xf32>
      %swap3A_274 = vector.shape_cast %get3A_269 : vector<16xf32> to vector<1x16xf32>
      tpu.vector_store %arg6[%swap3A_270, %swap3A_271], %swap3A_274 {add = true, strides = array<i32>} : memref<128x32xf32, #tpu.memory_space<vmem>>, vector<1x16xf32>,
      %get3A_275 = arith.constant 0 : i32
      %get3A_276 = arith.index_cast %get3A_275 : i32 to index
      %get3A_277 = arith.index_cast %scan3A_263 : i32 to index
      %get3A_278 = arith.constant 16 : index
      %get3A_279 = tpu.vector_load %arg7[%get3A_276, %get3A_277, %get3A_278] {strides = array<i32>} : memref<4x128x32xf32, #tpu.memory_space<vmem>>, vector<1x1x16xf32>,
      %get3A_280 = vector.shape_cast %get3A_279 : vector<1x1x16xf32> to vector<16xf32>
      %swap3A_281 = arith.index_cast %scan3A_263 : i32 to index
      %swap3A_282 = arith.constant 16 : index
      %swap3A_283 = tpu.vector_load %arg6[%swap3A_281, %swap3A_282] {strides = array<i32>} : memref<128x32xf32, #tpu.memory_space<vmem>>, vector<1x16xf32>,
      %swap3A_284 = vector.shape_cast %swap3A_283 : vector<1x16xf32> to vector<16xf32>
      %swap3A_285 = vector.shape_cast %get3A_280 : vector<16xf32> to vector<1x16xf32>
      tpu.vector_store %arg6[%swap3A_281, %swap3A_282], %swap3A_285 {add = true, strides = array<i32>} : memref<128x32xf32, #tpu.memory_space<vmem>>, vector<1x16xf32>,
      %scan3A_286 = arith.constant 0 : i32
      %scan3A_287 = arith.constant 6 : i32
      %scan3A_288 = arith.addi %scan3A_139, %scan3A_287 : i32
      %get3A_289 = arith.constant 0 : i32
      %get3A_290 = arith.index_cast %get3A_289 : i32 to index
      %get3A_291 = arith.index_cast %scan3A_288 : i32 to index
      %get3A_292 = arith.constant 0 : index
      %get3A_293 = tpu.vector_load %arg7[%get3A_290, %get3A_291, %get3A_292] {strides = array<i32>} : memref<4x128x32xf32, #tpu.memory_space<vmem>>, vector<1x1x16xf32>,
      %get3A_294 = vector.shape_cast %get3A_293 : vector<1x1x16xf32> to vector<16xf32>
      %swap3A_295 = arith.index_cast %scan3A_288 : i32 to index
      %swap3A_296 = arith.constant 0 : index
      %swap3A_297 = tpu.vector_load %arg6[%swap3A_295, %swap3A_296] {strides = array<i32>} : memref<128x32xf32, #tpu.memory_space<vmem>>, vector<1x16xf32>,
      %swap3A_298 = vector.shape_cast %swap3A_297 : vector<1x16xf32> to vector<16xf32>
      %swap3A_299 = vector.shape_cast %get3A_294 : vector<16xf32> to vector<1x16xf32>
      tpu.vector_store %arg6[%swap3A_295, %swap3A_296], %swap3A_299 {add = true, strides = array<i32>} : memref<128x32xf32, #tpu.memory_space<vmem>>, vector<1x16xf32>,
      %get3A_300 = arith.constant 0 : i32
      %get3A_301 = arith.index_cast %get3A_300 : i32 to index
      %get3A_302 = arith.index_cast %scan3A_288 : i32 to index
      %get3A_303 = arith.constant 16 : index
      %get3A_304 = tpu.vector_load %arg7[%get3A_301, %get3A_302, %get3A_303] {strides = array<i32>} : memref<4x128x32xf32, #tpu.memory_space<vmem>>, vector<1x1x16xf32>,
      %get3A_305 = vector.shape_cast %get3A_304 : vector<1x1x16xf32> to vector<16xf32>
      %swap3A_306 = arith.index_cast %scan3A_288 : i32 to index
      %swap3A_307 = arith.constant 16 : index
      %swap3A_308 = tpu.vector_load %arg6[%swap3A_306, %swap3A_307] {strides = array<i32>} : memref<128x32xf32, #tpu.memory_space<vmem>>, vector<1x16xf32>,
      %swap3A_309 = vector.shape_cast %swap3A_308 : vector<1x16xf32> to vector<16xf32>
      %swap3A_310 = vector.shape_cast %get3A_305 : vector<16xf32> to vector<1x16xf32>
      tpu.vector_store %arg6[%swap3A_306, %swap3A_307], %swap3A_310 {add = true, strides = array<i32>} : memref<128x32xf32, #tpu.memory_space<vmem>>, vector<1x16xf32>,
      %scan3A_311 = arith.constant 0 : i32
      %scan3A_312 = arith.constant 7 : i32
      %scan3A_313 = arith.addi %scan3A_139, %scan3A_312 : i32
      %get3A_314 = arith.constant 0 : i32
      %get3A_315 = arith.index_cast %get3A_314 : i32 to index
      %get3A_316 = arith.index_cast %scan3A_313 : i32 to index
      %get3A_317 = arith.constant 0 : index
      %get3A_318 = tpu.vector_load %arg7[%get3A_315, %get3A_316, %get3A_317] {strides = array<i32>} : memref<4x128x32xf32, #tpu.memory_space<vmem>>, vector<1x1x16xf32>,
      %get3A_319 = vector.shape_cast %get3A_318 : vector<1x1x16xf32> to vector<16xf32>
      %swap3A_320 = arith.index_cast %scan3A_313 : i32 to index
      %swap3A_321 = arith.constant 0 : index
      %swap3A_322 = tpu.vector_load %arg6[%swap3A_320, %swap3A_321] {strides = array<i32>} : memref<128x32xf32, #tpu.memory_space<vmem>>, vector<1x16xf32>,
      %swap3A_323 = vector.shape_cast %swap3A_322 : vector<1x16xf32> to vector<16xf32>
      %swap3A_324 = vector.shape_cast %get3A_319 : vector<16xf32> to vector<1x16xf32>
      tpu.vector_store %arg6[%swap3A_320, %swap3A_321], %swap3A_324 {add = true, strides = array<i32>} : memref<128x32xf32, #tpu.memory_space<vmem>>, vector<1x16xf32>,
      %get3A_325 = arith.constant 0 : i32
      %get3A_326 = arith.index_cast %get3A_325 : i32 to index
      %get3A_327 = arith.index_cast %scan3A_313 : i32 to index
      %get3A_328 = arith.constant 16 : index
      %get3A_329 = tpu.vector_load %arg7[%get3A_326, %get3A_327, %get3A_328] {strides = array<i32>} : memref<4x128x32xf32, #tpu.memory_space<vmem>>, vector<1x1x16xf32>,
      %get3A_330 = vector.shape_cast %get3A_329 : vector<1x1x16xf32> to vector<16xf32>
      %swap3A_331 = arith.index_cast %scan3A_313 : i32 to index
      %swap3A_332 = arith.constant 16 : index
      %swap3A_333 = tpu.vector_load %arg6[%swap3A_331, %swap3A_332] {strides = array<i32>} : memref<128x32xf32, #tpu.memory_space<vmem>>, vector<1x16xf32>,
      %swap3A_334 = vector.shape_cast %swap3A_333 : vector<1x16xf32> to vector<16xf32>
      %swap3A_335 = vector.shape_cast %get3A_330 : vector<16xf32> to vector<1x16xf32>
      tpu.vector_store %arg6[%swap3A_331, %swap3A_332], %swap3A_335 {add = true, strides = array<i32>} : memref<128x32xf32, #tpu.memory_space<vmem>>, vector<1x16xf32>,
      %scan3A_336 = arith.constant 0 : i32
      scf.yield %scan3A_336 : i32
    }
    %scan3A_81 = arith.constant 128 : i32
    %dma_wait3A_82 = arith.constant 0 : i32
    %dma_wait3A_83 = arith.constant 1 : i32
    %dma_wait3A_84 = arith.constant 0 : i32
    %dma_wait3A_85 = arith.constant 0 : i32
    %dma_wait3A_86 = tpu.memref_slice %arg7[%dma_wait3A_83, %dma_wait3A_84, %dma_wait3A_85] : memref<4x128x32xf32, #tpu.memory_space<vmem>> -> memref<1x128x32xf32, #tpu.memory_space<vmem>>
    %dma_wait3A_87 = tpu.memref_squeeze %dma_wait3A_86 : memref<1x128x32xf32, #tpu.memory_space<vmem>> -> memref<128x32xf32, #tpu.memory_space<vmem>>
    %dma_wait3A_88 = arith.constant 0 : i32
    %dma_wait3A_89 = tpu.memref_slice %arg5[%dma_wait3A_82, %dma_wait3A_88] : memref<200x128xi32, #tpu.memory_space<vmem>> -> memref<1x128xi32, #tpu.memory_space<vmem>>
    %dma_wait3A_90 = tpu.memref_squeeze %dma_wait3A_89 : memref<1x128xi32, #tpu.memory_space<vmem>> -> memref<128xi32, #tpu.memory_space<vmem>>
    %dma_wait3A_91 = arith.constant 0 : i32
    %dma_wait3A_92 = arith.constant 0 : i32
    %dma_wait3A_93 = tpu.memref_slice %arg3[%dma_wait3A_91, %dma_wait3A_92] : memref<1000064x32xf32, #tpu.memory_space<hbm>> -> memref<1000064x32xf32, #tpu.memory_space<hbm>>
    tpu.wait_indirect_dma semaphore(%arg9 : memref<!tpu.dma_semaphore, #tpu.memory_space<semaphore_mem>>) src(%dma_wait3A_93 : memref<1000064x32xf32, #tpu.memory_space<hbm>>) dst(%dma_wait3A_87 : memref<128x32xf32, #tpu.memory_space<vmem>>)
    %scan3A_94 = arith.constant 0 : i32
    %scan3A_95 = arith.constant 0 : i32
    %scan3A_96 = arith.constant 128 : i32
    %scan3A_97 = arith.addi %scan3A_95, %scan3A_96 : i32
    %scan3A_98 = arith.constant 8 : i32
    %scan3A_99 = scf.for %scan3A_139 = %scan3A_95 to %scan3A_97 step %scan3A_98 iter_args(%scan3A_140 = %scan3A_94) -> (i32)  : i32 {
      %get3A = arith.constant 1 : i32
      %get3A_141 = arith.index_cast %get3A : i32 to index
      %get3A_142 = arith.index_cast %scan3A_139 : i32 to index
      %get3A_143 = arith.constant 0 : index
      %get3A_144 = tpu.vector_load %arg7[%get3A_141, %get3A_142, %get3A_143] {strides = array<i32>} : memref<4x128x32xf32, #tpu.memory_space<vmem>>, vector<1x1x16xf32>,
      %get3A_145 = vector.shape_cast %get3A_144 : vector<1x1x16xf32> to vector<16xf32>
      %swap3A = arith.index_cast %scan3A_139 : i32 to index
      %swap3A_146 = arith.constant 0 : index
      %swap3A_147 = tpu.vector_load %arg6[%swap3A, %swap3A_146] {strides = array<i32>} : memref<128x32xf32, #tpu.memory_space<vmem>>, vector<1x16xf32>,
      %swap3A_148 = vector.shape_cast %swap3A_147 : vector<1x16xf32> to vector<16xf32>
      %swap3A_149 = vector.shape_cast %get3A_145 : vector<16xf32> to vector<1x16xf32>
      tpu.vector_store %arg6[%swap3A, %swap3A_146], %swap3A_149 {add = true, strides = array<i32>} : memref<128x32xf32, #tpu.memory_space<vmem>>, vector<1x16xf32>,
      %get3A_150 = arith.constant 1 : i32
      %get3A_151 = arith.index_cast %get3A_150 : i32 to index
      %get3A_152 = arith.index_cast %scan3A_139 : i32 to index
      %get3A_153 = arith.constant 16 : index
      %get3A_154 = tpu.vector_load %arg7[%get3A_151, %get3A_152, %get3A_153] {strides = array<i32>} : memref<4x128x32xf32, #tpu.memory_space<vmem>>, vector<1x1x16xf32>,
      %get3A_155 = vector.shape_cast %get3A_154 : vector<1x1x16xf32> to vector<16xf32>
      %swap3A_156 = arith.index_cast %scan3A_139 : i32 to index
      %swap3A_157 = arith.constant 16 : index
      %swap3A_158 = tpu.vector_load %arg6[%swap3A_156, %swap3A_157] {strides = array<i32>} : memref<128x32xf32, #tpu.memory_space<vmem>>, vector<1x16xf32>,
      %swap3A_159 = vector.shape_cast %swap3A_158 : vector<1x16xf32> to vector<16xf32>
      %swap3A_160 = vector.shape_cast %get3A_155 : vector<16xf32> to vector<1x16xf32>
      tpu.vector_store %arg6[%swap3A_156, %swap3A_157], %swap3A_160 {add = true, strides = array<i32>} : memref<128x32xf32, #tpu.memory_space<vmem>>, vector<1x16xf32>,
      %scan3A_161 = arith.constant 0 : i32
      %scan3A_162 = arith.constant 1 : i32
      %scan3A_163 = arith.addi %scan3A_139, %scan3A_162 : i32
      %get3A_164 = arith.constant 1 : i32
      %get3A_165 = arith.index_cast %get3A_164 : i32 to index
      %get3A_166 = arith.index_cast %scan3A_163 : i32 to index
      %get3A_167 = arith.constant 0 : index
      %get3A_168 = tpu.vector_load %arg7[%get3A_165, %get3A_166, %get3A_167] {strides = array<i32>} : memref<4x128x32xf32, #tpu.memory_space<vmem>>, vector<1x1x16xf32>,
      %get3A_169 = vector.shape_cast %get3A_168 : vector<1x1x16xf32> to vector<16xf32>
      %swap3A_170 = arith.index_cast %scan3A_163 : i32 to index
      %swap3A_171 = arith.constant 0 : index
      %swap3A_172 = tpu.vector_load %arg6[%swap3A_170, %swap3A_171] {strides = array<i32>} : memref<128x32xf32, #tpu.memory_space<vmem>>, vector<1x16xf32>,
      %swap3A_173 = vector.shape_cast %swap3A_172 : vector<1x16xf32> to vector<16xf32>
      %swap3A_174 = vector.shape_cast %get3A_169 : vector<16xf32> to vector<1x16xf32>
      tpu.vector_store %arg6[%swap3A_170, %swap3A_171], %swap3A_174 {add = true, strides = array<i32>} : memref<128x32xf32, #tpu.memory_space<vmem>>, vector<1x16xf32>,
      %get3A_175 = arith.constant 1 : i32
      %get3A_176 = arith.index_cast %get3A_175 : i32 to index
      %get3A_177 = arith.index_cast %scan3A_163 : i32 to index
      %get3A_178 = arith.constant 16 : index
      %get3A_179 = tpu.vector_load %arg7[%get3A_176, %get3A_177, %get3A_178] {strides = array<i32>} : memref<4x128x32xf32, #tpu.memory_space<vmem>>, vector<1x1x16xf32>,
      %get3A_180 = vector.shape_cast %get3A_179 : vector<1x1x16xf32> to vector<16xf32>
      %swap3A_181 = arith.index_cast %scan3A_163 : i32 to index
      %swap3A_182 = arith.constant 16 : index
      %swap3A_183 = tpu.vector_load %arg6[%swap3A_181, %swap3A_182] {strides = array<i32>} : memref<128x32xf32, #tpu.memory_space<vmem>>, vector<1x16xf32>,
      %swap3A_184 = vector.shape_cast %swap3A_183 : vector<1x16xf32> to vector<16xf32>
      %swap3A_185 = vector.shape_cast %get3A_180 : vector<16xf32> to vector<1x16xf32>
      tpu.vector_store %arg6[%swap3A_181, %swap3A_182], %swap3A_185 {add = true, strides = array<i32>} : memref<128x32xf32, #tpu.memory_space<vmem>>, vector<1x16xf32>,
      %scan3A_186 = arith.constant 0 : i32
      %scan3A_187 = arith.constant 2 : i32
      %scan3A_188 = arith.addi %scan3A_139, %scan3A_187 : i32
      %get3A_189 = arith.constant 1 : i32
      %get3A_190 = arith.index_cast %get3A_189 : i32 to index
      %get3A_191 = arith.index_cast %scan3A_188 : i32 to index
      %get3A_192 = arith.constant 0 : index
      %get3A_193 = tpu.vector_load %arg7[%get3A_190, %get3A_191, %get3A_192] {strides = array<i32>} : memref<4x128x32xf32, #tpu.memory_space<vmem>>, vector<1x1x16xf32>,
      %get3A_194 = vector.shape_cast %get3A_193 : vector<1x1x16xf32> to vector<16xf32>
      %swap3A_195 = arith.index_cast %scan3A_188 : i32 to index
      %swap3A_196 = arith.constant 0 : index
      %swap3A_197 = tpu.vector_load %arg6[%swap3A_195, %swap3A_196] {strides = array<i32>} : memref<128x32xf32, #tpu.memory_space<vmem>>, vector<1x16xf32>,
      %swap3A_198 = vector.shape_cast %swap3A_197 : vector<1x16xf32> to vector<16xf32>
      %swap3A_199 = vector.shape_cast %get3A_194 : vector<16xf32> to vector<1x16xf32>
      tpu.vector_store %arg6[%swap3A_195, %swap3A_196], %swap3A_199 {add = true, strides = array<i32>} : memref<128x32xf32, #tpu.memory_space<vmem>>, vector<1x16xf32>,
      %get3A_200 = arith.constant 1 : i32
      %get3A_201 = arith.index_cast %get3A_200 : i32 to index
      %get3A_202 = arith.index_cast %scan3A_188 : i32 to index
      %get3A_203 = arith.constant 16 : index
      %get3A_204 = tpu.vector_load %arg7[%get3A_201, %get3A_202, %get3A_203] {strides = array<i32>} : memref<4x128x32xf32, #tpu.memory_space<vmem>>, vector<1x1x16xf32>,
      %get3A_205 = vector.shape_cast %get3A_204 : vector<1x1x16xf32> to vector<16xf32>
      %swap3A_206 = arith.index_cast %scan3A_188 : i32 to index
      %swap3A_207 = arith.constant 16 : index
      %swap3A_208 = tpu.vector_load %arg6[%swap3A_206, %swap3A_207] {strides = array<i32>} : memref<128x32xf32, #tpu.memory_space<vmem>>, vector<1x16xf32>,
      %swap3A_209 = vector.shape_cast %swap3A_208 : vector<1x16xf32> to vector<16xf32>
      %swap3A_210 = vector.shape_cast %get3A_205 : vector<16xf32> to vector<1x16xf32>
      tpu.vector_store %arg6[%swap3A_206, %swap3A_207], %swap3A_210 {add = true, strides = array<i32>} : memref<128x32xf32, #tpu.memory_space<vmem>>, vector<1x16xf32>,
      %scan3A_211 = arith.constant 0 : i32
      %scan3A_212 = arith.constant 3 : i32
      %scan3A_213 = arith.addi %scan3A_139, %scan3A_212 : i32
      %get3A_214 = arith.constant 1 : i32
      %get3A_215 = arith.index_cast %get3A_214 : i32 to index
      %get3A_216 = arith.index_cast %scan3A_213 : i32 to index
      %get3A_217 = arith.constant 0 : index
      %get3A_218 = tpu.vector_load %arg7[%get3A_215, %get3A_216, %get3A_217] {strides = array<i32>} : memref<4x128x32xf32, #tpu.memory_space<vmem>>, vector<1x1x16xf32>,
      %get3A_219 = vector.shape_cast %get3A_218 : vector<1x1x16xf32> to vector<16xf32>
      %swap3A_220 = arith.index_cast %scan3A_213 : i32 to index
      %swap3A_221 = arith.constant 0 : index
      %swap3A_222 = tpu.vector_load %arg6[%swap3A_220, %swap3A_221] {strides = array<i32>} : memref<128x32xf32, #tpu.memory_space<vmem>>, vector<1x16xf32>,
      %swap3A_223 = vector.shape_cast %swap3A_222 : vector<1x16xf32> to vector<16xf32>
      %swap3A_224 = vector.shape_cast %get3A_219 : vector<16xf32> to vector<1x16xf32>
      tpu.vector_store %arg6[%swap3A_220, %swap3A_221], %swap3A_224 {add = true, strides = array<i32>} : memref<128x32xf32, #tpu.memory_space<vmem>>, vector<1x16xf32>,
      %get3A_225 = arith.constant 1 : i32
      %get3A_226 = arith.index_cast %get3A_225 : i32 to index
      %get3A_227 = arith.index_cast %scan3A_213 : i32 to index
      %get3A_228 = arith.constant 16 : index
      %get3A_229 = tpu.vector_load %arg7[%get3A_226, %get3A_227, %get3A_228] {strides = array<i32>} : memref<4x128x32xf32, #tpu.memory_space<vmem>>, vector<1x1x16xf32>,
      %get3A_230 = vector.shape_cast %get3A_229 : vector<1x1x16xf32> to vector<16xf32>
      %swap3A_231 = arith.index_cast %scan3A_213 : i32 to index
      %swap3A_232 = arith.constant 16 : index
      %swap3A_233 = tpu.vector_load %arg6[%swap3A_231, %swap3A_232] {strides = array<i32>} : memref<128x32xf32, #tpu.memory_space<vmem>>, vector<1x16xf32>,
      %swap3A_234 = vector.shape_cast %swap3A_233 : vector<1x16xf32> to vector<16xf32>
      %swap3A_235 = vector.shape_cast %get3A_230 : vector<16xf32> to vector<1x16xf32>
      tpu.vector_store %arg6[%swap3A_231, %swap3A_232], %swap3A_235 {add = true, strides = array<i32>} : memref<128x32xf32, #tpu.memory_space<vmem>>, vector<1x16xf32>,
      %scan3A_236 = arith.constant 0 : i32
      %scan3A_237 = arith.constant 4 : i32
      %scan3A_238 = arith.addi %scan3A_139, %scan3A_237 : i32
      %get3A_239 = arith.constant 1 : i32
      %get3A_240 = arith.index_cast %get3A_239 : i32 to index
      %get3A_241 = arith.index_cast %scan3A_238 : i32 to index
      %get3A_242 = arith.constant 0 : index
      %get3A_243 = tpu.vector_load %arg7[%get3A_240, %get3A_241, %get3A_242] {strides = array<i32>} : memref<4x128x32xf32, #tpu.memory_space<vmem>>, vector<1x1x16xf32>,
      %get3A_244 = vector.shape_cast %get3A_243 : vector<1x1x16xf32> to vector<16xf32>
      %swap3A_245 = arith.index_cast %scan3A_238 : i32 to index
      %swap3A_246 = arith.constant 0 : index
      %swap3A_247 = tpu.vector_load %arg6[%swap3A_245, %swap3A_246] {strides = array<i32>} : memref<128x32xf32, #tpu.memory_space<vmem>>, vector<1x16xf32>,
      %swap3A_248 = vector.shape_cast %swap3A_247 : vector<1x16xf32> to vector<16xf32>
      %swap3A_249 = vector.shape_cast %get3A_244 : vector<16xf32> to vector<1x16xf32>
      tpu.vector_store %arg6[%swap3A_245, %swap3A_246], %swap3A_249 {add = true, strides = array<i32>} : memref<128x32xf32, #tpu.memory_space<vmem>>, vector<1x16xf32>,
      %get3A_250 = arith.constant 1 : i32
      %get3A_251 = arith.index_cast %get3A_250 : i32 to index
      %get3A_252 = arith.index_cast %scan3A_238 : i32 to index
      %get3A_253 = arith.constant 16 : index
      %get3A_254 = tpu.vector_load %arg7[%get3A_251, %get3A_252, %get3A_253] {strides = array<i32>} : memref<4x128x32xf32, #tpu.memory_space<vmem>>, vector<1x1x16xf32>,
      %get3A_255 = vector.shape_cast %get3A_254 : vector<1x1x16xf32> to vector<16xf32>
      %swap3A_256 = arith.index_cast %scan3A_238 : i32 to index
      %swap3A_257 = arith.constant 16 : index
      %swap3A_258 = tpu.vector_load %arg6[%swap3A_256, %swap3A_257] {strides = array<i32>} : memref<128x32xf32, #tpu.memory_space<vmem>>, vector<1x16xf32>,
      %swap3A_259 = vector.shape_cast %swap3A_258 : vector<1x16xf32> to vector<16xf32>
      %swap3A_260 = vector.shape_cast %get3A_255 : vector<16xf32> to vector<1x16xf32>
      tpu.vector_store %arg6[%swap3A_256, %swap3A_257], %swap3A_260 {add = true, strides = array<i32>} : memref<128x32xf32, #tpu.memory_space<vmem>>, vector<1x16xf32>,
      %scan3A_261 = arith.constant 0 : i32
      %scan3A_262 = arith.constant 5 : i32
      %scan3A_263 = arith.addi %scan3A_139, %scan3A_262 : i32
      %get3A_264 = arith.constant 1 : i32
      %get3A_265 = arith.index_cast %get3A_264 : i32 to index
      %get3A_266 = arith.index_cast %scan3A_263 : i32 to index
      %get3A_267 = arith.constant 0 : index
      %get3A_268 = tpu.vector_load %arg7[%get3A_265, %get3A_266, %get3A_267] {strides = array<i32>} : memref<4x128x32xf32, #tpu.memory_space<vmem>>, vector<1x1x16xf32>,
      %get3A_269 = vector.shape_cast %get3A_268 : vector<1x1x16xf32> to vector<16xf32>
      %swap3A_270 = arith.index_cast %scan3A_263 : i32 to index
      %swap3A_271 = arith.constant 0 : index
      %swap3A_272 = tpu.vector_load %arg6[%swap3A_270, %swap3A_271] {strides = array<i32>} : memref<128x32xf32, #tpu.memory_space<vmem>>, vector<1x16xf32>,
      %swap3A_273 = vector.shape_cast %swap3A_272 : vector<1x16xf32> to vector<16xf32>
      %swap3A_274 = vector.shape_cast %get3A_269 : vector<16xf32> to vector<1x16xf32>
      tpu.vector_store %arg6[%swap3A_270, %swap3A_271], %swap3A_274 {add = true, strides = array<i32>} : memref<128x32xf32, #tpu.memory_space<vmem>>, vector<1x16xf32>,
      %get3A_275 = arith.constant 1 : i32
      %get3A_276 = arith.index_cast %get3A_275 : i32 to index
      %get3A_277 = arith.index_cast %scan3A_263 : i32 to index
      %get3A_278 = arith.constant 16 : index
      %get3A_279 = tpu.vector_load %arg7[%get3A_276, %get3A_277, %get3A_278] {strides = array<i32>} : memref<4x128x32xf32, #tpu.memory_space<vmem>>, vector<1x1x16xf32>,
      %get3A_280 = vector.shape_cast %get3A_279 : vector<1x1x16xf32> to vector<16xf32>
      %swap3A_281 = arith.index_cast %scan3A_263 : i32 to index
      %swap3A_282 = arith.constant 16 : index
      %swap3A_283 = tpu.vector_load %arg6[%swap3A_281, %swap3A_282] {strides = array<i32>} : memref<128x32xf32, #tpu.memory_space<vmem>>, vector<1x16xf32>,
      %swap3A_284 = vector.shape_cast %swap3A_283 : vector<1x16xf32> to vector<16xf32>
      %swap3A_285 = vector.shape_cast %get3A_280 : vector<16xf32> to vector<1x16xf32>
      tpu.vector_store %arg6[%swap3A_281, %swap3A_282], %swap3A_285 {add = true, strides = array<i32>} : memref<128x32xf32, #tpu.memory_space<vmem>>, vector<1x16xf32>,
      %scan3A_286 = arith.constant 0 : i32
      %scan3A_287 = arith.constant 6 : i32
      %scan3A_288 = arith.addi %scan3A_139, %scan3A_287 : i32
      %get3A_289 = arith.constant 1 : i32
      %get3A_290 = arith.index_cast %get3A_289 : i32 to index
      %get3A_291 = arith.index_cast %scan3A_288 : i32 to index
      %get3A_292 = arith.constant 0 : index
      %get3A_293 = tpu.vector_load %arg7[%get3A_290, %get3A_291, %get3A_292] {strides = array<i32>} : memref<4x128x32xf32, #tpu.memory_space<vmem>>, vector<1x1x16xf32>,
      %get3A_294 = vector.shape_cast %get3A_293 : vector<1x1x16xf32> to vector<16xf32>
      %swap3A_295 = arith.index_cast %scan3A_288 : i32 to index
      %swap3A_296 = arith.constant 0 : index
      %swap3A_297 = tpu.vector_load %arg6[%swap3A_295, %swap3A_296] {strides = array<i32>} : memref<128x32xf32, #tpu.memory_space<vmem>>, vector<1x16xf32>,
      %swap3A_298 = vector.shape_cast %swap3A_297 : vector<1x16xf32> to vector<16xf32>
      %swap3A_299 = vector.shape_cast %get3A_294 : vector<16xf32> to vector<1x16xf32>
      tpu.vector_store %arg6[%swap3A_295, %swap3A_296], %swap3A_299 {add = true, strides = array<i32>} : memref<128x32xf32, #tpu.memory_space<vmem>>, vector<1x16xf32>,
      %get3A_300 = arith.constant 1 : i32
      %get3A_301 = arith.index_cast %get3A_300 : i32 to index
      %get3A_302 = arith.index_cast %scan3A_288 : i32 to index
      %get3A_303 = arith.constant 16 : index
      %get3A_304 = tpu.vector_load %arg7[%get3A_301, %get3A_302, %get3A_303] {strides = array<i32>} : memref<4x128x32xf32, #tpu.memory_space<vmem>>, vector<1x1x16xf32>,
      %get3A_305 = vector.shape_cast %get3A_304 : vector<1x1x16xf32> to vector<16xf32>
      %swap3A_306 = arith.index_cast %scan3A_288 : i32 to index
      %swap3A_307 = arith.constant 16 : index
      %swap3A_308 = tpu.vector_load %arg6[%swap3A_306, %swap3A_307] {strides = array<i32>} : memref<128x32xf32, #tpu.memory_space<vmem>>, vector<1x16xf32>,
      %swap3A_309 = vector.shape_cast %swap3A_308 : vector<1x16xf32> to vector<16xf32>
      %swap3A_310 = vector.shape_cast %get3A_305 : vector<16xf32> to vector<1x16xf32>
      tpu.vector_store %arg6[%swap3A_306, %swap3A_307], %swap3A_310 {add = true, strides = array<i32>} : memref<128x32xf32, #tpu.memory_space<vmem>>, vector<1x16xf32>,
      %scan3A_311 = arith.constant 0 : i32
      %scan3A_312 = arith.constant 7 : i32
      %scan3A_313 = arith.addi %scan3A_139, %scan3A_312 : i32
      %get3A_314 = arith.constant 1 : i32
      %get3A_315 = arith.index_cast %get3A_314 : i32 to index
      %get3A_316 = arith.index_cast %scan3A_313 : i32 to index
      %get3A_317 = arith.constant 0 : index
      %get3A_318 = tpu.vector_load %arg7[%get3A_315, %get3A_316, %get3A_317] {strides = array<i32>} : memref<4x128x32xf32, #tpu.memory_space<vmem>>, vector<1x1x16xf32>,
      %get3A_319 = vector.shape_cast %get3A_318 : vector<1x1x16xf32> to vector<16xf32>
      %swap3A_320 = arith.index_cast %scan3A_313 : i32 to index
      %swap3A_321 = arith.constant 0 : index
      %swap3A_322 = tpu.vector_load %arg6[%swap3A_320, %swap3A_321] {strides = array<i32>} : memref<128x32xf32, #tpu.memory_space<vmem>>, vector<1x16xf32>,
      %swap3A_323 = vector.shape_cast %swap3A_322 : vector<1x16xf32> to vector<16xf32>
      %swap3A_324 = vector.shape_cast %get3A_319 : vector<16xf32> to vector<1x16xf32>
      tpu.vector_store %arg6[%swap3A_320, %swap3A_321], %swap3A_324 {add = true, strides = array<i32>} : memref<128x32xf32, #tpu.memory_space<vmem>>, vector<1x16xf32>,
      %get3A_325 = arith.constant 1 : i32
      %get3A_326 = arith.index_cast %get3A_325 : i32 to index
      %get3A_327 = arith.index_cast %scan3A_313 : i32 to index
      %get3A_328 = arith.constant 16 : index
      %get3A_329 = tpu.vector_load %arg7[%get3A_326, %get3A_327, %get3A_328] {strides = array<i32>} : memref<4x128x32xf32, #tpu.memory_space<vmem>>, vector<1x1x16xf32>,
      %get3A_330 = vector.shape_cast %get3A_329 : vector<1x1x16xf32> to vector<16xf32>
      %swap3A_331 = arith.index_cast %scan3A_313 : i32 to index
      %swap3A_332 = arith.constant 16 : index
      %swap3A_333 = tpu.vector_load %arg6[%swap3A_331, %swap3A_332] {strides = array<i32>} : memref<128x32xf32, #tpu.memory_space<vmem>>, vector<1x16xf32>,
      %swap3A_334 = vector.shape_cast %swap3A_333 : vector<1x16xf32> to vector<16xf32>
      %swap3A_335 = vector.shape_cast %get3A_330 : vector<16xf32> to vector<1x16xf32>
      tpu.vector_store %arg6[%swap3A_331, %swap3A_332], %swap3A_335 {add = true, strides = array<i32>} : memref<128x32xf32, #tpu.memory_space<vmem>>, vector<1x16xf32>,
      %scan3A_336 = arith.constant 0 : i32
      scf.yield %scan3A_336 : i32
    }
    %scan3A_100 = arith.constant 128 : i32
    %dma_wait3A_101 = arith.constant 0 : i32
    %dma_wait3A_102 = arith.constant 2 : i32
    %dma_wait3A_103 = arith.constant 0 : i32
    %dma_wait3A_104 = arith.constant 0 : i32
    %dma_wait3A_105 = tpu.memref_slice %arg7[%dma_wait3A_102, %dma_wait3A_103, %dma_wait3A_104] : memref<4x128x32xf32, #tpu.memory_space<vmem>> -> memref<1x128x32xf32, #tpu.memory_space<vmem>>
    %dma_wait3A_106 = tpu.memref_squeeze %dma_wait3A_105 : memref<1x128x32xf32, #tpu.memory_space<vmem>> -> memref<128x32xf32, #tpu.memory_space<vmem>>
    %dma_wait3A_107 = arith.constant 0 : i32
    %dma_wait3A_108 = tpu.memref_slice %arg5[%dma_wait3A_101, %dma_wait3A_107] : memref<200x128xi32, #tpu.memory_space<vmem>> -> memref<1x128xi32, #tpu.memory_space<vmem>>
    %dma_wait3A_109 = tpu.memref_squeeze %dma_wait3A_108 : memref<1x128xi32, #tpu.memory_space<vmem>> -> memref<128xi32, #tpu.memory_space<vmem>>
    %dma_wait3A_110 = arith.constant 0 : i32
    %dma_wait3A_111 = arith.constant 0 : i32
    %dma_wait3A_112 = tpu.memref_slice %arg3[%dma_wait3A_110, %dma_wait3A_111] : memref<1000064x32xf32, #tpu.memory_space<hbm>> -> memref<1000064x32xf32, #tpu.memory_space<hbm>>
    tpu.wait_indirect_dma semaphore(%arg10 : memref<!tpu.dma_semaphore, #tpu.memory_space<semaphore_mem>>) src(%dma_wait3A_112 : memref<1000064x32xf32, #tpu.memory_space<hbm>>) dst(%dma_wait3A_106 : memref<128x32xf32, #tpu.memory_space<vmem>>)
    %scan3A_113 = arith.constant 0 : i32
    %scan3A_114 = arith.constant 0 : i32
    %scan3A_115 = arith.constant 128 : i32
    %scan3A_116 = arith.addi %scan3A_114, %scan3A_115 : i32
    %scan3A_117 = arith.constant 8 : i32
    %scan3A_118 = scf.for %scan3A_139 = %scan3A_114 to %scan3A_116 step %scan3A_117 iter_args(%scan3A_140 = %scan3A_113) -> (i32)  : i32 {
      %get3A = arith.constant 2 : i32
      %get3A_141 = arith.index_cast %get3A : i32 to index
      %get3A_142 = arith.index_cast %scan3A_139 : i32 to index
      %get3A_143 = arith.constant 0 : index
      %get3A_144 = tpu.vector_load %arg7[%get3A_141, %get3A_142, %get3A_143] {strides = array<i32>} : memref<4x128x32xf32, #tpu.memory_space<vmem>>, vector<1x1x16xf32>,
      %get3A_145 = vector.shape_cast %get3A_144 : vector<1x1x16xf32> to vector<16xf32>
      %swap3A = arith.index_cast %scan3A_139 : i32 to index
      %swap3A_146 = arith.constant 0 : index
      %swap3A_147 = tpu.vector_load %arg6[%swap3A, %swap3A_146] {strides = array<i32>} : memref<128x32xf32, #tpu.memory_space<vmem>>, vector<1x16xf32>,
      %swap3A_148 = vector.shape_cast %swap3A_147 : vector<1x16xf32> to vector<16xf32>
      %swap3A_149 = vector.shape_cast %get3A_145 : vector<16xf32> to vector<1x16xf32>
      tpu.vector_store %arg6[%swap3A, %swap3A_146], %swap3A_149 {add = true, strides = array<i32>} : memref<128x32xf32, #tpu.memory_space<vmem>>, vector<1x16xf32>,
      %get3A_150 = arith.constant 2 : i32
      %get3A_151 = arith.index_cast %get3A_150 : i32 to index
      %get3A_152 = arith.index_cast %scan3A_139 : i32 to index
      %get3A_153 = arith.constant 16 : index
      %get3A_154 = tpu.vector_load %arg7[%get3A_151, %get3A_152, %get3A_153] {strides = array<i32>} : memref<4x128x32xf32, #tpu.memory_space<vmem>>, vector<1x1x16xf32>,
      %get3A_155 = vector.shape_cast %get3A_154 : vector<1x1x16xf32> to vector<16xf32>
      %swap3A_156 = arith.index_cast %scan3A_139 : i32 to index
      %swap3A_157 = arith.constant 16 : index
      %swap3A_158 = tpu.vector_load %arg6[%swap3A_156, %swap3A_157] {strides = array<i32>} : memref<128x32xf32, #tpu.memory_space<vmem>>, vector<1x16xf32>,
      %swap3A_159 = vector.shape_cast %swap3A_158 : vector<1x16xf32> to vector<16xf32>
      %swap3A_160 = vector.shape_cast %get3A_155 : vector<16xf32> to vector<1x16xf32>
      tpu.vector_store %arg6[%swap3A_156, %swap3A_157], %swap3A_160 {add = true, strides = array<i32>} : memref<128x32xf32, #tpu.memory_space<vmem>>, vector<1x16xf32>,
      %scan3A_161 = arith.constant 0 : i32
      %scan3A_162 = arith.constant 1 : i32
      %scan3A_163 = arith.addi %scan3A_139, %scan3A_162 : i32
      %get3A_164 = arith.constant 2 : i32
      %get3A_165 = arith.index_cast %get3A_164 : i32 to index
      %get3A_166 = arith.index_cast %scan3A_163 : i32 to index
      %get3A_167 = arith.constant 0 : index
      %get3A_168 = tpu.vector_load %arg7[%get3A_165, %get3A_166, %get3A_167] {strides = array<i32>} : memref<4x128x32xf32, #tpu.memory_space<vmem>>, vector<1x1x16xf32>,
      %get3A_169 = vector.shape_cast %get3A_168 : vector<1x1x16xf32> to vector<16xf32>
      %swap3A_170 = arith.index_cast %scan3A_163 : i32 to index
      %swap3A_171 = arith.constant 0 : index
      %swap3A_172 = tpu.vector_load %arg6[%swap3A_170, %swap3A_171] {strides = array<i32>} : memref<128x32xf32, #tpu.memory_space<vmem>>, vector<1x16xf32>,
      %swap3A_173 = vector.shape_cast %swap3A_172 : vector<1x16xf32> to vector<16xf32>
      %swap3A_174 = vector.shape_cast %get3A_169 : vector<16xf32> to vector<1x16xf32>
      tpu.vector_store %arg6[%swap3A_170, %swap3A_171], %swap3A_174 {add = true, strides = array<i32>} : memref<128x32xf32, #tpu.memory_space<vmem>>, vector<1x16xf32>,
      %get3A_175 = arith.constant 2 : i32
      %get3A_176 = arith.index_cast %get3A_175 : i32 to index
      %get3A_177 = arith.index_cast %scan3A_163 : i32 to index
      %get3A_178 = arith.constant 16 : index
      %get3A_179 = tpu.vector_load %arg7[%get3A_176, %get3A_177, %get3A_178] {strides = array<i32>} : memref<4x128x32xf32, #tpu.memory_space<vmem>>, vector<1x1x16xf32>,
      %get3A_180 = vector.shape_cast %get3A_179 : vector<1x1x16xf32> to vector<16xf32>
      %swap3A_181 = arith.index_cast %scan3A_163 : i32 to index
      %swap3A_182 = arith.constant 16 : index
      %swap3A_183 = tpu.vector_load %arg6[%swap3A_181, %swap3A_182] {strides = array<i32>} : memref<128x32xf32, #tpu.memory_space<vmem>>, vector<1x16xf32>,
      %swap3A_184 = vector.shape_cast %swap3A_183 : vector<1x16xf32> to vector<16xf32>
      %swap3A_185 = vector.shape_cast %get3A_180 : vector<16xf32> to vector<1x16xf32>
      tpu.vector_store %arg6[%swap3A_181, %swap3A_182], %swap3A_185 {add = true, strides = array<i32>} : memref<128x32xf32, #tpu.memory_space<vmem>>, vector<1x16xf32>,
      %scan3A_186 = arith.constant 0 : i32
      %scan3A_187 = arith.constant 2 : i32
      %scan3A_188 = arith.addi %scan3A_139, %scan3A_187 : i32
      %get3A_189 = arith.constant 2 : i32
      %get3A_190 = arith.index_cast %get3A_189 : i32 to index
      %get3A_191 = arith.index_cast %scan3A_188 : i32 to index
      %get3A_192 = arith.constant 0 : index
      %get3A_193 = tpu.vector_load %arg7[%get3A_190, %get3A_191, %get3A_192] {strides = array<i32>} : memref<4x128x32xf32, #tpu.memory_space<vmem>>, vector<1x1x16xf32>,
      %get3A_194 = vector.shape_cast %get3A_193 : vector<1x1x16xf32> to vector<16xf32>
      %swap3A_195 = arith.index_cast %scan3A_188 : i32 to index
      %swap3A_196 = arith.constant 0 : index
      %swap3A_197 = tpu.vector_load %arg6[%swap3A_195, %swap3A_196] {strides = array<i32>} : memref<128x32xf32, #tpu.memory_space<vmem>>, vector<1x16xf32>,
      %swap3A_198 = vector.shape_cast %swap3A_197 : vector<1x16xf32> to vector<16xf32>
      %swap3A_199 = vector.shape_cast %get3A_194 : vector<16xf32> to vector<1x16xf32>
      tpu.vector_store %arg6[%swap3A_195, %swap3A_196], %swap3A_199 {add = true, strides = array<i32>} : memref<128x32xf32, #tpu.memory_space<vmem>>, vector<1x16xf32>,
      %get3A_200 = arith.constant 2 : i32
      %get3A_201 = arith.index_cast %get3A_200 : i32 to index
      %get3A_202 = arith.index_cast %scan3A_188 : i32 to index
      %get3A_203 = arith.constant 16 : index
      %get3A_204 = tpu.vector_load %arg7[%get3A_201, %get3A_202, %get3A_203] {strides = array<i32>} : memref<4x128x32xf32, #tpu.memory_space<vmem>>, vector<1x1x16xf32>,
      %get3A_205 = vector.shape_cast %get3A_204 : vector<1x1x16xf32> to vector<16xf32>
      %swap3A_206 = arith.index_cast %scan3A_188 : i32 to index
      %swap3A_207 = arith.constant 16 : index
      %swap3A_208 = tpu.vector_load %arg6[%swap3A_206, %swap3A_207] {strides = array<i32>} : memref<128x32xf32, #tpu.memory_space<vmem>>, vector<1x16xf32>,
      %swap3A_209 = vector.shape_cast %swap3A_208 : vector<1x16xf32> to vector<16xf32>
      %swap3A_210 = vector.shape_cast %get3A_205 : vector<16xf32> to vector<1x16xf32>
      tpu.vector_store %arg6[%swap3A_206, %swap3A_207], %swap3A_210 {add = true, strides = array<i32>} : memref<128x32xf32, #tpu.memory_space<vmem>>, vector<1x16xf32>,
      %scan3A_211 = arith.constant 0 : i32
      %scan3A_212 = arith.constant 3 : i32
      %scan3A_213 = arith.addi %scan3A_139, %scan3A_212 : i32
      %get3A_214 = arith.constant 2 : i32
      %get3A_215 = arith.index_cast %get3A_214 : i32 to index
      %get3A_216 = arith.index_cast %scan3A_213 : i32 to index
      %get3A_217 = arith.constant 0 : index
      %get3A_218 = tpu.vector_load %arg7[%get3A_215, %get3A_216, %get3A_217] {strides = array<i32>} : memref<4x128x32xf32, #tpu.memory_space<vmem>>, vector<1x1x16xf32>,
      %get3A_219 = vector.shape_cast %get3A_218 : vector<1x1x16xf32> to vector<16xf32>
      %swap3A_220 = arith.index_cast %scan3A_213 : i32 to index
      %swap3A_221 = arith.constant 0 : index
      %swap3A_222 = tpu.vector_load %arg6[%swap3A_220, %swap3A_221] {strides = array<i32>} : memref<128x32xf32, #tpu.memory_space<vmem>>, vector<1x16xf32>,
      %swap3A_223 = vector.shape_cast %swap3A_222 : vector<1x16xf32> to vector<16xf32>
      %swap3A_224 = vector.shape_cast %get3A_219 : vector<16xf32> to vector<1x16xf32>
      tpu.vector_store %arg6[%swap3A_220, %swap3A_221], %swap3A_224 {add = true, strides = array<i32>} : memref<128x32xf32, #tpu.memory_space<vmem>>, vector<1x16xf32>,
      %get3A_225 = arith.constant 2 : i32
      %get3A_226 = arith.index_cast %get3A_225 : i32 to index
      %get3A_227 = arith.index_cast %scan3A_213 : i32 to index
      %get3A_228 = arith.constant 16 : index
      %get3A_229 = tpu.vector_load %arg7[%get3A_226, %get3A_227, %get3A_228] {strides = array<i32>} : memref<4x128x32xf32, #tpu.memory_space<vmem>>, vector<1x1x16xf32>,
      %get3A_230 = vector.shape_cast %get3A_229 : vector<1x1x16xf32> to vector<16xf32>
      %swap3A_231 = arith.index_cast %scan3A_213 : i32 to index
      %swap3A_232 = arith.constant 16 : index
      %swap3A_233 = tpu.vector_load %arg6[%swap3A_231, %swap3A_232] {strides = array<i32>} : memref<128x32xf32, #tpu.memory_space<vmem>>, vector<1x16xf32>,
      %swap3A_234 = vector.shape_cast %swap3A_233 : vector<1x16xf32> to vector<16xf32>
      %swap3A_235 = vector.shape_cast %get3A_230 : vector<16xf32> to vector<1x16xf32>
      tpu.vector_store %arg6[%swap3A_231, %swap3A_232], %swap3A_235 {add = true, strides = array<i32>} : memref<128x32xf32, #tpu.memory_space<vmem>>, vector<1x16xf32>,
      %scan3A_236 = arith.constant 0 : i32
      %scan3A_237 = arith.constant 4 : i32
      %scan3A_238 = arith.addi %scan3A_139, %scan3A_237 : i32
      %get3A_239 = arith.constant 2 : i32
      %get3A_240 = arith.index_cast %get3A_239 : i32 to index
      %get3A_241 = arith.index_cast %scan3A_238 : i32 to index
      %get3A_242 = arith.constant 0 : index
      %get3A_243 = tpu.vector_load %arg7[%get3A_240, %get3A_241, %get3A_242] {strides = array<i32>} : memref<4x128x32xf32, #tpu.memory_space<vmem>>, vector<1x1x16xf32>,
      %get3A_244 = vector.shape_cast %get3A_243 : vector<1x1x16xf32> to vector<16xf32>
      %swap3A_245 = arith.index_cast %scan3A_238 : i32 to index
      %swap3A_246 = arith.constant 0 : index
      %swap3A_247 = tpu.vector_load %arg6[%swap3A_245, %swap3A_246] {strides = array<i32>} : memref<128x32xf32, #tpu.memory_space<vmem>>, vector<1x16xf32>,
      %swap3A_248 = vector.shape_cast %swap3A_247 : vector<1x16xf32> to vector<16xf32>
      %swap3A_249 = vector.shape_cast %get3A_244 : vector<16xf32> to vector<1x16xf32>
      tpu.vector_store %arg6[%swap3A_245, %swap3A_246], %swap3A_249 {add = true, strides = array<i32>} : memref<128x32xf32, #tpu.memory_space<vmem>>, vector<1x16xf32>,
      %get3A_250 = arith.constant 2 : i32
      %get3A_251 = arith.index_cast %get3A_250 : i32 to index
      %get3A_252 = arith.index_cast %scan3A_238 : i32 to index
      %get3A_253 = arith.constant 16 : index
      %get3A_254 = tpu.vector_load %arg7[%get3A_251, %get3A_252, %get3A_253] {strides = array<i32>} : memref<4x128x32xf32, #tpu.memory_space<vmem>>, vector<1x1x16xf32>,
      %get3A_255 = vector.shape_cast %get3A_254 : vector<1x1x16xf32> to vector<16xf32>
      %swap3A_256 = arith.index_cast %scan3A_238 : i32 to index
      %swap3A_257 = arith.constant 16 : index
      %swap3A_258 = tpu.vector_load %arg6[%swap3A_256, %swap3A_257] {strides = array<i32>} : memref<128x32xf32, #tpu.memory_space<vmem>>, vector<1x16xf32>,
      %swap3A_259 = vector.shape_cast %swap3A_258 : vector<1x16xf32> to vector<16xf32>
      %swap3A_260 = vector.shape_cast %get3A_255 : vector<16xf32> to vector<1x16xf32>
      tpu.vector_store %arg6[%swap3A_256, %swap3A_257], %swap3A_260 {add = true, strides = array<i32>} : memref<128x32xf32, #tpu.memory_space<vmem>>, vector<1x16xf32>,
      %scan3A_261 = arith.constant 0 : i32
      %scan3A_262 = arith.constant 5 : i32
      %scan3A_263 = arith.addi %scan3A_139, %scan3A_262 : i32
      %get3A_264 = arith.constant 2 : i32
      %get3A_265 = arith.index_cast %get3A_264 : i32 to index
      %get3A_266 = arith.index_cast %scan3A_263 : i32 to index
      %get3A_267 = arith.constant 0 : index
      %get3A_268 = tpu.vector_load %arg7[%get3A_265, %get3A_266, %get3A_267] {strides = array<i32>} : memref<4x128x32xf32, #tpu.memory_space<vmem>>, vector<1x1x16xf32>,
      %get3A_269 = vector.shape_cast %get3A_268 : vector<1x1x16xf32> to vector<16xf32>
      %swap3A_270 = arith.index_cast %scan3A_263 : i32 to index
      %swap3A_271 = arith.constant 0 : index
      %swap3A_272 = tpu.vector_load %arg6[%swap3A_270, %swap3A_271] {strides = array<i32>} : memref<128x32xf32, #tpu.memory_space<vmem>>, vector<1x16xf32>,
      %swap3A_273 = vector.shape_cast %swap3A_272 : vector<1x16xf32> to vector<16xf32>
      %swap3A_274 = vector.shape_cast %get3A_269 : vector<16xf32> to vector<1x16xf32>
      tpu.vector_store %arg6[%swap3A_270, %swap3A_271], %swap3A_274 {add = true, strides = array<i32>} : memref<128x32xf32, #tpu.memory_space<vmem>>, vector<1x16xf32>,
      %get3A_275 = arith.constant 2 : i32
      %get3A_276 = arith.index_cast %get3A_275 : i32 to index
      %get3A_277 = arith.index_cast %scan3A_263 : i32 to index
      %get3A_278 = arith.constant 16 : index
      %get3A_279 = tpu.vector_load %arg7[%get3A_276, %get3A_277, %get3A_278] {strides = array<i32>} : memref<4x128x32xf32, #tpu.memory_space<vmem>>, vector<1x1x16xf32>,
      %get3A_280 = vector.shape_cast %get3A_279 : vector<1x1x16xf32> to vector<16xf32>
      %swap3A_281 = arith.index_cast %scan3A_263 : i32 to index
      %swap3A_282 = arith.constant 16 : index
      %swap3A_283 = tpu.vector_load %arg6[%swap3A_281, %swap3A_282] {strides = array<i32>} : memref<128x32xf32, #tpu.memory_space<vmem>>, vector<1x16xf32>,
      %swap3A_284 = vector.shape_cast %swap3A_283 : vector<1x16xf32> to vector<16xf32>
      %swap3A_285 = vector.shape_cast %get3A_280 : vector<16xf32> to vector<1x16xf32>
      tpu.vector_store %arg6[%swap3A_281, %swap3A_282], %swap3A_285 {add = true, strides = array<i32>} : memref<128x32xf32, #tpu.memory_space<vmem>>, vector<1x16xf32>,
      %scan3A_286 = arith.constant 0 : i32
      %scan3A_287 = arith.constant 6 : i32
      %scan3A_288 = arith.addi %scan3A_139, %scan3A_287 : i32
      %get3A_289 = arith.constant 2 : i32
      %get3A_290 = arith.index_cast %get3A_289 : i32 to index
      %get3A_291 = arith.index_cast %scan3A_288 : i32 to index
      %get3A_292 = arith.constant 0 : index
      %get3A_293 = tpu.vector_load %arg7[%get3A_290, %get3A_291, %get3A_292] {strides = array<i32>} : memref<4x128x32xf32, #tpu.memory_space<vmem>>, vector<1x1x16xf32>,
      %get3A_294 = vector.shape_cast %get3A_293 : vector<1x1x16xf32> to vector<16xf32>
      %swap3A_295 = arith.index_cast %scan3A_288 : i32 to index
      %swap3A_296 = arith.constant 0 : index
      %swap3A_297 = tpu.vector_load %arg6[%swap3A_295, %swap3A_296] {strides = array<i32>} : memref<128x32xf32, #tpu.memory_space<vmem>>, vector<1x16xf32>,
      %swap3A_298 = vector.shape_cast %swap3A_297 : vector<1x16xf32> to vector<16xf32>
      %swap3A_299 = vector.shape_cast %get3A_294 : vector<16xf32> to vector<1x16xf32>
      tpu.vector_store %arg6[%swap3A_295, %swap3A_296], %swap3A_299 {add = true, strides = array<i32>} : memref<128x32xf32, #tpu.memory_space<vmem>>, vector<1x16xf32>,
      %get3A_300 = arith.constant 2 : i32
      %get3A_301 = arith.index_cast %get3A_300 : i32 to index
      %get3A_302 = arith.index_cast %scan3A_288 : i32 to index
      %get3A_303 = arith.constant 16 : index
      %get3A_304 = tpu.vector_load %arg7[%get3A_301, %get3A_302, %get3A_303] {strides = array<i32>} : memref<4x128x32xf32, #tpu.memory_space<vmem>>, vector<1x1x16xf32>,
      %get3A_305 = vector.shape_cast %get3A_304 : vector<1x1x16xf32> to vector<16xf32>
      %swap3A_306 = arith.index_cast %scan3A_288 : i32 to index
      %swap3A_307 = arith.constant 16 : index
      %swap3A_308 = tpu.vector_load %arg6[%swap3A_306, %swap3A_307] {strides = array<i32>} : memref<128x32xf32, #tpu.memory_space<vmem>>, vector<1x16xf32>,
      %swap3A_309 = vector.shape_cast %swap3A_308 : vector<1x16xf32> to vector<16xf32>
      %swap3A_310 = vector.shape_cast %get3A_305 : vector<16xf32> to vector<1x16xf32>
      tpu.vector_store %arg6[%swap3A_306, %swap3A_307], %swap3A_310 {add = true, strides = array<i32>} : memref<128x32xf32, #tpu.memory_space<vmem>>, vector<1x16xf32>,
      %scan3A_311 = arith.constant 0 : i32
      %scan3A_312 = arith.constant 7 : i32
      %scan3A_313 = arith.addi %scan3A_139, %scan3A_312 : i32
      %get3A_314 = arith.constant 2 : i32
      %get3A_315 = arith.index_cast %get3A_314 : i32 to index
      %get3A_316 = arith.index_cast %scan3A_313 : i32 to index
      %get3A_317 = arith.constant 0 : index
      %get3A_318 = tpu.vector_load %arg7[%get3A_315, %get3A_316, %get3A_317] {strides = array<i32>} : memref<4x128x32xf32, #tpu.memory_space<vmem>>, vector<1x1x16xf32>,
      %get3A_319 = vector.shape_cast %get3A_318 : vector<1x1x16xf32> to vector<16xf32>
      %swap3A_320 = arith.index_cast %scan3A_313 : i32 to index
      %swap3A_321 = arith.constant 0 : index
      %swap3A_322 = tpu.vector_load %arg6[%swap3A_320, %swap3A_321] {strides = array<i32>} : memref<128x32xf32, #tpu.memory_space<vmem>>, vector<1x16xf32>,
      %swap3A_323 = vector.shape_cast %swap3A_322 : vector<1x16xf32> to vector<16xf32>
      %swap3A_324 = vector.shape_cast %get3A_319 : vector<16xf32> to vector<1x16xf32>
      tpu.vector_store %arg6[%swap3A_320, %swap3A_321], %swap3A_324 {add = true, strides = array<i32>} : memref<128x32xf32, #tpu.memory_space<vmem>>, vector<1x16xf32>,
      %get3A_325 = arith.constant 2 : i32
      %get3A_326 = arith.index_cast %get3A_325 : i32 to index
      %get3A_327 = arith.index_cast %scan3A_313 : i32 to index
      %get3A_328 = arith.constant 16 : index
      %get3A_329 = tpu.vector_load %arg7[%get3A_326, %get3A_327, %get3A_328] {strides = array<i32>} : memref<4x128x32xf32, #tpu.memory_space<vmem>>, vector<1x1x16xf32>,
      %get3A_330 = vector.shape_cast %get3A_329 : vector<1x1x16xf32> to vector<16xf32>
      %swap3A_331 = arith.index_cast %scan3A_313 : i32 to index
      %swap3A_332 = arith.constant 16 : index
      %swap3A_333 = tpu.vector_load %arg6[%swap3A_331, %swap3A_332] {strides = array<i32>} : memref<128x32xf32, #tpu.memory_space<vmem>>, vector<1x16xf32>,
      %swap3A_334 = vector.shape_cast %swap3A_333 : vector<1x16xf32> to vector<16xf32>
      %swap3A_335 = vector.shape_cast %get3A_330 : vector<16xf32> to vector<1x16xf32>
      tpu.vector_store %arg6[%swap3A_331, %swap3A_332], %swap3A_335 {add = true, strides = array<i32>} : memref<128x32xf32, #tpu.memory_space<vmem>>, vector<1x16xf32>,
      %scan3A_336 = arith.constant 0 : i32
      scf.yield %scan3A_336 : i32
    }
    %scan3A_119 = arith.constant 128 : i32
    %dma_wait3A_120 = arith.constant 0 : i32
    %dma_wait3A_121 = arith.constant 3 : i32
    %dma_wait3A_122 = arith.constant 0 : i32
    %dma_wait3A_123 = arith.constant 0 : i32
    %dma_wait3A_124 = tpu.memref_slice %arg7[%dma_wait3A_121, %dma_wait3A_122, %dma_wait3A_123] : memref<4x128x32xf32, #tpu.memory_space<vmem>> -> memref<1x128x32xf32, #tpu.memory_space<vmem>>
    %dma_wait3A_125 = tpu.memref_squeeze %dma_wait3A_124 : memref<1x128x32xf32, #tpu.memory_space<vmem>> -> memref<128x32xf32, #tpu.memory_space<vmem>>
    %dma_wait3A_126 = arith.constant 0 : i32
    %dma_wait3A_127 = tpu.memref_slice %arg5[%dma_wait3A_120, %dma_wait3A_126] : memref<200x128xi32, #tpu.memory_space<vmem>> -> memref<1x128xi32, #tpu.memory_space<vmem>>
    %dma_wait3A_128 = tpu.memref_squeeze %dma_wait3A_127 : memref<1x128xi32, #tpu.memory_space<vmem>> -> memref<128xi32, #tpu.memory_space<vmem>>
    %dma_wait3A_129 = arith.constant 0 : i32
    %dma_wait3A_130 = arith.constant 0 : i32
    %dma_wait3A_131 = tpu.memref_slice %arg3[%dma_wait3A_129, %dma_wait3A_130] : memref<1000064x32xf32, #tpu.memory_space<hbm>> -> memref<1000064x32xf32, #tpu.memory_space<hbm>>
    tpu.wait_indirect_dma semaphore(%arg11 : memref<!tpu.dma_semaphore, #tpu.memory_space<semaphore_mem>>) src(%dma_wait3A_131 : memref<1000064x32xf32, #tpu.memory_space<hbm>>) dst(%dma_wait3A_125 : memref<128x32xf32, #tpu.memory_space<vmem>>)
    %scan3A_132 = arith.constant 0 : i32
    %scan3A_133 = arith.constant 0 : i32
    %scan3A_134 = arith.constant 128 : i32
    %scan3A_135 = arith.addi %scan3A_133, %scan3A_134 : i32
    %scan3A_136 = arith.constant 8 : i32
    %scan3A_137 = scf.for %scan3A_139 = %scan3A_133 to %scan3A_135 step %scan3A_136 iter_args(%scan3A_140 = %scan3A_132) -> (i32)  : i32 {
      %get3A = arith.constant 3 : i32
      %get3A_141 = arith.index_cast %get3A : i32 to index
      %get3A_142 = arith.index_cast %scan3A_139 : i32 to index
      %get3A_143 = arith.constant 0 : index
      %get3A_144 = tpu.vector_load %arg7[%get3A_141, %get3A_142, %get3A_143] {strides = array<i32>} : memref<4x128x32xf32, #tpu.memory_space<vmem>>, vector<1x1x16xf32>,
      %get3A_145 = vector.shape_cast %get3A_144 : vector<1x1x16xf32> to vector<16xf32>
      %swap3A = arith.index_cast %scan3A_139 : i32 to index
      %swap3A_146 = arith.constant 0 : index
      %swap3A_147 = tpu.vector_load %arg6[%swap3A, %swap3A_146] {strides = array<i32>} : memref<128x32xf32, #tpu.memory_space<vmem>>, vector<1x16xf32>,
      %swap3A_148 = vector.shape_cast %swap3A_147 : vector<1x16xf32> to vector<16xf32>
      %swap3A_149 = vector.shape_cast %get3A_145 : vector<16xf32> to vector<1x16xf32>
      tpu.vector_store %arg6[%swap3A, %swap3A_146], %swap3A_149 {add = true, strides = array<i32>} : memref<128x32xf32, #tpu.memory_space<vmem>>, vector<1x16xf32>,
      %get3A_150 = arith.constant 3 : i32
      %get3A_151 = arith.index_cast %get3A_150 : i32 to index
      %get3A_152 = arith.index_cast %scan3A_139 : i32 to index
      %get3A_153 = arith.constant 16 : index
      %get3A_154 = tpu.vector_load %arg7[%get3A_151, %get3A_152, %get3A_153] {strides = array<i32>} : memref<4x128x32xf32, #tpu.memory_space<vmem>>, vector<1x1x16xf32>,
      %get3A_155 = vector.shape_cast %get3A_154 : vector<1x1x16xf32> to vector<16xf32>
      %swap3A_156 = arith.index_cast %scan3A_139 : i32 to index
      %swap3A_157 = arith.constant 16 : index
      %swap3A_158 = tpu.vector_load %arg6[%swap3A_156, %swap3A_157] {strides = array<i32>} : memref<128x32xf32, #tpu.memory_space<vmem>>, vector<1x16xf32>,
      %swap3A_159 = vector.shape_cast %swap3A_158 : vector<1x16xf32> to vector<16xf32>
      %swap3A_160 = vector.shape_cast %get3A_155 : vector<16xf32> to vector<1x16xf32>
      tpu.vector_store %arg6[%swap3A_156, %swap3A_157], %swap3A_160 {add = true, strides = array<i32>} : memref<128x32xf32, #tpu.memory_space<vmem>>, vector<1x16xf32>,
      %scan3A_161 = arith.constant 0 : i32
      %scan3A_162 = arith.constant 1 : i32
      %scan3A_163 = arith.addi %scan3A_139, %scan3A_162 : i32
      %get3A_164 = arith.constant 3 : i32
      %get3A_165 = arith.index_cast %get3A_164 : i32 to index
      %get3A_166 = arith.index_cast %scan3A_163 : i32 to index
      %get3A_167 = arith.constant 0 : index
      %get3A_168 = tpu.vector_load %arg7[%get3A_165, %get3A_166, %get3A_167] {strides = array<i32>} : memref<4x128x32xf32, #tpu.memory_space<vmem>>, vector<1x1x16xf32>,
      %get3A_169 = vector.shape_cast %get3A_168 : vector<1x1x16xf32> to vector<16xf32>
      %swap3A_170 = arith.index_cast %scan3A_163 : i32 to index
      %swap3A_171 = arith.constant 0 : index
      %swap3A_172 = tpu.vector_load %arg6[%swap3A_170, %swap3A_171] {strides = array<i32>} : memref<128x32xf32, #tpu.memory_space<vmem>>, vector<1x16xf32>,
      %swap3A_173 = vector.shape_cast %swap3A_172 : vector<1x16xf32> to vector<16xf32>
      %swap3A_174 = vector.shape_cast %get3A_169 : vector<16xf32> to vector<1x16xf32>
      tpu.vector_store %arg6[%swap3A_170, %swap3A_171], %swap3A_174 {add = true, strides = array<i32>} : memref<128x32xf32, #tpu.memory_space<vmem>>, vector<1x16xf32>,
      %get3A_175 = arith.constant 3 : i32
      %get3A_176 = arith.index_cast %get3A_175 : i32 to index
      %get3A_177 = arith.index_cast %scan3A_163 : i32 to index
      %get3A_178 = arith.constant 16 : index
      %get3A_179 = tpu.vector_load %arg7[%get3A_176, %get3A_177, %get3A_178] {strides = array<i32>} : memref<4x128x32xf32, #tpu.memory_space<vmem>>, vector<1x1x16xf32>,
      %get3A_180 = vector.shape_cast %get3A_179 : vector<1x1x16xf32> to vector<16xf32>
      %swap3A_181 = arith.index_cast %scan3A_163 : i32 to index
      %swap3A_182 = arith.constant 16 : index
      %swap3A_183 = tpu.vector_load %arg6[%swap3A_181, %swap3A_182] {strides = array<i32>} : memref<128x32xf32, #tpu.memory_space<vmem>>, vector<1x16xf32>,
      %swap3A_184 = vector.shape_cast %swap3A_183 : vector<1x16xf32> to vector<16xf32>
      %swap3A_185 = vector.shape_cast %get3A_180 : vector<16xf32> to vector<1x16xf32>
      tpu.vector_store %arg6[%swap3A_181, %swap3A_182], %swap3A_185 {add = true, strides = array<i32>} : memref<128x32xf32, #tpu.memory_space<vmem>>, vector<1x16xf32>,
      %scan3A_186 = arith.constant 0 : i32
      %scan3A_187 = arith.constant 2 : i32
      %scan3A_188 = arith.addi %scan3A_139, %scan3A_187 : i32
      %get3A_189 = arith.constant 3 : i32
      %get3A_190 = arith.index_cast %get3A_189 : i32 to index
      %get3A_191 = arith.index_cast %scan3A_188 : i32 to index
      %get3A_192 = arith.constant 0 : index
      %get3A_193 = tpu.vector_load %arg7[%get3A_190, %get3A_191, %get3A_192] {strides = array<i32>} : memref<4x128x32xf32, #tpu.memory_space<vmem>>, vector<1x1x16xf32>,
      %get3A_194 = vector.shape_cast %get3A_193 : vector<1x1x16xf32> to vector<16xf32>
      %swap3A_195 = arith.index_cast %scan3A_188 : i32 to index
      %swap3A_196 = arith.constant 0 : index
      %swap3A_197 = tpu.vector_load %arg6[%swap3A_195, %swap3A_196] {strides = array<i32>} : memref<128x32xf32, #tpu.memory_space<vmem>>, vector<1x16xf32>,
      %swap3A_198 = vector.shape_cast %swap3A_197 : vector<1x16xf32> to vector<16xf32>
      %swap3A_199 = vector.shape_cast %get3A_194 : vector<16xf32> to vector<1x16xf32>
      tpu.vector_store %arg6[%swap3A_195, %swap3A_196], %swap3A_199 {add = true, strides = array<i32>} : memref<128x32xf32, #tpu.memory_space<vmem>>, vector<1x16xf32>,
      %get3A_200 = arith.constant 3 : i32
      %get3A_201 = arith.index_cast %get3A_200 : i32 to index
      %get3A_202 = arith.index_cast %scan3A_188 : i32 to index
      %get3A_203 = arith.constant 16 : index
      %get3A_204 = tpu.vector_load %arg7[%get3A_201, %get3A_202, %get3A_203] {strides = array<i32>} : memref<4x128x32xf32, #tpu.memory_space<vmem>>, vector<1x1x16xf32>,
      %get3A_205 = vector.shape_cast %get3A_204 : vector<1x1x16xf32> to vector<16xf32>
      %swap3A_206 = arith.index_cast %scan3A_188 : i32 to index
      %swap3A_207 = arith.constant 16 : index
      %swap3A_208 = tpu.vector_load %arg6[%swap3A_206, %swap3A_207] {strides = array<i32>} : memref<128x32xf32, #tpu.memory_space<vmem>>, vector<1x16xf32>,
      %swap3A_209 = vector.shape_cast %swap3A_208 : vector<1x16xf32> to vector<16xf32>
      %swap3A_210 = vector.shape_cast %get3A_205 : vector<16xf32> to vector<1x16xf32>
      tpu.vector_store %arg6[%swap3A_206, %swap3A_207], %swap3A_210 {add = true, strides = array<i32>} : memref<128x32xf32, #tpu.memory_space<vmem>>, vector<1x16xf32>,
      %scan3A_211 = arith.constant 0 : i32
      %scan3A_212 = arith.constant 3 : i32
      %scan3A_213 = arith.addi %scan3A_139, %scan3A_212 : i32
      %get3A_214 = arith.constant 3 : i32
      %get3A_215 = arith.index_cast %get3A_214 : i32 to index
      %get3A_216 = arith.index_cast %scan3A_213 : i32 to index
      %get3A_217 = arith.constant 0 : index
      %get3A_218 = tpu.vector_load %arg7[%get3A_215, %get3A_216, %get3A_217] {strides = array<i32>} : memref<4x128x32xf32, #tpu.memory_space<vmem>>, vector<1x1x16xf32>,
      %get3A_219 = vector.shape_cast %get3A_218 : vector<1x1x16xf32> to vector<16xf32>
      %swap3A_220 = arith.index_cast %scan3A_213 : i32 to index
      %swap3A_221 = arith.constant 0 : index
      %swap3A_222 = tpu.vector_load %arg6[%swap3A_220, %swap3A_221] {strides = array<i32>} : memref<128x32xf32, #tpu.memory_space<vmem>>, vector<1x16xf32>,
      %swap3A_223 = vector.shape_cast %swap3A_222 : vector<1x16xf32> to vector<16xf32>
      %swap3A_224 = vector.shape_cast %get3A_219 : vector<16xf32> to vector<1x16xf32>
      tpu.vector_store %arg6[%swap3A_220, %swap3A_221], %swap3A_224 {add = true, strides = array<i32>} : memref<128x32xf32, #tpu.memory_space<vmem>>, vector<1x16xf32>,
      %get3A_225 = arith.constant 3 : i32
      %get3A_226 = arith.index_cast %get3A_225 : i32 to index
      %get3A_227 = arith.index_cast %scan3A_213 : i32 to index
      %get3A_228 = arith.constant 16 : index
      %get3A_229 = tpu.vector_load %arg7[%get3A_226, %get3A_227, %get3A_228] {strides = array<i32>} : memref<4x128x32xf32, #tpu.memory_space<vmem>>, vector<1x1x16xf32>,
      %get3A_230 = vector.shape_cast %get3A_229 : vector<1x1x16xf32> to vector<16xf32>
      %swap3A_231 = arith.index_cast %scan3A_213 : i32 to index
      %swap3A_232 = arith.constant 16 : index
      %swap3A_233 = tpu.vector_load %arg6[%swap3A_231, %swap3A_232] {strides = array<i32>} : memref<128x32xf32, #tpu.memory_space<vmem>>, vector<1x16xf32>,
      %swap3A_234 = vector.shape_cast %swap3A_233 : vector<1x16xf32> to vector<16xf32>
      %swap3A_235 = vector.shape_cast %get3A_230 : vector<16xf32> to vector<1x16xf32>
      tpu.vector_store %arg6[%swap3A_231, %swap3A_232], %swap3A_235 {add = true, strides = array<i32>} : memref<128x32xf32, #tpu.memory_space<vmem>>, vector<1x16xf32>,
      %scan3A_236 = arith.constant 0 : i32
      %scan3A_237 = arith.constant 4 : i32
      %scan3A_238 = arith.addi %scan3A_139, %scan3A_237 : i32
      %get3A_239 = arith.constant 3 : i32
      %get3A_240 = arith.index_cast %get3A_239 : i32 to index
      %get3A_241 = arith.index_cast %scan3A_238 : i32 to index
      %get3A_242 = arith.constant 0 : index
      %get3A_243 = tpu.vector_load %arg7[%get3A_240, %get3A_241, %get3A_242] {strides = array<i32>} : memref<4x128x32xf32, #tpu.memory_space<vmem>>, vector<1x1x16xf32>,
      %get3A_244 = vector.shape_cast %get3A_243 : vector<1x1x16xf32> to vector<16xf32>
      %swap3A_245 = arith.index_cast %scan3A_238 : i32 to index
      %swap3A_246 = arith.constant 0 : index
      %swap3A_247 = tpu.vector_load %arg6[%swap3A_245, %swap3A_246] {strides = array<i32>} : memref<128x32xf32, #tpu.memory_space<vmem>>, vector<1x16xf32>,
      %swap3A_248 = vector.shape_cast %swap3A_247 : vector<1x16xf32> to vector<16xf32>
      %swap3A_249 = vector.shape_cast %get3A_244 : vector<16xf32> to vector<1x16xf32>
      tpu.vector_store %arg6[%swap3A_245, %swap3A_246], %swap3A_249 {add = true, strides = array<i32>} : memref<128x32xf32, #tpu.memory_space<vmem>>, vector<1x16xf32>,
      %get3A_250 = arith.constant 3 : i32
      %get3A_251 = arith.index_cast %get3A_250 : i32 to index
      %get3A_252 = arith.index_cast %scan3A_238 : i32 to index
      %get3A_253 = arith.constant 16 : index
      %get3A_254 = tpu.vector_load %arg7[%get3A_251, %get3A_252, %get3A_253] {strides = array<i32>} : memref<4x128x32xf32, #tpu.memory_space<vmem>>, vector<1x1x16xf32>,
      %get3A_255 = vector.shape_cast %get3A_254 : vector<1x1x16xf32> to vector<16xf32>
      %swap3A_256 = arith.index_cast %scan3A_238 : i32 to index
      %swap3A_257 = arith.constant 16 : index
      %swap3A_258 = tpu.vector_load %arg6[%swap3A_256, %swap3A_257] {strides = array<i32>} : memref<128x32xf32, #tpu.memory_space<vmem>>, vector<1x16xf32>,
      %swap3A_259 = vector.shape_cast %swap3A_258 : vector<1x16xf32> to vector<16xf32>
      %swap3A_260 = vector.shape_cast %get3A_255 : vector<16xf32> to vector<1x16xf32>
      tpu.vector_store %arg6[%swap3A_256, %swap3A_257], %swap3A_260 {add = true, strides = array<i32>} : memref<128x32xf32, #tpu.memory_space<vmem>>, vector<1x16xf32>,
      %scan3A_261 = arith.constant 0 : i32
      %scan3A_262 = arith.constant 5 : i32
      %scan3A_263 = arith.addi %scan3A_139, %scan3A_262 : i32
      %get3A_264 = arith.constant 3 : i32
      %get3A_265 = arith.index_cast %get3A_264 : i32 to index
      %get3A_266 = arith.index_cast %scan3A_263 : i32 to index
      %get3A_267 = arith.constant 0 : index
      %get3A_268 = tpu.vector_load %arg7[%get3A_265, %get3A_266, %get3A_267] {strides = array<i32>} : memref<4x128x32xf32, #tpu.memory_space<vmem>>, vector<1x1x16xf32>,
      %get3A_269 = vector.shape_cast %get3A_268 : vector<1x1x16xf32> to vector<16xf32>
      %swap3A_270 = arith.index_cast %scan3A_263 : i32 to index
      %swap3A_271 = arith.constant 0 : index
      %swap3A_272 = tpu.vector_load %arg6[%swap3A_270, %swap3A_271] {strides = array<i32>} : memref<128x32xf32, #tpu.memory_space<vmem>>, vector<1x16xf32>,
      %swap3A_273 = vector.shape_cast %swap3A_272 : vector<1x16xf32> to vector<16xf32>
      %swap3A_274 = vector.shape_cast %get3A_269 : vector<16xf32> to vector<1x16xf32>
      tpu.vector_store %arg6[%swap3A_270, %swap3A_271], %swap3A_274 {add = true, strides = array<i32>} : memref<128x32xf32, #tpu.memory_space<vmem>>, vector<1x16xf32>,
      %get3A_275 = arith.constant 3 : i32
      %get3A_276 = arith.index_cast %get3A_275 : i32 to index
      %get3A_277 = arith.index_cast %scan3A_263 : i32 to index
      %get3A_278 = arith.constant 16 : index
      %get3A_279 = tpu.vector_load %arg7[%get3A_276, %get3A_277, %get3A_278] {strides = array<i32>} : memref<4x128x32xf32, #tpu.memory_space<vmem>>, vector<1x1x16xf32>,
      %get3A_280 = vector.shape_cast %get3A_279 : vector<1x1x16xf32> to vector<16xf32>
      %swap3A_281 = arith.index_cast %scan3A_263 : i32 to index
      %swap3A_282 = arith.constant 16 : index
      %swap3A_283 = tpu.vector_load %arg6[%swap3A_281, %swap3A_282] {strides = array<i32>} : memref<128x32xf32, #tpu.memory_space<vmem>>, vector<1x16xf32>,
      %swap3A_284 = vector.shape_cast %swap3A_283 : vector<1x16xf32> to vector<16xf32>
      %swap3A_285 = vector.shape_cast %get3A_280 : vector<16xf32> to vector<1x16xf32>
      tpu.vector_store %arg6[%swap3A_281, %swap3A_282], %swap3A_285 {add = true, strides = array<i32>} : memref<128x32xf32, #tpu.memory_space<vmem>>, vector<1x16xf32>,
      %scan3A_286 = arith.constant 0 : i32
      %scan3A_287 = arith.constant 6 : i32
      %scan3A_288 = arith.addi %scan3A_139, %scan3A_287 : i32
      %get3A_289 = arith.constant 3 : i32
      %get3A_290 = arith.index_cast %get3A_289 : i32 to index
      %get3A_291 = arith.index_cast %scan3A_288 : i32 to index
      %get3A_292 = arith.constant 0 : index
      %get3A_293 = tpu.vector_load %arg7[%get3A_290, %get3A_291, %get3A_292] {strides = array<i32>} : memref<4x128x32xf32, #tpu.memory_space<vmem>>, vector<1x1x16xf32>,
      %get3A_294 = vector.shape_cast %get3A_293 : vector<1x1x16xf32> to vector<16xf32>
      %swap3A_295 = arith.index_cast %scan3A_288 : i32 to index
      %swap3A_296 = arith.constant 0 : index
      %swap3A_297 = tpu.vector_load %arg6[%swap3A_295, %swap3A_296] {strides = array<i32>} : memref<128x32xf32, #tpu.memory_space<vmem>>, vector<1x16xf32>,
      %swap3A_298 = vector.shape_cast %swap3A_297 : vector<1x16xf32> to vector<16xf32>
      %swap3A_299 = vector.shape_cast %get3A_294 : vector<16xf32> to vector<1x16xf32>
      tpu.vector_store %arg6[%swap3A_295, %swap3A_296], %swap3A_299 {add = true, strides = array<i32>} : memref<128x32xf32, #tpu.memory_space<vmem>>, vector<1x16xf32>,
      %get3A_300 = arith.constant 3 : i32
      %get3A_301 = arith.index_cast %get3A_300 : i32 to index
      %get3A_302 = arith.index_cast %scan3A_288 : i32 to index
      %get3A_303 = arith.constant 16 : index
      %get3A_304 = tpu.vector_load %arg7[%get3A_301, %get3A_302, %get3A_303] {strides = array<i32>} : memref<4x128x32xf32, #tpu.memory_space<vmem>>, vector<1x1x16xf32>,
      %get3A_305 = vector.shape_cast %get3A_304 : vector<1x1x16xf32> to vector<16xf32>
      %swap3A_306 = arith.index_cast %scan3A_288 : i32 to index
      %swap3A_307 = arith.constant 16 : index
      %swap3A_308 = tpu.vector_load %arg6[%swap3A_306, %swap3A_307] {strides = array<i32>} : memref<128x32xf32, #tpu.memory_space<vmem>>, vector<1x16xf32>,
      %swap3A_309 = vector.shape_cast %swap3A_308 : vector<1x16xf32> to vector<16xf32>
      %swap3A_310 = vector.shape_cast %get3A_305 : vector<16xf32> to vector<1x16xf32>
      tpu.vector_store %arg6[%swap3A_306, %swap3A_307], %swap3A_310 {add = true, strides = array<i32>} : memref<128x32xf32, #tpu.memory_space<vmem>>, vector<1x16xf32>,
      %scan3A_311 = arith.constant 0 : i32
      %scan3A_312 = arith.constant 7 : i32
      %scan3A_313 = arith.addi %scan3A_139, %scan3A_312 : i32
      %get3A_314 = arith.constant 3 : i32
      %get3A_315 = arith.index_cast %get3A_314 : i32 to index
      %get3A_316 = arith.index_cast %scan3A_313 : i32 to index
      %get3A_317 = arith.constant 0 : index
      %get3A_318 = tpu.vector_load %arg7[%get3A_315, %get3A_316, %get3A_317] {strides = array<i32>} : memref<4x128x32xf32, #tpu.memory_space<vmem>>, vector<1x1x16xf32>,
      %get3A_319 = vector.shape_cast %get3A_318 : vector<1x1x16xf32> to vector<16xf32>
      %swap3A_320 = arith.index_cast %scan3A_313 : i32 to index
      %swap3A_321 = arith.constant 0 : index
      %swap3A_322 = tpu.vector_load %arg6[%swap3A_320, %swap3A_321] {strides = array<i32>} : memref<128x32xf32, #tpu.memory_space<vmem>>, vector<1x16xf32>,
      %swap3A_323 = vector.shape_cast %swap3A_322 : vector<1x16xf32> to vector<16xf32>
      %swap3A_324 = vector.shape_cast %get3A_319 : vector<16xf32> to vector<1x16xf32>
      tpu.vector_store %arg6[%swap3A_320, %swap3A_321], %swap3A_324 {add = true, strides = array<i32>} : memref<128x32xf32, #tpu.memory_space<vmem>>, vector<1x16xf32>,
      %get3A_325 = arith.constant 3 : i32
      %get3A_326 = arith.index_cast %get3A_325 : i32 to index
      %get3A_327 = arith.index_cast %scan3A_313 : i32 to index
      %get3A_328 = arith.constant 16 : index
      %get3A_329 = tpu.vector_load %arg7[%get3A_326, %get3A_327, %get3A_328] {strides = array<i32>} : memref<4x128x32xf32, #tpu.memory_space<vmem>>, vector<1x1x16xf32>,
      %get3A_330 = vector.shape_cast %get3A_329 : vector<1x1x16xf32> to vector<16xf32>
      %swap3A_331 = arith.index_cast %scan3A_313 : i32 to index
      %swap3A_332 = arith.constant 16 : index
      %swap3A_333 = tpu.vector_load %arg6[%swap3A_331, %swap3A_332] {strides = array<i32>} : memref<128x32xf32, #tpu.memory_space<vmem>>, vector<1x16xf32>,
      %swap3A_334 = vector.shape_cast %swap3A_333 : vector<1x16xf32> to vector<16xf32>
      %swap3A_335 = vector.shape_cast %get3A_330 : vector<16xf32> to vector<1x16xf32>
      tpu.vector_store %arg6[%swap3A_331, %swap3A_332], %swap3A_335 {add = true, strides = array<i32>} : memref<128x32xf32, #tpu.memory_space<vmem>>, vector<1x16xf32>,
      %scan3A_336 = arith.constant 0 : i32
      scf.yield %scan3A_336 : i32
    }
    %scan3A_138 = arith.constant 128 : i32
    "tpu.region"() ({
      %run_scoped3A = tpu.sem_alloc : memref<!tpu.dma_semaphore, #tpu.memory_space<semaphore_mem>>
      %dma_start3A_139 = arith.constant 0 : i32
      %dma_start3A_140 = tpu.memref_slice %arg4[%mul3A_2, %dma_start3A_139] : memref<4096x32xf32, #tpu.memory_space<hbm>> -> memref<128x32xf32, #tpu.memory_space<hbm>>
      %dma_start3A_141 = arith.constant 0 : i32
      %dma_start3A_142 = tpu.memref_slice %arg4[%mul3A_2, %dma_start3A_141] : memref<4096x32xf32, #tpu.memory_space<hbm>> -> memref<128x32xf32, #tpu.memory_space<hbm>>
      tpu.enqueue_dma source(%arg6 : memref<128x32xf32, #tpu.memory_space<vmem>>) target(%dma_start3A_142 : memref<128x32xf32, #tpu.memory_space<hbm>>) target_semaphore(%run_scoped3A : memref<!tpu.dma_semaphore, #tpu.memory_space<semaphore_mem>>)
      %dma_wait3A_143 = arith.constant 0 : i32
      %dma_wait3A_144 = tpu.memref_slice %arg4[%mul3A_2, %dma_wait3A_143] : memref<4096x32xf32, #tpu.memory_space<hbm>> -> memref<128x32xf32, #tpu.memory_space<hbm>>
      %dma_wait3A_145 = arith.constant 0 : i32
      %dma_wait3A_146 = tpu.memref_slice %arg4[%mul3A_2, %dma_wait3A_145] : memref<4096x32xf32, #tpu.memory_space<hbm>> -> memref<128x32xf32, #tpu.memory_space<hbm>>
      tpu.wait_dma2 semaphore(%run_scoped3A : memref<!tpu.dma_semaphore, #tpu.memory_space<semaphore_mem>>) src(%arg6 : memref<128x32xf32, #tpu.memory_space<vmem>>) dst(%dma_wait3A_146 : memref<128x32xf32, #tpu.memory_space<hbm>>)
      tpu.yield
    }) : () -> ()
    return
  }
}

#map = affine_map<(d0, d1) -> (0, 0)>
#map1 = affine_map<(d0, d1) -> (0)>
module attributes {stable_mosaic.version = 14 : i64} {
  func.func @tr(%arg0: i32, %arg1: i32, %arg2: memref<32x1000000xf32, #tpu.memory_space<hbm>>, %arg3: memref<32002048xf32, #tpu.memory_space<hbm>>, %arg4: memref<32x128xf32, #tpu.memory_space<vmem>>, %arg5: memref<32x128xf32, #tpu.memory_space<vmem>>, %arg6: memref<4096xf32, #tpu.memory_space<vmem>>, %arg7: memref<4096xf32, #tpu.memory_space<vmem>>, %arg8: memref<!tpu.dma_semaphore, #tpu.memory_space<semaphore_mem>>, %arg9: memref<!tpu.dma_semaphore, #tpu.memory_space<semaphore_mem>>, %arg10: memref<!tpu.dma_semaphore, #tpu.memory_space<semaphore_mem>>, %arg11: memref<!tpu.dma_semaphore, #tpu.memory_space<semaphore_mem>>) attributes {dimension_semantics = [#tpu.dimension_semantics<core_parallel>, #tpu.dimension_semantics<subcore_parallel>], iteration_bounds = array<i64: 2, 16>, scalar_prefetch = 0 : i64, scratch_operands = 8 : i64, tpu.core_type = #tpu.core_type<sc_vector_subcore>, window_params = [{transform_indices = #map}, {transform_indices = #map1}]} {
    %mul3A = arith.constant 2 : i32
    %mul3A_0 = arith.muli %arg1, %mul3A : i32
    %add3A = arith.addi %mul3A_0, %arg0 : i32
    %mul3A_1 = arith.constant 246 : i32
    %mul3A_2 = arith.muli %add3A, %mul3A_1 : i32
    %iota3A = tpu.iota {dimensions = array<i32: 0>} : vector<16xi32>
    %add3A_3 = arith.constant 0 : i32
    %add3A_4 = arith.addi %mul3A_2, %add3A_3 : i32
    %min3A = arith.constant 7812 : i32
    %min3A_5 = arith.minsi %add3A_4, %min3A : i32
    %mul3A_6 = arith.constant 128 : i32
    %mul3A_7 = arith.muli %min3A_5, %mul3A_6 : i32
    %dma_start3A = arith.constant 0 : i32
    %dma_start3A_8 = tpu.memref_slice %arg2[%dma_start3A, %mul3A_7] : memref<32x1000000xf32, #tpu.memory_space<hbm>> -> memref<32x128xf32, #tpu.memory_space<hbm>>
    %dma_start3A_9 = arith.constant 0 : i32
    %dma_start3A_10 = tpu.memref_slice %arg2[%dma_start3A_9, %mul3A_7] : memref<32x1000000xf32, #tpu.memory_space<hbm>> -> memref<32x128xf32, #tpu.memory_space<hbm>>
    tpu.enqueue_dma source(%dma_start3A_10 : memref<32x128xf32, #tpu.memory_space<hbm>>) target(%arg4 : memref<32x128xf32, #tpu.memory_space<vmem>>) target_semaphore(%arg8 : memref<!tpu.dma_semaphore, #tpu.memory_space<semaphore_mem>>)
    %add3A_11 = arith.constant 1 : i32
    %add3A_12 = arith.addi %mul3A_2, %add3A_11 : i32
    %min3A_13 = arith.constant 7812 : i32
    %min3A_14 = arith.minsi %add3A_12, %min3A_13 : i32
    %mul3A_15 = arith.constant 128 : i32
    %mul3A_16 = arith.muli %min3A_14, %mul3A_15 : i32
    %dma_start3A_17 = arith.constant 0 : i32
    %dma_start3A_18 = tpu.memref_slice %arg2[%dma_start3A_17, %mul3A_16] : memref<32x1000000xf32, #tpu.memory_space<hbm>> -> memref<32x128xf32, #tpu.memory_space<hbm>>
    %dma_start3A_19 = arith.constant 0 : i32
    %dma_start3A_20 = tpu.memref_slice %arg2[%dma_start3A_19, %mul3A_16] : memref<32x1000000xf32, #tpu.memory_space<hbm>> -> memref<32x128xf32, #tpu.memory_space<hbm>>
    tpu.enqueue_dma source(%dma_start3A_20 : memref<32x128xf32, #tpu.memory_space<hbm>>) target(%arg5 : memref<32x128xf32, #tpu.memory_space<vmem>>) target_semaphore(%arg9 : memref<!tpu.dma_semaphore, #tpu.memory_space<semaphore_mem>>)
    %scan3A = arith.constant 0 : i32
    %scan3A_21 = arith.constant 0 : i32
    %scan3A_22 = arith.constant 123 : i32
    %scan3A_23 = arith.addi %scan3A_21, %scan3A_22 : i32
    %scan3A_24 = arith.constant 1 : i32
    %scan3A_25 = scf.for %scan3A_34 = %scan3A_21 to %scan3A_23 step %scan3A_24 iter_args(%scan3A_35 = %scan3A) -> (i32)  : i32 {
      %mul3A_36 = arith.constant 2 : i32
      %mul3A_37 = arith.muli %mul3A_36, %scan3A_34 : i32
      %gt3A = arith.constant 0 : i32
      %gt3A_38 = arith.cmpi sgt, %scan3A_34, %gt3A : i32
      %convert_element_type3A = arith.extui %gt3A_38 : i1 to i32
      %cond3A = arith.constant 0 : i32
      %cond3A_39 = arith.cmpi ne, %convert_element_type3A, %cond3A : i32
      scf.if %cond3A_39 {
        %dma_wait3A_96 = arith.constant 0 : i32
        %dma_wait3A_97 = tpu.memref_slice %arg3[%dma_wait3A_96] : memref<32002048xf32, #tpu.memory_space<hbm>> -> memref<4096xf32, #tpu.memory_space<hbm>>
        %dma_wait3A_98 = arith.constant 0 : i32
        %dma_wait3A_99 = tpu.memref_slice %arg3[%dma_wait3A_98] : memref<32002048xf32, #tpu.memory_space<hbm>> -> memref<4096xf32, #tpu.memory_space<hbm>>
        tpu.wait_dma2 semaphore(%arg10 : memref<!tpu.dma_semaphore, #tpu.memory_space<semaphore_mem>>) src(%arg6 : memref<4096xf32, #tpu.memory_space<vmem>>) dst(%dma_wait3A_99 : memref<4096xf32, #tpu.memory_space<hbm>>)
      } else {
      }
      %dma_wait3A_40 = arith.constant 0 : i32
      %dma_wait3A_41 = arith.constant 0 : i32
      %dma_wait3A_42 = tpu.memref_slice %arg2[%dma_wait3A_40, %dma_wait3A_41] : memref<32x1000000xf32, #tpu.memory_space<hbm>> -> memref<32x128xf32, #tpu.memory_space<hbm>>
      %dma_wait3A_43 = arith.constant 0 : i32
      %dma_wait3A_44 = arith.constant 0 : i32
      %dma_wait3A_45 = tpu.memref_slice %arg2[%dma_wait3A_43, %dma_wait3A_44] : memref<32x1000000xf32, #tpu.memory_space<hbm>> -> memref<32x128xf32, #tpu.memory_space<hbm>>
      tpu.wait_dma2 semaphore(%arg8 : memref<!tpu.dma_semaphore, #tpu.memory_space<semaphore_mem>>) src(%dma_wait3A_45 : memref<32x128xf32, #tpu.memory_space<hbm>>) dst(%arg4 : memref<32x128xf32, #tpu.memory_space<vmem>>)
      %parallel_loop3A = arith.constant 0 : i32
      %parallel_loop3A_46 = arith.constant 256 : i32
      %parallel_loop3A_47 = arith.constant 1 : i32
      scf.for %parallel_loop3A_96 = %parallel_loop3A to %parallel_loop3A_46 step %parallel_loop3A_47  : i32 {
        %parallel_loop3A_97 = arith.constant 3 : i32
        %parallel_loop3A_98 = arith.shrsi %parallel_loop3A_96, %parallel_loop3A_97 : i32
        %parallel_loop3A_99 = vector.broadcast %parallel_loop3A_98 : i32 to vector<16xi32>
        %parallel_loop3A_100 = arith.addi %parallel_loop3A_99, %iota3A : vector<16xi32>
        %parallel_loop3A_101 = arith.constant 31 : i32
        %parallel_loop3A_102 = vector.broadcast %parallel_loop3A_101 : i32 to vector<16xi32>
        %parallel_loop3A_103 = arith.andi %parallel_loop3A_100, %parallel_loop3A_102 : vector<16xi32>
        %parallel_loop3A_104 = arith.constant 7 : i32
        %parallel_loop3A_105 = arith.andi %parallel_loop3A_96, %parallel_loop3A_104 : i32
        %parallel_loop3A_106 = arith.constant 16 : i32
        %parallel_loop3A_107 = arith.muli %parallel_loop3A_105, %parallel_loop3A_106 : i32
        %parallel_loop3A_108 = vector.broadcast %parallel_loop3A_107 : i32 to vector<16xi32>
        %parallel_loop3A_109 = arith.addi %parallel_loop3A_108, %iota3A : vector<16xi32>
        %parallel_loop3A_110 = tpu.vector_load_idx %arg4[%parallel_loop3A_103, %parallel_loop3A_109] : memref<32x128xf32, #tpu.memory_space<vmem>>[vector<16xi32>, vector<16xi32>], vector<16xf32>,
        %parallel_loop3A_111 = arith.constant 32 : i32
        %parallel_loop3A_112 = vector.broadcast %parallel_loop3A_111 : i32 to vector<16xi32>
        %parallel_loop3A_113 = arith.muli %parallel_loop3A_109, %parallel_loop3A_112 : vector<16xi32>
        %parallel_loop3A_114 = arith.addi %parallel_loop3A_113, %parallel_loop3A_103 : vector<16xi32>
        tpu.vector_store_idx %arg6[%parallel_loop3A_114], %parallel_loop3A_110 : memref<4096xf32, #tpu.memory_space<vmem>>[vector<16xi32>], vector<16xf32>,
      } {sc.loop_unroll_factor = 8 : i64, sc.parallel_access}
      %add3A_48 = arith.addi %mul3A_2, %mul3A_37 : i32
      %min3A_49 = arith.constant 7812 : i32
      %min3A_50 = arith.minsi %add3A_48, %min3A_49 : i32
      %mul3A_51 = arith.constant 128 : i32
      %mul3A_52 = arith.muli %min3A_50, %mul3A_51 : i32
      %mul3A_53 = arith.constant 32 : i32
      %mul3A_54 = arith.muli %mul3A_52, %mul3A_53 : i32
      %dma_start3A_55 = tpu.memref_slice %arg3[%mul3A_54] : memref<32002048xf32, #tpu.memory_space<hbm>> -> memref<4096xf32, #tpu.memory_space<hbm>>
      %dma_start3A_56 = tpu.memref_slice %arg3[%mul3A_54] : memref<32002048xf32, #tpu.memory_space<hbm>> -> memref<4096xf32, #tpu.memory_space<hbm>>
      tpu.enqueue_dma source(%arg6 : memref<4096xf32, #tpu.memory_space<vmem>>) target(%dma_start3A_56 : memref<4096xf32, #tpu.memory_space<hbm>>) target_semaphore(%arg10 : memref<!tpu.dma_semaphore, #tpu.memory_space<semaphore_mem>>)
      %add3A_57 = arith.constant 2 : i32
      %add3A_58 = arith.addi %mul3A_37, %add3A_57 : i32
      %lt3A = arith.constant 246 : i32
      %lt3A_59 = arith.cmpi slt, %add3A_58, %lt3A : i32
      %convert_element_type3A_60 = arith.extui %lt3A_59 : i1 to i32
      %cond3A_61 = arith.constant 0 : i32
      %cond3A_62 = arith.cmpi ne, %convert_element_type3A_60, %cond3A_61 : i32
      scf.if %cond3A_62 {
        %add3A_96 = arith.constant 2 : i32
        %add3A_97 = arith.addi %mul3A_37, %add3A_96 : i32
        %add3A_98 = arith.addi %mul3A_2, %add3A_97 : i32
        %min3A_99 = arith.constant 7812 : i32
        %min3A_100 = arith.minsi %add3A_98, %min3A_99 : i32
        %mul3A_101 = arith.constant 128 : i32
        %mul3A_102 = arith.muli %min3A_100, %mul3A_101 : i32
        %dma_start3A_103 = arith.constant 0 : i32
        %dma_start3A_104 = tpu.memref_slice %arg2[%dma_start3A_103, %mul3A_102] : memref<32x1000000xf32, #tpu.memory_space<hbm>> -> memref<32x128xf32, #tpu.memory_space<hbm>>
        %dma_start3A_105 = arith.constant 0 : i32
        %dma_start3A_106 = tpu.memref_slice %arg2[%dma_start3A_105, %mul3A_102] : memref<32x1000000xf32, #tpu.memory_space<hbm>> -> memref<32x128xf32, #tpu.memory_space<hbm>>
        tpu.enqueue_dma source(%dma_start3A_106 : memref<32x128xf32, #tpu.memory_space<hbm>>) target(%arg4 : memref<32x128xf32, #tpu.memory_space<vmem>>) target_semaphore(%arg8 : memref<!tpu.dma_semaphore, #tpu.memory_space<semaphore_mem>>)
      } else {
      }
      %gt3A_63 = arith.constant 0 : i32
      %gt3A_64 = arith.cmpi sgt, %scan3A_34, %gt3A_63 : i32
      %convert_element_type3A_65 = arith.extui %gt3A_64 : i1 to i32
      %cond3A_66 = arith.constant 0 : i32
      %cond3A_67 = arith.cmpi ne, %convert_element_type3A_65, %cond3A_66 : i32
      scf.if %cond3A_67 {
        %dma_wait3A_96 = arith.constant 0 : i32
        %dma_wait3A_97 = tpu.memref_slice %arg3[%dma_wait3A_96] : memref<32002048xf32, #tpu.memory_space<hbm>> -> memref<4096xf32, #tpu.memory_space<hbm>>
        %dma_wait3A_98 = arith.constant 0 : i32
        %dma_wait3A_99 = tpu.memref_slice %arg3[%dma_wait3A_98] : memref<32002048xf32, #tpu.memory_space<hbm>> -> memref<4096xf32, #tpu.memory_space<hbm>>
        tpu.wait_dma2 semaphore(%arg11 : memref<!tpu.dma_semaphore, #tpu.memory_space<semaphore_mem>>) src(%arg7 : memref<4096xf32, #tpu.memory_space<vmem>>) dst(%dma_wait3A_99 : memref<4096xf32, #tpu.memory_space<hbm>>)
      } else {
      }
      %dma_wait3A_68 = arith.constant 0 : i32
      %dma_wait3A_69 = arith.constant 0 : i32
      %dma_wait3A_70 = tpu.memref_slice %arg2[%dma_wait3A_68, %dma_wait3A_69] : memref<32x1000000xf32, #tpu.memory_space<hbm>> -> memref<32x128xf32, #tpu.memory_space<hbm>>
      %dma_wait3A_71 = arith.constant 0 : i32
      %dma_wait3A_72 = arith.constant 0 : i32
      %dma_wait3A_73 = tpu.memref_slice %arg2[%dma_wait3A_71, %dma_wait3A_72] : memref<32x1000000xf32, #tpu.memory_space<hbm>> -> memref<32x128xf32, #tpu.memory_space<hbm>>
      tpu.wait_dma2 semaphore(%arg9 : memref<!tpu.dma_semaphore, #tpu.memory_space<semaphore_mem>>) src(%dma_wait3A_73 : memref<32x128xf32, #tpu.memory_space<hbm>>) dst(%arg5 : memref<32x128xf32, #tpu.memory_space<vmem>>)
      %parallel_loop3A_74 = arith.constant 0 : i32
      %parallel_loop3A_75 = arith.constant 256 : i32
      %parallel_loop3A_76 = arith.constant 1 : i32
      scf.for %parallel_loop3A_96 = %parallel_loop3A_74 to %parallel_loop3A_75 step %parallel_loop3A_76  : i32 {
        %parallel_loop3A_97 = arith.constant 3 : i32
        %parallel_loop3A_98 = arith.shrsi %parallel_loop3A_96, %parallel_loop3A_97 : i32
        %parallel_loop3A_99 = vector.broadcast %parallel_loop3A_98 : i32 to vector<16xi32>
        %parallel_loop3A_100 = arith.addi %parallel_loop3A_99, %iota3A : vector<16xi32>
        %parallel_loop3A_101 = arith.constant 31 : i32
        %parallel_loop3A_102 = vector.broadcast %parallel_loop3A_101 : i32 to vector<16xi32>
        %parallel_loop3A_103 = arith.andi %parallel_loop3A_100, %parallel_loop3A_102 : vector<16xi32>
        %parallel_loop3A_104 = arith.constant 7 : i32
        %parallel_loop3A_105 = arith.andi %parallel_loop3A_96, %parallel_loop3A_104 : i32
        %parallel_loop3A_106 = arith.constant 16 : i32
        %parallel_loop3A_107 = arith.muli %parallel_loop3A_105, %parallel_loop3A_106 : i32
        %parallel_loop3A_108 = vector.broadcast %parallel_loop3A_107 : i32 to vector<16xi32>
        %parallel_loop3A_109 = arith.addi %parallel_loop3A_108, %iota3A : vector<16xi32>
        %parallel_loop3A_110 = tpu.vector_load_idx %arg5[%parallel_loop3A_103, %parallel_loop3A_109] : memref<32x128xf32, #tpu.memory_space<vmem>>[vector<16xi32>, vector<16xi32>], vector<16xf32>,
        %parallel_loop3A_111 = arith.constant 32 : i32
        %parallel_loop3A_112 = vector.broadcast %parallel_loop3A_111 : i32 to vector<16xi32>
        %parallel_loop3A_113 = arith.muli %parallel_loop3A_109, %parallel_loop3A_112 : vector<16xi32>
        %parallel_loop3A_114 = arith.addi %parallel_loop3A_113, %parallel_loop3A_103 : vector<16xi32>
        tpu.vector_store_idx %arg7[%parallel_loop3A_114], %parallel_loop3A_110 : memref<4096xf32, #tpu.memory_space<vmem>>[vector<16xi32>], vector<16xf32>,
      } {sc.loop_unroll_factor = 8 : i64, sc.parallel_access}
      %add3A_77 = arith.constant 1 : i32
      %add3A_78 = arith.addi %mul3A_37, %add3A_77 : i32
      %add3A_79 = arith.addi %mul3A_2, %add3A_78 : i32
      %min3A_80 = arith.constant 7812 : i32
      %min3A_81 = arith.minsi %add3A_79, %min3A_80 : i32
      %mul3A_82 = arith.constant 128 : i32
      %mul3A_83 = arith.muli %min3A_81, %mul3A_82 : i32
      %mul3A_84 = arith.constant 32 : i32
      %mul3A_85 = arith.muli %mul3A_83, %mul3A_84 : i32
      %dma_start3A_86 = tpu.memref_slice %arg3[%mul3A_85] : memref<32002048xf32, #tpu.memory_space<hbm>> -> memref<4096xf32, #tpu.memory_space<hbm>>
      %dma_start3A_87 = tpu.memref_slice %arg3[%mul3A_85] : memref<32002048xf32, #tpu.memory_space<hbm>> -> memref<4096xf32, #tpu.memory_space<hbm>>
      tpu.enqueue_dma source(%arg7 : memref<4096xf32, #tpu.memory_space<vmem>>) target(%dma_start3A_87 : memref<4096xf32, #tpu.memory_space<hbm>>) target_semaphore(%arg11 : memref<!tpu.dma_semaphore, #tpu.memory_space<semaphore_mem>>)
      %add3A_88 = arith.constant 3 : i32
      %add3A_89 = arith.addi %mul3A_37, %add3A_88 : i32
      %lt3A_90 = arith.constant 246 : i32
      %lt3A_91 = arith.cmpi slt, %add3A_89, %lt3A_90 : i32
      %convert_element_type3A_92 = arith.extui %lt3A_91 : i1 to i32
      %cond3A_93 = arith.constant 0 : i32
      %cond3A_94 = arith.cmpi ne, %convert_element_type3A_92, %cond3A_93 : i32
      scf.if %cond3A_94 {
        %add3A_96 = arith.constant 3 : i32
        %add3A_97 = arith.addi %mul3A_37, %add3A_96 : i32
        %add3A_98 = arith.addi %mul3A_2, %add3A_97 : i32
        %min3A_99 = arith.constant 7812 : i32
        %min3A_100 = arith.minsi %add3A_98, %min3A_99 : i32
        %mul3A_101 = arith.constant 128 : i32
        %mul3A_102 = arith.muli %min3A_100, %mul3A_101 : i32
        %dma_start3A_103 = arith.constant 0 : i32
        %dma_start3A_104 = tpu.memref_slice %arg2[%dma_start3A_103, %mul3A_102] : memref<32x1000000xf32, #tpu.memory_space<hbm>> -> memref<32x128xf32, #tpu.memory_space<hbm>>
        %dma_start3A_105 = arith.constant 0 : i32
        %dma_start3A_106 = tpu.memref_slice %arg2[%dma_start3A_105, %mul3A_102] : memref<32x1000000xf32, #tpu.memory_space<hbm>> -> memref<32x128xf32, #tpu.memory_space<hbm>>
        tpu.enqueue_dma source(%dma_start3A_106 : memref<32x128xf32, #tpu.memory_space<hbm>>) target(%arg5 : memref<32x128xf32, #tpu.memory_space<vmem>>) target_semaphore(%arg9 : memref<!tpu.dma_semaphore, #tpu.memory_space<semaphore_mem>>)
      } else {
      }
      %scan3A_95 = arith.constant 0 : i32
      scf.yield %scan3A_95 : i32
    }
    %scan3A_26 = arith.constant 123 : i32
    %dma_wait3A = arith.constant 0 : i32
    %dma_wait3A_27 = tpu.memref_slice %arg3[%dma_wait3A] : memref<32002048xf32, #tpu.memory_space<hbm>> -> memref<4096xf32, #tpu.memory_space<hbm>>
    %dma_wait3A_28 = arith.constant 0 : i32
    %dma_wait3A_29 = tpu.memref_slice %arg3[%dma_wait3A_28] : memref<32002048xf32, #tpu.memory_space<hbm>> -> memref<4096xf32, #tpu.memory_space<hbm>>
    tpu.wait_dma2 semaphore(%arg10 : memref<!tpu.dma_semaphore, #tpu.memory_space<semaphore_mem>>) src(%arg6 : memref<4096xf32, #tpu.memory_space<vmem>>) dst(%dma_wait3A_29 : memref<4096xf32, #tpu.memory_space<hbm>>)
    %dma_wait3A_30 = arith.constant 0 : i32
    %dma_wait3A_31 = tpu.memref_slice %arg3[%dma_wait3A_30] : memref<32002048xf32, #tpu.memory_space<hbm>> -> memref<4096xf32, #tpu.memory_space<hbm>>
    %dma_wait3A_32 = arith.constant 0 : i32
    %dma_wait3A_33 = tpu.memref_slice %arg3[%dma_wait3A_32] : memref<32002048xf32, #tpu.memory_space<hbm>> -> memref<4096xf32, #tpu.memory_space<hbm>>
    tpu.wait_dma2 semaphore(%arg11 : memref<!tpu.dma_semaphore, #tpu.memory_space<semaphore_mem>>) src(%arg7 : memref<4096xf32, #tpu.memory_space<vmem>>) dst(%dma_wait3A_33 : memref<4096xf32, #tpu.memory_space<hbm>>)
    return
  }
}

module attributes {stable_mosaic.version = 14 : i64} {
  func.func @mlp_body(%arg0: i32, %arg1: memref<1024x32xf32, #tpu.memory_space<vmem>>, %arg2: memref<32x128xf32, #tpu.memory_space<vmem>>, %arg3: memref<1x128xf32, #tpu.memory_space<vmem>>, %arg4: memref<128x2xf32, #tpu.memory_space<vmem>>, %arg5: memref<1x2xf32, #tpu.memory_space<vmem>>, %arg6: memref<1024x2xf32, #tpu.memory_space<vmem>>) attributes {dimension_semantics = [#tpu.dimension_semantics<arbitrary>], iteration_bounds = array<i64: 4>, scalar_prefetch = 0 : i64, scratch_operands = 0 : i64, tpu.core_type = #tpu.core_type<tc>, window_params = [{transform_indices = @transform_0, window_bounds = array<i64: 1024, 32>}, {pipeline_mode = #tpu.pipeline_mode<synchronous>, transform_indices = @transform_1, window_bounds = array<i64: 32, 128>}, {pipeline_mode = #tpu.pipeline_mode<synchronous>, transform_indices = @transform_2, window_bounds = array<i64: 1, 128>}, {pipeline_mode = #tpu.pipeline_mode<synchronous>, transform_indices = @transform_3, window_bounds = array<i64: 128, 2>}, {pipeline_mode = #tpu.pipeline_mode<synchronous>, transform_indices = @transform_4, window_bounds = array<i64: 1, 2>}, {transform_indices = @transform_5, window_bounds = array<i64: 1024, 2>}]} {
    %get3A = arith.constant 0 : index
    %get3A_0 = arith.constant 0 : index
    %get3A_1 = vector.load %arg1[%get3A, %get3A_0] : memref<1024x32xf32, #tpu.memory_space<vmem>>, vector<1024x32xf32>
    %get3A_2 = arith.constant 0 : index
    %get3A_3 = arith.constant 0 : index
    %get3A_4 = vector.load %arg2[%get3A_2, %get3A_3] : memref<32x128xf32, #tpu.memory_space<vmem>>, vector<32x128xf32>
    %dot_general3A = arith.constant dense<0.000000e+00> : vector<1024x128xf32>
    %dot_general3A_5 = tpu.matmul %get3A_1, %get3A_4, %dot_general3A {dimension_numbers = #tpu.dot_dimension_numbers<[1], [0], [0], [1], [0, 0, 1, 1], [], []>, transpose_lhs_hint = false} : vector<1024x32xf32>, vector<32x128xf32>, vector<1024x128xf32> -> vector<1024x128xf32>
    %mul3A = arith.constant 5.000000e-03 : f32
    %mul3A_6 = vector.broadcast %mul3A : f32 to vector<1024x128xf32>
    %mul3A_7 = arith.mulf %dot_general3A_5, %mul3A_6 : vector<1024x128xf32>
    %get3A_8 = arith.constant 0 : index
    %get3A_9 = arith.constant 0 : index
    %get3A_10 = vector.load %arg3[%get3A_8, %get3A_9] : memref<1x128xf32, #tpu.memory_space<vmem>>, vector<1x128xf32>
    %add3A = vector.broadcast %get3A_10 : vector<1x128xf32> to vector<1024x128xf32>
    %add3A_11 = arith.addf %mul3A_7, %add3A : vector<1024x128xf32>
    %max3A = arith.constant 0.000000e+00 : f32
    %max3A_12 = vector.broadcast %max3A : f32 to vector<1024x128xf32>
    %max3A_13 = arith.maximumf %add3A_11, %max3A_12 : vector<1024x128xf32>
    %get3A_14 = arith.constant 0 : index
    %get3A_15 = arith.constant 0 : index
    %get3A_16 = vector.load %arg4[%get3A_14, %get3A_15] : memref<128x2xf32, #tpu.memory_space<vmem>>, vector<128x2xf32>
    %dot_general3A_17 = arith.constant dense<0.000000e+00> : vector<1024x2xf32>
    %dot_general3A_18 = tpu.matmul %max3A_13, %get3A_16, %dot_general3A_17 {dimension_numbers = #tpu.dot_dimension_numbers<[1], [0], [0], [1], [0, 0, 1, 1], [], []>, transpose_lhs_hint = false} : vector<1024x128xf32>, vector<128x2xf32>, vector<1024x2xf32> -> vector<1024x2xf32>
    %get3A_19 = arith.constant 0 : index
    %get3A_20 = arith.constant 0 : index
    %get3A_21 = vector.load %arg5[%get3A_19, %get3A_20] : memref<1x2xf32, #tpu.memory_space<vmem>>, vector<1x2xf32>
    %add3A_22 = vector.broadcast %get3A_21 : vector<1x2xf32> to vector<1024x2xf32>
    %add3A_23 = arith.addf %dot_general3A_18, %add3A_22 : vector<1024x2xf32>
    %swap3A = arith.constant 0 : index
    %swap3A_24 = arith.constant 0 : index
    %swap3A_25 = vector.load %arg6[%swap3A, %swap3A_24] : memref<1024x2xf32, #tpu.memory_space<vmem>>, vector<1024x2xf32>
    tpu.vector_store %arg6[%swap3A, %swap3A_24], %add3A_23 {strides = array<i32>} : memref<1024x2xf32, #tpu.memory_space<vmem>>, vector<1024x2xf32>,
    return
  }
  func.func @transform_0(%arg0: i32) -> (i32, i32) {
    %c0_i32 = arith.constant 0 : i32
    %c0_i32_0 = arith.constant 0 : i32
    return %arg0, %c0_i32 : i32, i32
  }
  func.func @transform_1(%arg0: i32) -> (i32, i32) {
    %c0_i32 = arith.constant 0 : i32
    %c0_i32_0 = arith.constant 0 : i32
    %c0_i32_1 = arith.constant 0 : i32
    return %c0_i32, %c0_i32_0 : i32, i32
  }
  func.func @transform_2(%arg0: i32) -> (i32, i32) {
    %c0_i32 = arith.constant 0 : i32
    %c0_i32_0 = arith.constant 0 : i32
    %c0_i32_1 = arith.constant 0 : i32
    return %c0_i32, %c0_i32_0 : i32, i32
  }
  func.func @transform_3(%arg0: i32) -> (i32, i32) {
    %c0_i32 = arith.constant 0 : i32
    %c0_i32_0 = arith.constant 0 : i32
    %c0_i32_1 = arith.constant 0 : i32
    return %c0_i32, %c0_i32_0 : i32, i32
  }
  func.func @transform_4(%arg0: i32) -> (i32, i32) {
    %c0_i32 = arith.constant 0 : i32
    %c0_i32_0 = arith.constant 0 : i32
    %c0_i32_1 = arith.constant 0 : i32
    return %c0_i32, %c0_i32_0 : i32, i32
  }
  func.func @transform_5(%arg0: i32) -> (i32, i32) {
    %c0_i32 = arith.constant 0 : i32
    %c0_i32_0 = arith.constant 0 : i32
    return %arg0, %c0_i32 : i32, i32
  }
}

</mosaic_0001>

<sc_bundles>
// kernel: kernel.5.cloned.1.call-start
scs
__scs_entry_jumppad:
0x0: {  	(pc) =	sbr.rel $0x88, $3  }
0x1: {  	(tag) =	ssettag $0x0;
	lr =	simm.s32 $0x1  }
0x2: {  	[smem:$0x3F9B] =	sst lr;
	_ =	strace $0xD0000000  }
0x3: {  	_ = 	snop  }
0x4: {  	_ = 	snop  }
0x5: {  	_ = 	snop  }
0x6: {  	_ = 	snop  }
0x7: {  	_ = 	snop  }
__scs_overlays_trampoline_lowered:
0x8: {  	[smem:$0x3FAA] =	sst s0  }
0x9: {  	[smem:$0x3FAB] =	sst s1  }
0xa: {  	[smem:$0x3FAC] =	sst s2  }
0xb: {  	[smem:$0x3FAD] =	sst s3  }
0xc: {  	[smem:$0x3FAE] =	sst s4  }
0xd: {  	[smem:$0x3FAF] =	sst s5  }
0xe: {  	[smem:$0x3FB0] =	sst s6  }
0xf: {  	[smem:$0x3FB1] =	sst s7  }
0x10: {  	[smem:$0x3FB2] =	sst s8  }
0x11: {  	[smem:$0x3FB3] =	sst s9;
	s0 =	simm.s32 @!p0 $0x0  }
0x12: {  	s1 =	sld [smem:$0x3F99];
	s0 =	simm.s32 @p0 $0x1  }
0x13: {  	[smem:$0x3FB4] =	sst s0;
	s0 =	simm.s32 @!p1 $0x0  }
0x14: {  	s2 =	sld [smem:$0x3F98];
	s0 =	simm.s32 @p1 $0x1  }
0x15: {  	[smem:$0x3FB5] =	sst s0;
	s0 =	simm.s32 @!p2 $0x0  }
0x16: {  	s3 =	sld [smem:$0x3FDB];
	s0 =	simm.s32 @p2 $0x1  }
0x17: {  	s4 =	simm.s32 $0x1BF5;
	[smem:$0x3FB7] =	sst s0  }
0x18: {  	s0 =	sld [smem:$0x3F9A];
	_ =	swait.ge [sflag:s4], $0x0  }
0x19: {  	s7 =	sld [smem:$0x3F9B]  }
0x1a: {  	s8 =	sadd.s32 $0xFFFFE003, lr  }
0x1b: {  	s9 =	sadd.s32 $0xFFFFFEF7, lr;
	s5 =	simm.s32 $0xFFFFFFFF;
	p2 =	slt.u32 s8, $0xFFFFF086  }
0x1c: {  	p1 =	slt.u32 s9, $0xF7A;
	s5 =	simm.s32 @!p2 $0x0  }
0x1d: {  	s5 =	simm.s32 @p1 $0x1;
	p0 =	seq.s32 s7, s2  }
0x1e: {  	s7 =	smul.u32 @!p0 $0xF7A, s2;
	p2 =	seq.s32 @!p0 s5, $0x0  }
0x1f: {  	s9 =	smul.u32 $0xF7A, s1;
	s8 =	simm.s32 @!p0 $0x1BF5;
	p2 =	por !p2, p0  }
0x20: {  	[sflag:s8] =	ssyncset.s32 @!p0 $0xFFFFF086;
	s6 =	sadd.s32 @!p0 s3, s7;
	s7 =	simm.s32 @!p0 $0x108  }
0x21: {  	s3 =	sadd.s32 s3, s9;
	s6 =	sadd.s32 @!p0 $0x88, s6;
	s7 =	simm.s32 @p2 $0x1082  }
0x22: {  	[simem:s7], [sflag:s8] =	dma.local @!p0 [hbm:s6], $0xF7A  }
0x23: {  	s9 =	sor.u32 $0xD0000000, s2;
	s6 =	simm.s32 $0x108;
	_ =	swait.ge @!p0 [sflag:s8], $0x0  }
0x24: {  	s3 =	sadd.s32 $0x88, s3;
	s6 =	simm.s32 @!p1 $0x1082;
	[sflag:s4] =	ssyncset.s32 $0xFFFFF086  }
0x25: {  	[simem:s6], [sflag:s4] =	dma.local [hbm:s3], $0xF7A  }
0x26: {  	[smem:$0x3F9B] =	sst s1;
	(tag) =	ssettag s2;
	_ =	strace s9  }
0x27: {  	s1 =	sld [smem:$0x3FAB]  }
0x28: {  	s2 =	sld [smem:$0x3FAC]  }
0x29: {  	s4 =	sld [smem:$0x3FAE]  }
0x2a: {  	p0 =	seq.s32 s5, $0x0;
	s5 =	sld [smem:$0x3FAF]  }
0x2b: {  	s6 =	sld [smem:$0x3FB0]  }
0x2c: {  	s7 =	sld [smem:$0x3FB1]  }
0x2d: {  	s3 =	simm.s32 $0x108;
	s8 =	sld [smem:$0x3FB2]  }
0x2e: {  	s3 =	simm.s32 @!p0 $0x1082;
	s9 =	sld [smem:$0x3FB3]  }
0x2f: {  	lr =	sadd.s32 s0, s3;
	s0 =	sld [smem:$0x3FAA]  }
0x30: {  	s3 =	sld [smem:$0x3FAD]  }
0x31: {  	[smem:$0x3FB6] =	sst s10  }
0x32: {  	s10 =	sld [smem:$0x3FB4];
	_ =	sdelay $0x3  }
0x33: {  	p0 =	seq.s32 s10, $0x1;
	s10 =	sld [smem:$0x3FB6];
	_ =	sdelay $0x3  }
0x34: {  	[smem:$0x3FB6] =	sst s10  }
0x35: {  	s10 =	sld [smem:$0x3FB5];
	_ =	sdelay $0x3  }
0x36: {  	p1 =	seq.s32 s10, $0x1;
	s10 =	sld [smem:$0x3FB6];
	_ =	sdelay $0x3  }
0x37: {  	[smem:$0x3FB6] =	sst s10  }
0x38: {  	s10 =	sld [smem:$0x3FB7]  }
0x39: {  	_ = 	snop;
	(pc) =	sbr.ind lr, $3  }
0x3a: {  	_ = 	snop  }
0x3b: {  	_ = 	snop  }
0x3c: {  	p2 =	seq.s32 s10, $0x1;
	s10 =	sld [smem:$0x3FB6]  }
0x3d: {  	_ =	shalt  }
0x3e: {  	_ =	shalt  }
0x3f: {  	_ =	shalt  }
0x40: {  	_ =	shalt  }
0x41: {  	_ =	shalt  }
0x42: {  	_ =	shalt  }
0x43: {  	_ =	shalt  }
0x44: {  	_ =	shalt  }
0x45: {  	_ =	shalt  }
0x46: {  	_ =	shalt  }
0x47: {  	_ =	shalt  }
0x48: {  	_ =	shalt  }
0x49: {  	_ =	shalt  }
0x4a: {  	_ =	shalt  }
0x4b: {  	_ =	shalt  }
0x4c: {  	_ =	shalt  }
0x4d: {  	_ =	shalt  }
0x4e: {  	_ =	shalt  }
0x4f: {  	_ =	shalt  }
0x50: {  	_ =	shalt  }
0x51: {  	_ =	shalt  }
0x52: {  	_ =	shalt  }
0x53: {  	_ =	shalt  }
0x54: {  	_ =	shalt  }
0x55: {  	_ =	shalt  }
0x56: {  	_ =	shalt  }
0x57: {  	_ =	shalt  }
0x58: {  	_ =	shalt  }
0x59: {  	_ =	shalt  }
0x5a: {  	_ =	shalt  }
0x5b: {  	_ =	shalt  }
0x5c: {  	_ =	shalt  }
0x5d: {  	_ =	shalt  }
0x5e: {  	_ =	shalt  }
0x5f: {  	_ =	shalt  }
0x60: {  	_ =	shalt  }
0x61: {  	_ =	shalt  }
0x62: {  	_ =	shalt  }
0x63: {  	_ =	shalt  }
0x64: {  	_ =	shalt  }
0x65: {  	_ =	shalt  }
0x66: {  	_ =	shalt  }
0x67: {  	_ =	shalt  }
0x68: {  	_ =	shalt  }
0x69: {  	_ =	shalt  }
0x6a: {  	_ =	shalt  }
0x6b: {  	_ =	shalt  }
0x6c: {  	_ =	shalt  }
0x6d: {  	_ =	shalt  }
0x6e: {  	_ =	shalt  }
0x6f: {  	_ =	shalt  }
0x70: {  	_ =	shalt  }
0x71: {  	_ =	shalt  }
0x72: {  	_ =	shalt  }
0x73: {  	_ =	shalt  }
0x74: {  	_ =	shalt  }
0x75: {  	_ =	shalt  }
0x76: {  	_ =	shalt  }
0x77: {  	_ =	shalt  }
0x78: {  	_ =	shalt  }
0x79: {  	_ =	shalt  }
0x7a: {  	_ =	shalt  }
0x7b: {  	_ =	shalt  }
0x7c: {  	_ =	shalt  }
0x7d: {  	_ =	shalt  }
0x7e: {  	_ =	shalt  }
0x7f: {  	_ =	shalt  }
0x80: {  	_ =	shalt  }
0x81: {  	_ =	shalt  }
0x82: {  	_ =	shalt  }
0x83: {  	_ =	shalt  }
0x84: {  	_ =	shalt  }
0x85: {  	_ =	shalt  }
0x86: {  	_ =	shalt  }
0x87: {  	_ =	shalt  }
.Lfunc_end0:
.L_simem_size_0:
called_computation_lowered:
.L_overlay_start_0:
0x88: {  	s2 =	sld [smem:$0x3FD9]  }
0x89: {  	s3 =	sld [smem:$0x3FFE];
	_ =	sdelay $0x1  }
0x8a: {  	s1 =	srdreg.scid  }
0x8b: {  	s0 =	sand.u32 $0x1, s1  }
0x8c: {  	s17 =	sshll.u32 s0, $0xA;
	s2 =	sadd.s32 s3, s2  }
0x8d: {  	s2 =	sadd.s32 s2, s17  }
0x8e: {  	[smem:$0x3FC2] =	sst s2  }
0x8f: {  	_ = 	snop  }
0x90: {  	s2 =	sld [smem:$0x3FC8];
	(tm) =	ssettm $0x1  }
0x91: {  	s18 =	sld [smem:$0x3FFB];
	_ =	sdelay $0x3  }
0x92: {  	_ =	strace s18  }
0x93: {  	s3 =	sld [smem:$0x3FFC];
	_ =	sdelay $0x3  }
0x94: {  	_ =	strace s3  }
0x95: {  	s3 =	sld [smem:$0x3FFD];
	_ =	sdelay $0x3  }
0x96: {  	_ =	strace s3  }
0x97: {  	_ =	strace $0x8FFFFFFF  }
0x98: {  	s19 =	sld [smem:$0x3FDB];
	_ =	sdelay $0x1  }
0x99: {  	s4 =	simm.s32 $_scs_section_size  }
0x9a: {  	s5 =	simm.s32 $_size__tile_overlayer_lowered;
	s6 =	simm.s32 $_tile_overlayer_lowered  }
0x9b: {  	s22 =	simm.s32 $0x1BFF;
	s21 =	sshll.u32 s6, $0x1;
	s3 =	sadd.s32 s4, s19  }
0x9c: {  	s7 =	simm.s32 $0x0;
	s20 =	sshll.u32 s5, $0x1;
	s5 =	sadd.s32 s21, s3  }
0x9d: {  	[timem:s7], [sflag:s22] =	dma.local [hbm:s5], s20  }
0x9e: {  	_ =	swait.ge [sflag:s22], s20  }
0x9f: {  	s4 =	ssub.s32 $0x0, s20;
	[sflag:s22] =	ssyncset.done $0x0  }
0xa0: {  	[sflag:s22] =	ssyncadd.s32 s4;
	_ =	sdelay $0x1  }
0xa1: {  	s23 =	simm.s32 $0x1B8B  }
0xa2: {  	_ =	swait.ge [sflag:s23], $0x1  }
0xa3: {  	[sflag:s23] =	ssyncset.done $0x0  }
0xa4: {  	s25 =	simm.s32 $0x1B8E;
	s24 =	sld [smem:$0x3FFE];
	[sflag:s23] =	ssyncadd.s32 $0xFFFFFFFF  }
0xa5: {  	s26 =	simm.s32 $execute0_lowered;
	[smem:$0x3FD2] =	sst s25  }
0xa6: {  	s5 =	sshll.u32 s26, $0x1;
	_ =	strace $0x80000046;
	[dreg:$0x1] =	wrdreg $0xFFFFFFFF  }
0xa7: {  	s28 =	simm.s32 $_size_execute0_lowered;
	s3 =	sadd.s32 s3, s5;
	[dreg:$0x0] =	wrdreg $0x0  }
0xa8: {  	s5 =	sshll.u32 s28, $0x1;
	[dreg:$0x2] =	wrdreg s3  }
0xa9: {  	[dreg:$0x3] =	wrdreg s5  }
0xaa: {  	[dreg:$0x4] =	wrdreg $0xC0  }
0xab: {  	_ =	task [dreg:s7], $0x5FFFF  }
0xac: {  	[dreg:$0x1] =	wrdreg $0xFFFFFFFF  }
0xad: {  	[dreg:$0x0] =	wrdreg $0x60  }
0xae: {  	[dreg:$0x2] =	wrdreg s2  }
0xaf: {  	[dreg:$0x3] =	wrdreg s24  }
0xb0: {  	[dreg:$0x4] =	wrdreg $0x9  }
0xb1: {  	_ =	task.clear_ibuf [dreg:s7], $0x5FFFF;
	_ =	strace $0x90000046  }
0xb2: {  	s29 =	simm.s32 $0x9;
	_ =	strace $0x80000048  }
0xb3: {  	_ =	swait.ge [sflag:s29], $0x1  }
0xb4: {  	[sflag:s29] =	ssyncadd.s32 $0xFFFFFFFF  }
0xb5: {  	_ =	strace $0x90000048  }
0xb6: {  	_ =	sfence  }
0xb7: {  	s30 =	sld [smem:$0x0];
	_ =	sdelay $0x2  }
0xb8: {  	s31 =	sshll.u32 s1, $0xD;
	s1 =	sshrl.u32 s1, $0x2  }
0xb9: {  	s3 =	sand.u32 $0x4000, s31;
	s1 =	sadd.s32 s1, s30  }
0xba: {  	s0 =	sor.u32 s3, s0;
	s1 =	sshll.u32 s1, $0x11  }
0xbb: {  	s0 =	sor.u32 s1, s0  }
0xbc: {  	s0 =	sadd.s32 $0x8F2B, s0  }
0xbd: {  	[sflag:s0] =	ssyncadd.remote.s32 $0x1  }
0xbe: {  	_ =	sfence.sel $0xFFFF  }
0xbf: {  	[dreg:$0x0] =	wrdreg $0xFFFFFFFF;
	(pc) =	sbr.abs _section_cstart, $3  }
0xc0: {  	[dreg:$0x1] =	wrdreg $0xFFFFFFFF  }
0xc1: {  	_ =	task.clear_ibuf [dreg:s7], $0x2FFFF;
	_ =	strace $0x9FFFFFFF  }
0xc2: {  	(tm) =	ssettm $0x7FFFFFFF  }
0xc3: {  	_ =	shalt  }
tec
execute0_lowered:
.L_overlay_start_1:
0x0: {  	(tag) =	ssettag $0x1  }
0x1: {  	s2 =	rddreg [dreg:$0x0];
	s1 =	srdreg.scid  }
0x2: {  	s0 =	stileid.u32;
	s6 =	rddreg [dreg:$0x1];
	s3 =	simm.s32 $0x0  }
0x3: {  	s12 =	simm.s32 $0x400;
	s13 =	simm.s32 $0x7A1400;
	s14 =	simm.s32 $0x1000  }
0x4: {  	s15 =	simm.s32 $0x1;
	s16 =	simm.s32 $0x2000;
	s17 =	simm.s32 $0x2  }
0x5: {  	s18 =	simm.s32 $0x3000;
	s5 =	sand.u32 $0x1, s1;
	s4 =	sshll.u32 s0, $0x1  }
0x6: {  	s19 =	simm.s32 $0x3;
	s20 =	simm.s32 $0x4;
	s7 =	sor.u32 s5, s4  }
0x7: {  	v0 =	vlaneseq.u32;
	s21 =	simm.s32 $0x0;
	s1 =	rddreg [dreg:$0x2];
	s4 =	smul.u32 $0xF6, s7  }
.Ltmp0:
0x8: {  	[smem:$0x7FF] =	sst s3;
	v1 =	vmul.u32 $0x20, v0;
	v2 =	vor.u32 $0x10, v0;
	v4 =	vor.u32 $0x20, v0;
	s8 =	ssub.s32 $0x2, s5;
	(pc) =	sbr.rel .LBB2_1-.Ltmp0, $4  }
0x9: {  	s6 =	sadd.s32 $0x1200, s6;
	v6 =	vor.u32 $0x30, v0;
	v8 =	vor.u32 $0x40, v0;
	v10 =	vor.u32 $0x50, v0;
	s9 =	sshrl.u32 s8, $0x1;
	s7 =	smul.u32 $0x7B00, s7  }
0xa: {  	v12 =	vor.u32 $0x60, v0;
	v14 =	vor.u32 $0x70, v0;
	_ =	strace $0x80000047;
	v3 =	vor.u32 $0x200, v1;
	s11 =	ssub.s32 s8, s9;
	s5 =	sor.u32 $0x1, s4  }
0xb: {  	v5 =	vor.u32 $0x400, v1;
	v7 =	vor.u32 $0x600, v1;
	v9 =	vor.u32 $0x800, v1;
	s7 =	sadd.s32 s2, s7;
	s9 =	sadd.s32 $0x2, s4;
	s31 =	sshll.u32 s5, $0x7  }
0xc: {  	v11 =	vor.u32 $0xA00, v1;
	v13 =	vor.u32 $0xC00, v1;
	v15 =	vor.u32 $0xE00, v1;
	s10 =	sadd.s32 $0x3, s4;
	s11 =	smax.u32 s11, $0x1;
	s8 =	sadd.s32 s2, s31  }
.LBB2_8:
0xd: {  	s21 =	sadd.s32 $0x1, s21  }
0xe: {  	_ =	swait.ge [sflag:s19], $0x1000;
	p0 =	sne.s32 s21, s11  }
.Ltmp1:
0xf: {  	[sflag:s19] =	ssyncset.done $0x0;
	(pc) =	sbr.rel @!p0 .LBB2_9-.Ltmp1, $4  }
0x10: {  	[sflag:s19] =	ssyncadd.s32 $0xFFFFF000  }
0x11: {  	_ =	swait.ge [sflag:s20], $0x1000  }
0x12: {  	[sflag:s20] =	ssyncset.done $0x0  }
0x13: {  	[sflag:s20] =	ssyncadd.s32 $0xFFFFF000  }
.LBB2_1:
0x14: {  	[tilespmem:s3], [sflag:$0x1] =	stream.strided.gather [hbm4b:s7+s12], $0x1000, s13, s12, $0x38;
	[tilespmem:$0x4000] =	vst v63  }
0x15: {  	s22 =	simm.s32 $0x0  }
0x16: {  	[tilespmem:s14], [sflag:$0x2] =	stream.strided.gather [hbm4b:s8+s12], $0x1000, s13, s12, $0x38;
	[tilespmem:$0x4000] =	vst v63  }
.LBB2_2:
0x17: {  	s23 =	simm.s32 $0x0  }
0x18: {  	p0 =	seq.s32 s22, $0x0;
	v16 =	vadd.s32 s23, v0  }
0x19: {  	s23 =	simm.s32 @!p0 $0x3;
	v21 =	vand.u32 $0x1F, v16  }
0x1a: {  	_ =	swait.ge @!p0 [sflag:s23], $0x1000;
	v16 =	vshll.u32 v21, $0x7  }
0x1b: {  	[sflag:s23] =	ssyncset.done @!p0 $0x0;
	v18 =	vor.u32 v0, v16  }
0x1c: {  	[sflag:s23] =	ssyncadd.s32 @!p0 $0xFFFFF000;
	v20 =	vor.u32 v14, v16  }
0x1d: {  	v23 =	vor.u32 v2, v16;
	_ =	swait.ge [sflag:s15], $0x1000  }
0x1e: {  	s24 =	simm.s32 $0x1;
	v25 =	vor.u32 v12, v16;
	[sflag:s15] =	ssyncset.done $0x0  }
0x1f: {  	v24 =	vadd.s32 s24, v0;
	v30 =	vor.u32 v8, v16;
	[sflag:s15] =	ssyncadd.s32 $0xFFFFF000  }
0x20: {  	v24 =	vand.u32 $0x1F, v24;
	v17 =	vor.u32 v7, v21;
	v32 =	vor.u32 v6, v16;
	v26 =	vld.idx.msk [tilespmem:v18+s3+$0x0], $0xffff  }
0x21: {  	v31 =	vor.u32 v1, v21;
	v34 =	vor.u32 v15, v21;
	v33 =	vshll.u32 v24, $0x7;
	v27 =	vld.idx.msk [tilespmem:v20+s3+$0x0], $0xffff  }
0x22: {  	v35 =	vor.u32 v3, v21;
	v19 =	vor.u32 v4, v16;
	v22 =	vor.u32 v10, v16;
	v28 =	vld.idx.msk [tilespmem:v23+s3+$0x0], $0xffff  }
0x23: {  	v16 =	vor.u32 v5, v21;
	v36 =	vor.u32 v0, v33;
	v38 =	vor.u32 v4, v33;
	v29 =	vld.idx.msk [tilespmem:v25+s3+$0x0], $0xffff  }
0x24: {  	v37 =	vor.u32 v14, v33;
	v18 =	vor.u32 v11, v21;
	v20 =	vor.u32 v9, v21;
	v30 =	vld.idx.msk [tilespmem:v30+s3+$0x0], $0xffff  }
0x25: {  	s25 =	simm.s32 $0x8;
	s23 =	sshll.u32 s22, $0x1;
	v23 =	vor.u32 v13, v21;
	v25 =	vor.u32 v2, v33;
	v21 =	vor.u32 v6, v33;
	v32 =	vld.idx.msk [tilespmem:v32+s3+$0x0], $0xffff  }
.LBB2_3:
0x26: {  	v39 =	vor.u32 v8, v33;
	v40 =	vor.u32 v10, v33  }
0x27: {  	s25 =	sadd.s32 $0x8, s25;
	[tilespmem:v31+s16+$0x0] =	vst.idx.msk $0xffff, v26;
	v41 =	vld.idx.msk [tilespmem:v19+s3+$0x0], $0xffff;
	v42 =	vmov v18;
	v43 =	vmov v24;
	v19 =	vmov v38  }
0x28: {  	v44 =	vor.u32 v12, v33;
	p0 =	slt.u32 s25, $0xF8;
	v38 =	vor.u32 v7, v43;
	v45 =	vld.idx.msk [tilespmem:v22+s3+$0x0], $0xffff;
	[tilespmem:v34+s16+$0x0] =	vst.idx.msk $0xffff, v27  }
0x29: {  	v46 =	vor.u32 v5, v43;
	v18 =	vor.u32 v11, v43;
	v22 =	vmov v40;
	[tilespmem:v35+s16+$0x0] =	vst.idx.msk $0xffff, v28  }
0x2a: {  	s24 =	sadd.s32 $0x1, s24;
	v31 =	vor.u32 v1, v43;
	v24 =	vor.u32 v9, v43;
	v26 =	vld.idx.msk [tilespmem:v36+s3+$0x0], $0xffff;
	[tilespmem:v23+s16+$0x0] =	vst.idx.msk $0xffff, v29  }
.Ltmp2:
0x2b: {  	v28 =	vadd.s32 s24, v0;
	v23 =	vor.u32 v13, v43;
	v27 =	vld.idx.msk [tilespmem:v37+s3+$0x0], $0xffff;
	[tilespmem:v20+s16+$0x0] =	vst.idx.msk $0xffff, v30;
	v20 =	vmov v24;
	(pc) =	sbr.rel @p0 .LBB2_3-.Ltmp2, $4  }
0x2c: {  	v34 =	vor.u32 v15, v43;
	v24 =	vand.u32 $0x1F, v28;
	v28 =	vld.idx.msk [tilespmem:v25+s3+$0x0], $0xffff;
	[tilespmem:v17+s16+$0x0] =	vst.idx.msk $0xffff, v32;
	v17 =	vmov v38  }
0x2d: {  	v35 =	vor.u32 v3, v43;
	v33 =	vshll.u32 v24, $0x7;
	v29 =	vld.idx.msk [tilespmem:v44+s3+$0x0], $0xffff;
	[tilespmem:v16+s16+$0x0] =	vst.idx.msk $0xffff, v41;
	v16 =	vmov v46  }
0x2e: {  	v36 =	vor.u32 v0, v33;
	v25 =	vor.u32 v2, v33;
	v30 =	vld.idx.msk [tilespmem:v39+s3+$0x0], $0xffff;
	[tilespmem:v42+s16+$0x0] =	vst.idx.msk $0xffff, v45  }
0x2f: {  	v38 =	vor.u32 v4, v33;
	v37 =	vor.u32 v14, v33;
	v32 =	vld.idx.msk [tilespmem:v21+s3+$0x0], $0xffff;
	v21 =	vor.u32 v6, v33  }
0x30: {  	_ =	sdelay $0x3  }
0x31: {  	[tilespmem:v31+s16+$0x0] =	vst.idx.msk $0xffff, v26  }
0x32: {  	v19 =	vld.idx.msk [tilespmem:v19+s3+$0x0], $0xffff;
	v26 =	vor.u32 v12, v33;
	[tilespmem:v34+s16+$0x0] =	vst.idx.msk $0xffff, v27  }
0x33: {  	v27 =	vor.u32 v8, v33;
	v22 =	vld.idx.msk [tilespmem:v22+s3+$0x0], $0xffff;
	[tilespmem:v35+s16+$0x0] =	vst.idx.msk $0xffff, v28  }
0x34: {  	v31 =	vor.u32 v1, v24;
	v28 =	vld.idx.msk [tilespmem:v36+s3+$0x0], $0xffff;
	[tilespmem:v23+s16+$0x0] =	vst.idx.msk $0xffff, v29  }
0x35: {  	v23 =	vld.idx.msk [tilespmem:v37+s3+$0x0], $0xffff;
	[tilespmem:v20+s16+$0x0] =	vst.idx.msk $0xffff, v30;
	v20 =	vor.u32 v15, v24  }
0x36: {  	v25 =	vld.idx.msk [tilespmem:v25+s3+$0x0], $0xffff;
	v29 =	vor.u32 v10, v33;
	[tilespmem:v17+s16+$0x0] =	vst.idx.msk $0xffff, v32;
	v17 =	vor.u32 v3, v24  }
0x37: {  	v30 =	vor.u32 v13, v24;
	v26 =	vld.idx.msk [tilespmem:v26+s3+$0x0], $0xffff;
	[tilespmem:v16+s16+$0x0] =	vst.idx.msk $0xffff, v19  }
0x38: {  	v16 =	vor.u32 v9, v24;
	v19 =	vld.idx.msk [tilespmem:v27+s3+$0x0], $0xffff;
	[tilespmem:v18+s16+$0x0] =	vst.idx.msk $0xffff, v22  }
0x39: {  	v21 =	vld.idx.msk [tilespmem:v21+s3+$0x0], $0xffff;
	v18 =	vor.u32 v7, v24;
	[tilespmem:v31+s16+$0x0] =	vst.idx.msk $0xffff, v28  }
0x3a: {  	v22 =	vor.u32 v5, v24;
	v27 =	vld.idx.msk [tilespmem:v38+s3+$0x0], $0xffff;
	[tilespmem:v20+s16+$0x0] =	vst.idx.msk $0xffff, v23  }
0x3b: {  	v20 =	vor.u32 v11, v24;
	v23 =	vld.idx.msk [tilespmem:v29+s3+$0x0], $0xffff;
	[tilespmem:v17+s16+$0x0] =	vst.idx.msk $0xffff, v25  }
0x3c: {  	[tilespmem:v30+s16+$0x0] =	vst.idx.msk $0xffff, v26  }
0x3d: {  	s24 =	sadd.s32 s4, s23;
	[tilespmem:v16+s16+$0x0] =	vst.idx.msk $0xffff, v19  }
0x3e: {  	s24 =	smin.u32 s24, $0x1E84;
	[tilespmem:v18+s16+$0x0] =	vst.idx.msk $0xffff, v21  }
0x3f: {  	s24 =	sshll.u32 s24, $0x9;
	[tilespmem:v22+s16+$0x0] =	vst.idx.msk $0xffff, v27  }
0x40: {  	p0 =	seq.s32 s22, $0x7A;
	s24 =	sadd.s32 s6, s24;
	[tilespmem:v20+s16+$0x0] =	vst.idx.msk $0xffff, v23  }
0x41: {  	[hbm4b:s24+s3] =	stream.linear.scatter [tilespmem:s16], [sflag:$0x3], $0x1000, $0x38;
	[tilespmem:$0x4000] =	vst v63  }
0x42: {  	s24 =	sadd.s32 @!p0 s23, s9  }
0x43: {  	s31 =	simm.s32 $0x0;
	p1 =	seq.s32 @!p0 s22, $0x0;
	s24 =	smin.u32 @!p0 s24, $0x1E84  }
0x44: {  	s25 =	simm.s32 @!p0 $0x400;
	s26 =	simm.s32 @!p0 $0x7A1400;
	s24 =	sshll.u32 @!p0 s24, $0x7  }
0x45: {  	s28 =	simm.s32 @!p0 $0x0;
	p1 =	por p0, !p1;
	v16 =	vadd.s32 s31, v0;
	s24 =	sadd.s32 @!p0 s2, s24  }
0x46: {  	v21 =	vand.u32 $0x1F, v16;
	[tilespmem:s28], [sflag:$0x1] =	stream.strided.gather @!p0 [hbm4b:s24+s25], $0x1000, s26, s25, $0x38;
	[tilespmem:$0x4000] =	vst v63  }
0x47: {  	v16 =	vshll.u32 v21, $0x7;
	_ =	swait.ge @p1 [sflag:s20], $0x1000  }
0x48: {  	v18 =	vor.u32 v0, v16;
	[sflag:s20] =	ssyncset.done @p1 $0x0  }
0x49: {  	v20 =	vor.u32 v14, v16;
	[sflag:s20] =	ssyncadd.s32 @p1 $0xFFFFF000  }
0x4a: {  	v23 =	vor.u32 v2, v16;
	_ =	swait.ge [sflag:s17], $0x1000  }
0x4b: {  	v25 =	vor.u32 v12, v16;
	[sflag:s17] =	ssyncset.done $0x0  }
0x4c: {  	v17 =	vor.u32 v7, v21;
	v30 =	vor.u32 v8, v16;
	s24 =	simm.s32 $0x1;
	[sflag:s17] =	ssyncadd.s32 $0xFFFFF000  }
0x4d: {  	v32 =	vor.u32 v1, v21;
	v31 =	vor.u32 v6, v16;
	v24 =	vadd.s32 s24, v0;
	v26 =	vld.idx.msk [tilespmem:v18+s14+$0x0], $0xffff  }
0x4e: {  	v34 =	vor.u32 v15, v21;
	v35 =	vor.u32 v3, v21;
	v24 =	vand.u32 $0x1F, v24;
	v27 =	vld.idx.msk [tilespmem:v20+s14+$0x0], $0xffff  }
0x4f: {  	v19 =	vor.u32 v4, v16;
	v22 =	vor.u32 v10, v16;
	v33 =	vshll.u32 v24, $0x7;
	v28 =	vld.idx.msk [tilespmem:v23+s14+$0x0], $0xffff  }
0x50: {  	v16 =	vor.u32 v5, v21;
	v36 =	vor.u32 v0, v33;
	v38 =	vor.u32 v4, v33;
	v29 =	vld.idx.msk [tilespmem:v25+s14+$0x0], $0xffff  }
0x51: {  	v37 =	vor.u32 v14, v33;
	v18 =	vor.u32 v11, v21;
	v20 =	vor.u32 v9, v21;
	v30 =	vld.idx.msk [tilespmem:v30+s14+$0x0], $0xffff  }
0x52: {  	s25 =	simm.s32 $0x8;
	v23 =	vor.u32 v13, v21;
	v25 =	vor.u32 v2, v33;
	v21 =	vor.u32 v6, v33;
	v31 =	vld.idx.msk [tilespmem:v31+s14+$0x0], $0xffff  }
.LBB2_5:
0x53: {  	v39 =	vor.u32 v8, v33;
	v40 =	vor.u32 v10, v33  }
0x54: {  	s25 =	sadd.s32 $0x8, s25;
	[tilespmem:v32+s18+$0x0] =	vst.idx.msk $0xffff, v26;
	v41 =	vld.idx.msk [tilespmem:v19+s14+$0x0], $0xffff;
	v42 =	vmov v18;
	v43 =	vmov v24;
	v19 =	vmov v38  }
0x55: {  	v44 =	vor.u32 v12, v33;
	p1 =	slt.u32 s25, $0xF8;
	v38 =	vor.u32 v7, v43;
	v45 =	vld.idx.msk [tilespmem:v22+s14+$0x0], $0xffff;
	[tilespmem:v34+s18+$0x0] =	vst.idx.msk $0xffff, v27  }
0x56: {  	v46 =	vor.u32 v5, v43;
	v18 =	vor.u32 v11, v43;
	v22 =	vmov v40;
	[tilespmem:v35+s18+$0x0] =	vst.idx.msk $0xffff, v28  }
0x57: {  	s24 =	sadd.s32 $0x1, s24;
	v32 =	vor.u32 v1, v43;
	v24 =	vor.u32 v9, v43;
	v26 =	vld.idx.msk [tilespmem:v36+s14+$0x0], $0xffff;
	[tilespmem:v23+s18+$0x0] =	vst.idx.msk $0xffff, v29  }
.Ltmp3:
0x58: {  	v28 =	vadd.s32 s24, v0;
	v23 =	vor.u32 v13, v43;
	v27 =	vld.idx.msk [tilespmem:v37+s14+$0x0], $0xffff;
	[tilespmem:v20+s18+$0x0] =	vst.idx.msk $0xffff, v30;
	v20 =	vmov v24;
	(pc) =	sbr.rel @p1 .LBB2_5-.Ltmp3, $4  }
0x59: {  	v34 =	vor.u32 v15, v43;
	v24 =	vand.u32 $0x1F, v28;
	v28 =	vld.idx.msk [tilespmem:v25+s14+$0x0], $0xffff;
	[tilespmem:v17+s18+$0x0] =	vst.idx.msk $0xffff, v31;
	v17 =	vmov v38  }
0x5a: {  	v35 =	vor.u32 v3, v43;
	v33 =	vshll.u32 v24, $0x7;
	v29 =	vld.idx.msk [tilespmem:v44+s14+$0x0], $0xffff;
	[tilespmem:v16+s18+$0x0] =	vst.idx.msk $0xffff, v41;
	v16 =	vmov v46  }
0x5b: {  	v36 =	vor.u32 v0, v33;
	v25 =	vor.u32 v2, v33;
	v30 =	vld.idx.msk [tilespmem:v39+s14+$0x0], $0xffff;
	[tilespmem:v42+s18+$0x0] =	vst.idx.msk $0xffff, v45  }
0x5c: {  	v38 =	vor.u32 v4, v33;
	v37 =	vor.u32 v14, v33;
	v31 =	vld.idx.msk [tilespmem:v21+s14+$0x0], $0xffff;
	v21 =	vor.u32 v6, v33  }
0x5d: {  	_ =	sdelay $0x3  }
0x5e: {  	[tilespmem:v32+s18+$0x0] =	vst.idx.msk $0xffff, v26  }
0x5f: {  	v19 =	vld.idx.msk [tilespmem:v19+s14+$0x0], $0xffff;
	[tilespmem:v34+s18+$0x0] =	vst.idx.msk $0xffff, v27  }
0x60: {  	v22 =	vld.idx.msk [tilespmem:v22+s14+$0x0], $0xffff;
	[tilespmem:v35+s18+$0x0] =	vst.idx.msk $0xffff, v28  }
0x61: {  	v50 =	vor.u32 v12, v33;
	v52 =	vld.idx.msk [tilespmem:v36+s14+$0x0], $0xffff;
	v53 =	vor.u32 v1, v24;
	[tilespmem:v23+s18+$0x0] =	vst.idx.msk $0xffff, v29  }
0x62: {  	v51 =	vor.u32 v8, v33;
	v54 =	vld.idx.msk [tilespmem:v37+s14+$0x0], $0xffff;
	v55 =	vor.u32 v15, v24;
	[tilespmem:v20+s18+$0x0] =	vst.idx.msk $0xffff, v30  }
0x63: {  	v56 =	vor.u32 v10, v33;
	v59 =	vor.u32 v7, v24;
	v21 =	vld.idx.msk [tilespmem:v21+s14+$0x0], $0xffff;
	[tilespmem:v17+s18+$0x0] =	vst.idx.msk $0xffff, v31  }
0x64: {  	v60 =	vor.u32 v5, v24;
	v61 =	vld.idx.msk [tilespmem:v38+s14+$0x0], $0xffff;
	[tilespmem:v16+s18+$0x0] =	vst.idx.msk $0xffff, v19  }
0x65: {  	v25 =	vld.idx.msk [tilespmem:v25+s14+$0x0], $0xffff;
	v17 =	vor.u32 v3, v24;
	[tilespmem:v18+s18+$0x0] =	vst.idx.msk $0xffff, v22  }
0x66: {  	v57 =	vor.u32 v13, v24;
	v26 =	vld.idx.msk [tilespmem:v50+s14+$0x0], $0xffff;
	[tilespmem:v53+s18+$0x0] =	vst.idx.msk $0xffff, v52  }
0x67: {  	v16 =	vor.u32 v9, v24;
	v58 =	vld.idx.msk [tilespmem:v51+s14+$0x0], $0xffff;
	[tilespmem:v55+s18+$0x0] =	vst.idx.msk $0xffff, v54  }
0x68: {  	v62 =	vor.u32 v11, v24;
	v63 =	vld.idx.msk [tilespmem:v56+s14+$0x0], $0xffff;
	[tilespmem:v59+s18+$0x0] =	vst.idx.msk $0xffff, v21  }
0x69: {  	[tilespmem:v60+s18+$0x0] =	vst.idx.msk $0xffff, v61  }
.Ltmp4:
0x6a: {  	s24 =	sadd.s32 s23, s5;
	[tilespmem:v17+s18+$0x0] =	vst.idx.msk $0xffff, v25;
	(pc) =	sbr.rel @p0 .LBB2_8-.Ltmp4, $4  }
0x6b: {  	s24 =	smin.u32 s24, $0x1E84;
	[tilespmem:v57+s18+$0x0] =	vst.idx.msk $0xffff, v26  }
0x6c: {  	s24 =	sshll.u32 s24, $0x9;
	[tilespmem:v16+s18+$0x0] =	vst.idx.msk $0xffff, v58  }
0x6d: {  	s24 =	sadd.s32 s6, s24;
	[tilespmem:v62+s18+$0x0] =	vst.idx.msk $0xffff, v63  }
0x6e: {  	[hbm4b:s24+s3] =	stream.linear.scatter [tilespmem:s18], [sflag:$0x4], $0x1000, $0x38;
	[tilespmem:$0x4000] =	vst v63  }
.Ltmp5:
0x6f: {  	s23 =	sadd.s32 s23, s10;
	(pc) =	sbr.rel .LBB2_2-.Ltmp5, $4  }
0x70: {  	s23 =	smin.u32 s23, $0x1E84  }
0x71: {  	s23 =	sshll.u32 s23, $0x7  }
0x72: {  	s22 =	sadd.s32 $0x1, s22;
	s23 =	sadd.s32 s2, s23  }
0x73: {  	[tilespmem:s14], [sflag:$0x2] =	stream.strided.gather [hbm4b:s23+s12], $0x1000, s13, s12, $0x38;
	[tilespmem:$0x4000] =	vst v63  }
.LBB2_9:
0x74: {  	_ =	sfence.sel $0x180000  }
0x75: {  	[bflag:$0x0] =	sbarrier.arrive $0xFFFF  }
0x76: {  	p0 =	sne.s32 s0, $0x0;
	_ =	strace $0x90000047  }
0x77: {  	s0 =	sadd.s32 @!p0 $0x100000, s1;
	[bflag:$0x2] =	sbarrier.arrive $0xFFFF  }
0x78: {  	[sflag:s0] =	ssyncadd.tile.s32 @!p0 $0x1;
	_ =	shalt  }
.Lfunc_end2:
_tile_overlayer_lowered:
.L_overlay_start_2:
0x79: {  	(tag) =	ssettag $0x2  }
0x7a: {  	s0 =	rddreg [dreg:$0x0];
	s2 =	stileid.u32  }
0x7b: {  	s1 =	rddreg [dreg:$0x1];
	p0 =	sne.s32 s2, $0x0  }
0x7c: {  	s3 =	rddreg [dreg:$0x2];
	[bflag:$0x3] =	sbarrier.arrive $0xFFFF;
	s2 =	simm.s32 @!p0 $0x1C05  }
0x7d: {  	[timem:s3], [sflag:s2] =	dma.local @!p0 [hbm:s0], s1  }
0x7e: {  	s0 =	simm.s32 @!p0 $0x5  }
0x7f: {  	_ =	swait.ge @!p0 [sflag:s0], s1  }
0x80: {  	s1 =	ssub.s32 @!p0 $0x0, s1;
	[sflag:s0] =	ssyncset.done @!p0 $0x0  }
0x81: {  	[sflag:s0] =	ssyncadd.s32 @!p0 s1  }
0x82: {  	[bflag:$0x3] =	sbarrier.arrive $0xFFFF  }
0x83: {  	_ =	shalt  }

// kernel: kernel.8.cloned.1.call-start
scs
__scs_entry_jumppad:
0x0: {  	(pc) =	sbr.rel $0x88, $3  }
0x1: {  	(tag) =	ssettag $0x0;
	lr =	simm.s32 $0x1  }
0x2: {  	[smem:$0x3F9B] =	sst lr;
	_ =	strace $0xD0000000  }
0x3: {  	_ = 	snop  }
0x4: {  	_ = 	snop  }
0x5: {  	_ = 	snop  }
0x6: {  	_ = 	snop  }
0x7: {  	_ = 	snop  }
__scs_overlays_trampoline_lowered:
0x8: {  	[smem:$0x3FAA] =	sst s0  }
0x9: {  	[smem:$0x3FAB] =	sst s1  }
0xa: {  	[smem:$0x3FAC] =	sst s2  }
0xb: {  	[smem:$0x3FAD] =	sst s3  }
0xc: {  	[smem:$0x3FAE] =	sst s4  }
0xd: {  	[smem:$0x3FAF] =	sst s5  }
0xe: {  	[smem:$0x3FB0] =	sst s6  }
0xf: {  	[smem:$0x3FB1] =	sst s7  }
0x10: {  	[smem:$0x3FB2] =	sst s8  }
0x11: {  	[smem:$0x3FB3] =	sst s9;
	s0 =	simm.s32 @!p0 $0x0  }
0x12: {  	s1 =	sld [smem:$0x3F99];
	s0 =	simm.s32 @p0 $0x1  }
0x13: {  	[smem:$0x3FB4] =	sst s0;
	s0 =	simm.s32 @!p1 $0x0  }
0x14: {  	s2 =	sld [smem:$0x3F98];
	s0 =	simm.s32 @p1 $0x1  }
0x15: {  	[smem:$0x3FB5] =	sst s0;
	s0 =	simm.s32 @!p2 $0x0  }
0x16: {  	s3 =	sld [smem:$0x3FDB];
	s0 =	simm.s32 @p2 $0x1  }
0x17: {  	s4 =	simm.s32 $0x1BF5;
	[smem:$0x3FB7] =	sst s0  }
0x18: {  	s0 =	sld [smem:$0x3F9A];
	_ =	swait.ge [sflag:s4], $0x0  }
0x19: {  	s7 =	sld [smem:$0x3F9B]  }
0x1a: {  	s8 =	sadd.s32 $0xFFFFE003, lr  }
0x1b: {  	s9 =	sadd.s32 $0xFFFFFEF7, lr;
	s5 =	simm.s32 $0xFFFFFFFF;
	p2 =	slt.u32 s8, $0xFFFFF086  }
0x1c: {  	p1 =	slt.u32 s9, $0xF7A;
	s5 =	simm.s32 @!p2 $0x0  }
0x1d: {  	s5 =	simm.s32 @p1 $0x1;
	p0 =	seq.s32 s7, s2  }
0x1e: {  	s7 =	smul.u32 @!p0 $0xF7A, s2;
	p2 =	seq.s32 @!p0 s5, $0x0  }
0x1f: {  	s9 =	smul.u32 $0xF7A, s1;
	s8 =	simm.s32 @!p0 $0x1BF5;
	p2 =	por !p2, p0  }
0x20: {  	[sflag:s8] =	ssyncset.s32 @!p0 $0xFFFFF086;
	s6 =	sadd.s32 @!p0 s3, s7;
	s7 =	simm.s32 @!p0 $0x108  }
0x21: {  	s3 =	sadd.s32 s3, s9;
	s6 =	sadd.s32 @!p0 $0x88, s6;
	s7 =	simm.s32 @p2 $0x1082  }
0x22: {  	[simem:s7], [sflag:s8] =	dma.local @!p0 [hbm:s6], $0xF7A  }
0x23: {  	s9 =	sor.u32 $0xD0000000, s2;
	s6 =	simm.s32 $0x108;
	_ =	swait.ge @!p0 [sflag:s8], $0x0  }
0x24: {  	s3 =	sadd.s32 $0x88, s3;
	s6 =	simm.s32 @!p1 $0x1082;
	[sflag:s4] =	ssyncset.s32 $0xFFFFF086  }
0x25: {  	[simem:s6], [sflag:s4] =	dma.local [hbm:s3], $0xF7A  }
0x26: {  	[smem:$0x3F9B] =	sst s1;
	(tag) =	ssettag s2;
	_ =	strace s9  }
0x27: {  	s1 =	sld [smem:$0x3FAB]  }
0x28: {  	s2 =	sld [smem:$0x3FAC]  }
0x29: {  	s4 =	sld [smem:$0x3FAE]  }
0x2a: {  	p0 =	seq.s32 s5, $0x0;
	s5 =	sld [smem:$0x3FAF]  }
0x2b: {  	s6 =	sld [smem:$0x3FB0]  }
0x2c: {  	s7 =	sld [smem:$0x3FB1]  }
0x2d: {  	s3 =	simm.s32 $0x108;
	s8 =	sld [smem:$0x3FB2]  }
0x2e: {  	s3 =	simm.s32 @!p0 $0x1082;
	s9 =	sld [smem:$0x3FB3]  }
0x2f: {  	lr =	sadd.s32 s0, s3;
	s0 =	sld [smem:$0x3FAA]  }
0x30: {  	s3 =	sld [smem:$0x3FAD]  }
0x31: {  	[smem:$0x3FB6] =	sst s10  }
0x32: {  	s10 =	sld [smem:$0x3FB4];
	_ =	sdelay $0x3  }
0x33: {  	p0 =	seq.s32 s10, $0x1;
	s10 =	sld [smem:$0x3FB6];
	_ =	sdelay $0x3  }
0x34: {  	[smem:$0x3FB6] =	sst s10  }
0x35: {  	s10 =	sld [smem:$0x3FB5];
	_ =	sdelay $0x3  }
0x36: {  	p1 =	seq.s32 s10, $0x1;
	s10 =	sld [smem:$0x3FB6];
	_ =	sdelay $0x3  }
0x37: {  	[smem:$0x3FB6] =	sst s10  }
0x38: {  	s10 =	sld [smem:$0x3FB7]  }
0x39: {  	_ = 	snop;
	(pc) =	sbr.ind lr, $3  }
0x3a: {  	_ = 	snop  }
0x3b: {  	_ = 	snop  }
0x3c: {  	p2 =	seq.s32 s10, $0x1;
	s10 =	sld [smem:$0x3FB6]  }
0x3d: {  	_ =	shalt  }
0x3e: {  	_ =	shalt  }
0x3f: {  	_ =	shalt  }
0x40: {  	_ =	shalt  }
0x41: {  	_ =	shalt  }
0x42: {  	_ =	shalt  }
0x43: {  	_ =	shalt  }
0x44: {  	_ =	shalt  }
0x45: {  	_ =	shalt  }
0x46: {  	_ =	shalt  }
0x47: {  	_ =	shalt  }
0x48: {  	_ =	shalt  }
0x49: {  	_ =	shalt  }
0x4a: {  	_ =	shalt  }
0x4b: {  	_ =	shalt  }
0x4c: {  	_ =	shalt  }
0x4d: {  	_ =	shalt  }
0x4e: {  	_ =	shalt  }
0x4f: {  	_ =	shalt  }
0x50: {  	_ =	shalt  }
0x51: {  	_ =	shalt  }
0x52: {  	_ =	shalt  }
0x53: {  	_ =	shalt  }
0x54: {  	_ =	shalt  }
0x55: {  	_ =	shalt  }
0x56: {  	_ =	shalt  }
0x57: {  	_ =	shalt  }
0x58: {  	_ =	shalt  }
0x59: {  	_ =	shalt  }
0x5a: {  	_ =	shalt  }
0x5b: {  	_ =	shalt  }
0x5c: {  	_ =	shalt  }
0x5d: {  	_ =	shalt  }
0x5e: {  	_ =	shalt  }
0x5f: {  	_ =	shalt  }
0x60: {  	_ =	shalt  }
0x61: {  	_ =	shalt  }
0x62: {  	_ =	shalt  }
0x63: {  	_ =	shalt  }
0x64: {  	_ =	shalt  }
0x65: {  	_ =	shalt  }
0x66: {  	_ =	shalt  }
0x67: {  	_ =	shalt  }
0x68: {  	_ =	shalt  }
0x69: {  	_ =	shalt  }
0x6a: {  	_ =	shalt  }
0x6b: {  	_ =	shalt  }
0x6c: {  	_ =	shalt  }
0x6d: {  	_ =	shalt  }
0x6e: {  	_ =	shalt  }
0x6f: {  	_ =	shalt  }
0x70: {  	_ =	shalt  }
0x71: {  	_ =	shalt  }
0x72: {  	_ =	shalt  }
0x73: {  	_ =	shalt  }
0x74: {  	_ =	shalt  }
0x75: {  	_ =	shalt  }
0x76: {  	_ =	shalt  }
0x77: {  	_ =	shalt  }
0x78: {  	_ =	shalt  }
0x79: {  	_ =	shalt  }
0x7a: {  	_ =	shalt  }
0x7b: {  	_ =	shalt  }
0x7c: {  	_ =	shalt  }
0x7d: {  	_ =	shalt  }
0x7e: {  	_ =	shalt  }
0x7f: {  	_ =	shalt  }
0x80: {  	_ =	shalt  }
0x81: {  	_ =	shalt  }
0x82: {  	_ =	shalt  }
0x83: {  	_ =	shalt  }
0x84: {  	_ =	shalt  }
0x85: {  	_ =	shalt  }
0x86: {  	_ =	shalt  }
0x87: {  	_ =	shalt  }
.Lfunc_end0:
.L_simem_size_0:
called_computation.1_lowered:
.L_overlay_start_0:
0x88: {  	s2 =	sld [smem:$0x3FD9]  }
0x89: {  	s3 =	sld [smem:$0x3FFE];
	_ =	sdelay $0x1  }
0x8a: {  	s1 =	srdreg.scid  }
0x8b: {  	s0 =	sand.u32 $0x1, s1  }
0x8c: {  	s16 =	sshll.u32 s0, $0xA;
	s2 =	sadd.s32 s3, s2  }
0x8d: {  	s2 =	sadd.s32 s2, s16  }
0x8e: {  	[smem:$0x3FC2] =	sst s2  }
0x8f: {  	_ = 	snop  }
0x90: {  	(tm) =	ssettm $0x1  }
0x91: {  	s17 =	sld [smem:$0x3FFB];
	_ =	sdelay $0x3  }
0x92: {  	_ =	strace s17  }
0x93: {  	s2 =	sld [smem:$0x3FFC];
	_ =	sdelay $0x3  }
0x94: {  	_ =	strace s2  }
0x95: {  	s2 =	sld [smem:$0x3FFD];
	_ =	sdelay $0x3  }
0x96: {  	_ =	strace s2  }
0x97: {  	_ =	strace $0x8FFFFFFF  }
0x98: {  	s18 =	sld [smem:$0x3FDB];
	_ =	sdelay $0x1  }
0x99: {  	s19 =	simm.s32 $_scs_section_size  }
0x9a: {  	s4 =	simm.s32 $_size__tile_overlayer_lowered;
	s5 =	simm.s32 $_tile_overlayer_lowered  }
0x9b: {  	s22 =	simm.s32 $0x1BFF;
	s21 =	sshll.u32 s5, $0x1;
	s2 =	sadd.s32 s19, s18  }
0x9c: {  	s6 =	simm.s32 $0x0;
	s20 =	sshll.u32 s4, $0x1;
	s4 =	sadd.s32 s21, s2  }
0x9d: {  	[timem:s6], [sflag:s22] =	dma.local [hbm:s4], s20  }
0x9e: {  	_ =	swait.ge [sflag:s22], s20  }
0x9f: {  	s3 =	ssub.s32 $0x0, s20;
	[sflag:s22] =	ssyncset.done $0x0  }
0xa0: {  	[sflag:s22] =	ssyncadd.s32 s3;
	_ =	sdelay $0x1  }
0xa1: {  	s23 =	simm.s32 $0x1B8B  }
0xa2: {  	_ =	swait.ge [sflag:s23], $0x1  }
0xa3: {  	[sflag:s23] =	ssyncset.done $0x0  }
0xa4: {  	s25 =	simm.s32 $0x1B8E;
	s24 =	sld [smem:$0x3FFE];
	[sflag:s23] =	ssyncadd.s32 $0xFFFFFFFF  }
0xa5: {  	s26 =	simm.s32 $execute0_lowered;
	[smem:$0x3FD2] =	sst s25  }
0xa6: {  	s4 =	sshll.u32 s26, $0x1;
	_ =	strace $0x80000049;
	[dreg:$0x1] =	wrdreg $0xFFFFFFFF  }
0xa7: {  	s28 =	simm.s32 $_size_execute0_lowered;
	s2 =	sadd.s32 s2, s4;
	[dreg:$0x0] =	wrdreg $0x0  }
0xa8: {  	s4 =	sshll.u32 s28, $0x1;
	[dreg:$0x2] =	wrdreg s2  }
0xa9: {  	[dreg:$0x3] =	wrdreg s4  }
0xaa: {  	[dreg:$0x4] =	wrdreg $0xC0  }
0xab: {  	_ =	task [dreg:s6], $0x5FFFF  }
0xac: {  	[dreg:$0x1] =	wrdreg $0xFFFFFFFF  }
0xad: {  	[dreg:$0x0] =	wrdreg $0x60  }
0xae: {  	[dreg:$0x2] =	wrdreg s24  }
0xaf: {  	[dreg:$0x3] =	wrdreg $0x9  }
0xb0: {  	_ =	task.clear_ibuf [dreg:s6], $0x4FFFF;
	_ =	strace $0x90000049  }
0xb1: {  	s29 =	simm.s32 $0x9;
	_ =	strace $0x8000004B  }
0xb2: {  	_ =	swait.ge [sflag:s29], $0x1  }
0xb3: {  	[sflag:s29] =	ssyncadd.s32 $0xFFFFFFFF  }
0xb4: {  	_ =	strace $0x9000004B  }
0xb5: {  	_ =	sfence  }
0xb6: {  	s30 =	sld [smem:$0x0];
	_ =	sdelay $0x2  }
0xb7: {  	s31 =	sshll.u32 s1, $0xD;
	s1 =	sshrl.u32 s1, $0x2  }
0xb8: {  	s3 =	sand.u32 $0x4000, s31;
	s1 =	sadd.s32 s1, s30  }
0xb9: {  	s0 =	sor.u32 s3, s0;
	s1 =	sshll.u32 s1, $0x11  }
0xba: {  	s0 =	sor.u32 s1, s0  }
0xbb: {  	s0 =	sadd.s32 $0x8F2B, s0  }
0xbc: {  	[sflag:s0] =	ssyncadd.remote.s32 $0x1  }
0xbd: {  	_ =	sfence.sel $0xFFFF  }
0xbe: {  	[dreg:$0x0] =	wrdreg $0xFFFFFFFF;
	(pc) =	sbr.abs _section_cstart, $3  }
0xbf: {  	[dreg:$0x1] =	wrdreg $0xFFFFFFFF  }
0xc0: {  	_ =	task.clear_ibuf [dreg:s6], $0x2FFFF;
	_ =	strace $0x9FFFFFFF  }
0xc1: {  	(tm) =	ssettm $0x7FFFFFFF  }
tec
execute0_lowered:
.L_overlay_start_1:
0x0: {  	(tag) =	ssettag $0x1  }
0x1: {  	s4 =	rddreg [dreg:$0x0];
	s2 =	srdreg.scid  }
0x2: {  	s0 =	rddreg [dreg:$0x1];
	s1 =	stileid.u32  }
0x3: {  	s9 =	simm.s32 $0x5;
	s10 =	simm.s32 $0x7400;
	s11 =	simm.s32 $0x8400  }
0x4: {  	s12 =	simm.s32 $0x100;
	s13 =	simm.s32 $0x9400;
	s14 =	simm.s32 $0x180  }
0x5: {  	s15 =	simm.s32 $0xA400;
	s16 =	simm.s32 $0x1;
	s17 =	simm.s32 $0x2  }
0x6: {  	s18 =	simm.s32 $0x3;
	s19 =	simm.s32 $0x4;
	s20 =	simm.s32 $0x6400  }
0x7: {  	s21 =	simm.s32 $0x0;
	s3 =	sand.u32 $0x1, s2;
	s2 =	simm.s32 $0x0  }
0x8: {  	s5 =	sshll.u32 s1, $0x8;
	s6 =	sshll.u32 s3, $0x7;
	[smem:$0x7FF] =	sst s2  }
0x9: {  	s7 =	ssub.s32 $0x2, s3;
	s3 =	sadd.s32 $0x1200, s4;
	s5 =	sor.u32 s6, s5  }
0xa: {  	_ =	strace $0x8000004A;
	s8 =	sshrl.u32 s7, $0x1;
	s6 =	sshrl.u32 s5, $0x3  }
0xb: {  	s5 =	sshll.u32 s5, $0x2;
	s7 =	ssub.s32 s7, s8;
	s6 =	sadd.s32 s6, s4  }
0xc: {  	s8 =	simm.s32 $0x1000;
	s5 =	sadd.s32 s5, s4;
	s4 =	sadd.s32 $0x3D1C00, s6  }
0xd: {  	v0 =	vimm.f32 $0.0e+00;
	s5 =	sadd.s32 $0x3EAC00, s5;
	s6 =	smax.u32 s7, $0x1;
	s7 =	simm.s32 $0x80  }
.LBB2_1:
0xe: {  	[tilespmem:s2], [sflag:$0x5] =	stream.strided.gather [hbm4b:s4+s7], $0x6400, s8, s7, $0x38;
	[tilespmem:$0xB400] =	vst v63  }
0xf: {  	_ =	swait.ge [sflag:s9], $0x6400  }
0x10: {  	[sflag:s9] =	ssyncset.done $0x0  }
0x11: {  	s22 =	simm.s32 $0x6480;
	[sflag:s9] =	ssyncadd.s32 $0xFFFF9C00  }
0x12: {  	[tilespmem:s22+$0xFFFFFF80] =	vst v0  }
0x13: {  	[tilespmem:s22+$0x70] =	vst v0  }
0x14: {  	[tilespmem:s22+$0x60] =	vst v0  }
0x15: {  	[tilespmem:s22+$0x50] =	vst v0  }
0x16: {  	[tilespmem:s22+$0x40] =	vst v0  }
0x17: {  	[tilespmem:s22+$0x30] =	vst v0  }
0x18: {  	[tilespmem:s22+$0x20] =	vst v0  }
0x19: {  	[tilespmem:s22+$0x10] =	vst v0  }
0x1a: {  	[tilespmem:s22+$0x0] =	vst v0  }
0x1b: {  	[tilespmem:s22+$0xFFFFFFF0] =	vst v0  }
0x1c: {  	[tilespmem:s22+$0xFFFFFFE0] =	vst v0  }
0x1d: {  	[tilespmem:s22+$0xFFFFFFD0] =	vst v0  }
0x1e: {  	[tilespmem:s22+$0xFFFFFFC0] =	vst v0  }
0x1f: {  	[tilespmem:s22+$0xFFFFFFB0] =	vst v0  }
0x20: {  	s23 =	simm.s32 $0x0;
	[tilespmem:s22+$0xFFFFFFA0] =	vst v0  }
.LBB2_2:
0x21: {  	s23 =	sadd.s32 $0x8, s23;
	[tilespmem:s22+$0xFFFFFF90] =	vst v0;
	s22 =	sadd.s32 $0x100, s22  }
0x22: {  	[tilespmem:s22+$0xFFFFFF80] =	vst v0;
	p0 =	slt.u32 s23, $0x78  }
0x23: {  	[tilespmem:s22+$0x70] =	vst v0  }
0x24: {  	[tilespmem:s22+$0x60] =	vst v0  }
0x25: {  	[tilespmem:s22+$0x50] =	vst v0  }
0x26: {  	[tilespmem:s22+$0x40] =	vst v0  }
0x27: {  	[tilespmem:s22+$0x30] =	vst v0  }
0x28: {  	[tilespmem:s22+$0x20] =	vst v0  }
0x29: {  	[tilespmem:s22+$0x10] =	vst v0  }
0x2a: {  	[tilespmem:s22+$0x0] =	vst v0  }
0x2b: {  	[tilespmem:s22+$0xFFFFFFF0] =	vst v0  }
.Ltmp0:
0x2c: {  	[tilespmem:s22+$0xFFFFFFE0] =	vst v0;
	(pc) =	sbr.rel @p0 .LBB2_2-.Ltmp0, $4  }
0x2d: {  	[tilespmem:s22+$0xFFFFFFD0] =	vst v0  }
0x2e: {  	[tilespmem:s22+$0xFFFFFFC0] =	vst v0  }
0x2f: {  	[tilespmem:s22+$0xFFFFFFB0] =	vst v0  }
0x30: {  	[tilespmem:s22+$0xFFFFFFA0] =	vst v0  }
0x31: {  	[tilespmem:s22+$0xFFFFFF90] =	vst v0;
	s22 =	simm.s32 $0x0  }
0x32: {  	[tilespmem:s10], [sflag:$0x1] =	stream.indirect.gather [hbm4b:s3+s7], $0x20, s22, s7, $0xb8;
	[tilespmem:$0xB400] =	vst v63  }
0x33: {  	_ = 	snop  }
0x34: {  	[tilespmem:s11], [sflag:$0x2] =	stream.indirect.gather [hbm4b:s3+s7], $0x20, s7, s7, $0xb8;
	[tilespmem:$0xB400] =	vst v63  }
0x35: {  	_ = 	snop  }
0x36: {  	[tilespmem:s13], [sflag:$0x3] =	stream.indirect.gather [hbm4b:s3+s7], $0x20, s12, s7, $0xb8;
	[tilespmem:$0xB400] =	vst v63  }
0x37: {  	_ = 	snop  }
0x38: {  	[tilespmem:s15], [sflag:$0x4] =	stream.indirect.gather [hbm4b:s3+s7], $0x20, s14, s7, $0xb8;
	[tilespmem:$0xB400] =	vst v63  }
.LBB2_4:
0x39: {  	_ =	swait.ge [sflag:s16], $0x1000  }
0x3a: {  	[sflag:s16] =	ssyncset.done $0x0  }
0x3b: {  	s24 =	simm.s32 $0x0;
	[sflag:s16] =	ssyncadd.s32 $0xFFFFF000  }
0x3c: {  	v1 =	vld [tilespmem:s24+$0x74F0]  }
0x3d: {  	v2 =	vld [tilespmem:s24+$0x7400]  }
0x3e: {  	v3 =	vld [tilespmem:s24+$0x7410]  }
0x3f: {  	v4 =	vld [tilespmem:s24+$0x7420]  }
0x40: {  	v5 =	vld [tilespmem:s24+$0x7430]  }
0x41: {  	v6 =	vld [tilespmem:s24+$0x7440]  }
0x42: {  	v7 =	vld [tilespmem:s24+$0x7450]  }
0x43: {  	v8 =	vld [tilespmem:s24+$0x7460]  }
0x44: {  	v9 =	vld [tilespmem:s24+$0x7470]  }
0x45: {  	v10 =	vld [tilespmem:s24+$0x7480]  }
0x46: {  	v11 =	vld [tilespmem:s24+$0x7490]  }
0x47: {  	v12 =	vld [tilespmem:s24+$0x74A0]  }
0x48: {  	v13 =	vld [tilespmem:s24+$0x74B0]  }
0x49: {  	v14 =	vld [tilespmem:s24+$0x74C0]  }
0x4a: {  	v15 =	vld [tilespmem:s24+$0x74D0]  }
0x4b: {  	[tilespmem:s24+$0x64F0] =	vst.add.f32.msk $0xffff, v1  }
0x4c: {  	v1 =	vld [tilespmem:s24+$0x74E0]  }
0x4d: {  	[tilespmem:s24+$0x6400] =	vst.add.f32.msk $0xffff, v2  }
0x4e: {  	[tilespmem:s24+$0x6410] =	vst.add.f32.msk $0xffff, v3  }
0x4f: {  	[tilespmem:s24+$0x6420] =	vst.add.f32.msk $0xffff, v4  }
0x50: {  	[tilespmem:s24+$0x6430] =	vst.add.f32.msk $0xffff, v5  }
0x51: {  	[tilespmem:s24+$0x6440] =	vst.add.f32.msk $0xffff, v6  }
0x52: {  	[tilespmem:s24+$0x6450] =	vst.add.f32.msk $0xffff, v7  }
0x53: {  	[tilespmem:s24+$0x6460] =	vst.add.f32.msk $0xffff, v8  }
0x54: {  	[tilespmem:s24+$0x6470] =	vst.add.f32.msk $0xffff, v9  }
0x55: {  	[tilespmem:s24+$0x6480] =	vst.add.f32.msk $0xffff, v10  }
0x56: {  	[tilespmem:s24+$0x6490] =	vst.add.f32.msk $0xffff, v11  }
0x57: {  	[tilespmem:s24+$0x64A0] =	vst.add.f32.msk $0xffff, v12  }
0x58: {  	[tilespmem:s24+$0x64B0] =	vst.add.f32.msk $0xffff, v13  }
0x59: {  	[tilespmem:s24+$0x64C0] =	vst.add.f32.msk $0xffff, v14  }
0x5a: {  	s23 =	simm.s32 $0x0;
	s25 =	simm.s32 $0x400;
	[tilespmem:s24+$0x64D0] =	vst.add.f32.msk $0xffff, v15  }
.LBB2_5:
0x5b: {  	s23 =	sadd.s32 $0x8, s23;
	[tilespmem:s24+$0x64E0] =	vst.add.f32.msk $0xffff, v1;
	s24 =	sshra.s32 s25, $0x2  }
0x5c: {  	v1 =	vld [tilespmem:s24+$0x74F0];
	p0 =	slt.u32 s23, $0x78  }
0x5d: {  	v2 =	vld [tilespmem:s24+$0x7400]  }
0x5e: {  	v3 =	vld [tilespmem:s24+$0x7410]  }
0x5f: {  	v4 =	vld [tilespmem:s24+$0x7420]  }
0x60: {  	v5 =	vld [tilespmem:s24+$0x7430]  }
0x61: {  	[tilespmem:s24+$0x64F0] =	vst.add.f32.msk $0xffff, v1  }
0x62: {  	v6 =	vld [tilespmem:s24+$0x7440]  }
0x63: {  	v7 =	vld [tilespmem:s24+$0x7450]  }
0x64: {  	v8 =	vld [tilespmem:s24+$0x7460]  }
0x65: {  	v9 =	vld [tilespmem:s24+$0x7470]  }
0x66: {  	v10 =	vld [tilespmem:s24+$0x7480]  }
0x67: {  	v11 =	vld [tilespmem:s24+$0x7490]  }
0x68: {  	v12 =	vld [tilespmem:s24+$0x74A0]  }
0x69: {  	v13 =	vld [tilespmem:s24+$0x74B0]  }
0x6a: {  	v14 =	vld [tilespmem:s24+$0x74C0]  }
0x6b: {  	v15 =	vld [tilespmem:s24+$0x74D0]  }
0x6c: {  	v1 =	vld [tilespmem:s24+$0x74E0]  }
0x6d: {  	[tilespmem:s24+$0x6400] =	vst.add.f32.msk $0xffff, v2  }
0x6e: {  	[tilespmem:s24+$0x6410] =	vst.add.f32.msk $0xffff, v3  }
0x6f: {  	[tilespmem:s24+$0x6420] =	vst.add.f32.msk $0xffff, v4  }
0x70: {  	[tilespmem:s24+$0x6430] =	vst.add.f32.msk $0xffff, v5  }
0x71: {  	[tilespmem:s24+$0x6440] =	vst.add.f32.msk $0xffff, v6  }
0x72: {  	[tilespmem:s24+$0x6450] =	vst.add.f32.msk $0xffff, v7  }
0x73: {  	[tilespmem:s24+$0x6460] =	vst.add.f32.msk $0xffff, v8  }
0x74: {  	[tilespmem:s24+$0x6470] =	vst.add.f32.msk $0xffff, v9  }
0x75: {  	[tilespmem:s24+$0x6480] =	vst.add.f32.msk $0xffff, v10  }
.Ltmp1:
0x76: {  	[tilespmem:s24+$0x6490] =	vst.add.f32.msk $0xffff, v11;
	(pc) =	sbr.rel @p0 .LBB2_5-.Ltmp1, $4  }
0x77: {  	[tilespmem:s24+$0x64A0] =	vst.add.f32.msk $0xffff, v12  }
0x78: {  	[tilespmem:s24+$0x64B0] =	vst.add.f32.msk $0xffff, v13  }
0x79: {  	[tilespmem:s24+$0x64C0] =	vst.add.f32.msk $0xffff, v14  }
0x7a: {  	s25 =	sadd.s32 $0x400, s25;
	[tilespmem:s24+$0x64D0] =	vst.add.f32.msk $0xffff, v15  }
0x7b: {  	s23 =	sshll.u32 s22, $0x9  }
0x7c: {  	s23 =	sand.u32 $0x3FFFFE00, s23  }
0x7d: {  	[tilespmem:s24+$0x64E0] =	vst.add.f32.msk $0xffff, v1;
	s31 =	sadd.s32 $0x200, s23  }
0x7e: {  	[tilespmem:s10], [sflag:$0x1] =	stream.indirect.gather [hbm4b:s3+s7], $0x20, s31, s7, $0xb8;
	[tilespmem:$0xB400] =	vst v63  }
0x7f: {  	_ =	swait.ge [sflag:s17], $0x1000  }
0x80: {  	[sflag:s17] =	ssyncset.done $0x0  }
0x81: {  	s24 =	simm.s32 $0x0;
	[sflag:s17] =	ssyncadd.s32 $0xFFFFF000  }
0x82: {  	v1 =	vld [tilespmem:s24+$0x84F0]  }
0x83: {  	v2 =	vld [tilespmem:s24+$0x8400]  }
0x84: {  	v3 =	vld [tilespmem:s24+$0x8410]  }
0x85: {  	v4 =	vld [tilespmem:s24+$0x8420]  }
0x86: {  	v5 =	vld [tilespmem:s24+$0x8430]  }
0x87: {  	v6 =	vld [tilespmem:s24+$0x8440]  }
0x88: {  	v7 =	vld [tilespmem:s24+$0x8450]  }
0x89: {  	v8 =	vld [tilespmem:s24+$0x8460]  }
0x8a: {  	v9 =	vld [tilespmem:s24+$0x8470]  }
0x8b: {  	v10 =	vld [tilespmem:s24+$0x8480]  }
0x8c: {  	v11 =	vld [tilespmem:s24+$0x8490]  }
0x8d: {  	v12 =	vld [tilespmem:s24+$0x84A0]  }
0x8e: {  	v13 =	vld [tilespmem:s24+$0x84B0]  }
0x8f: {  	v14 =	vld [tilespmem:s24+$0x84C0]  }
0x90: {  	v15 =	vld [tilespmem:s24+$0x84D0]  }
0x91: {  	[tilespmem:s24+$0x64F0] =	vst.add.f32.msk $0xffff, v1  }
0x92: {  	v1 =	vld [tilespmem:s24+$0x84E0]  }
0x93: {  	[tilespmem:s24+$0x6400] =	vst.add.f32.msk $0xffff, v2  }
0x94: {  	[tilespmem:s24+$0x6410] =	vst.add.f32.msk $0xffff, v3  }
0x95: {  	[tilespmem:s24+$0x6420] =	vst.add.f32.msk $0xffff, v4  }
0x96: {  	[tilespmem:s24+$0x6430] =	vst.add.f32.msk $0xffff, v5  }
0x97: {  	[tilespmem:s24+$0x6440] =	vst.add.f32.msk $0xffff, v6  }
0x98: {  	[tilespmem:s24+$0x6450] =	vst.add.f32.msk $0xffff, v7  }
0x99: {  	[tilespmem:s24+$0x6460] =	vst.add.f32.msk $0xffff, v8  }
0x9a: {  	[tilespmem:s24+$0x6470] =	vst.add.f32.msk $0xffff, v9  }
0x9b: {  	[tilespmem:s24+$0x6480] =	vst.add.f32.msk $0xffff, v10  }
0x9c: {  	[tilespmem:s24+$0x6490] =	vst.add.f32.msk $0xffff, v11  }
0x9d: {  	[tilespmem:s24+$0x64A0] =	vst.add.f32.msk $0xffff, v12  }
0x9e: {  	[tilespmem:s24+$0x64B0] =	vst.add.f32.msk $0xffff, v13  }
0x9f: {  	[tilespmem:s24+$0x64C0] =	vst.add.f32.msk $0xffff, v14  }
0xa0: {  	s25 =	simm.s32 $0x0;
	s26 =	simm.s32 $0x400;
	[tilespmem:s24+$0x64D0] =	vst.add.f32.msk $0xffff, v15  }
.LBB2_7:
0xa1: {  	s25 =	sadd.s32 $0x8, s25;
	[tilespmem:s24+$0x64E0] =	vst.add.f32.msk $0xffff, v1;
	s24 =	sshra.s32 s26, $0x2  }
0xa2: {  	v1 =	vld [tilespmem:s24+$0x84F0];
	p0 =	slt.u32 s25, $0x78  }
0xa3: {  	v2 =	vld [tilespmem:s24+$0x8400]  }
0xa4: {  	v3 =	vld [tilespmem:s24+$0x8410]  }
0xa5: {  	v4 =	vld [tilespmem:s24+$0x8420]  }
0xa6: {  	v5 =	vld [tilespmem:s24+$0x8430]  }
0xa7: {  	[tilespmem:s24+$0x64F0] =	vst.add.f32.msk $0xffff, v1  }
0xa8: {  	v6 =	vld [tilespmem:s24+$0x8440]  }
0xa9: {  	v7 =	vld [tilespmem:s24+$0x8450]  }
0xaa: {  	v8 =	vld [tilespmem:s24+$0x8460]  }
0xab: {  	v9 =	vld [tilespmem:s24+$0x8470]  }
0xac: {  	v10 =	vld [tilespmem:s24+$0x8480]  }
0xad: {  	v11 =	vld [tilespmem:s24+$0x8490]  }
0xae: {  	v12 =	vld [tilespmem:s24+$0x84A0]  }
0xaf: {  	v13 =	vld [tilespmem:s24+$0x84B0]  }
0xb0: {  	v14 =	vld [tilespmem:s24+$0x84C0]  }
0xb1: {  	v15 =	vld [tilespmem:s24+$0x84D0]  }
0xb2: {  	v1 =	vld [tilespmem:s24+$0x84E0]  }
0xb3: {  	[tilespmem:s24+$0x6400] =	vst.add.f32.msk $0xffff, v2  }
0xb4: {  	[tilespmem:s24+$0x6410] =	vst.add.f32.msk $0xffff, v3  }
0xb5: {  	[tilespmem:s24+$0x6420] =	vst.add.f32.msk $0xffff, v4  }
0xb6: {  	[tilespmem:s24+$0x6430] =	vst.add.f32.msk $0xffff, v5  }
0xb7: {  	[tilespmem:s24+$0x6440] =	vst.add.f32.msk $0xffff, v6  }
0xb8: {  	[tilespmem:s24+$0x6450] =	vst.add.f32.msk $0xffff, v7  }
0xb9: {  	[tilespmem:s24+$0x6460] =	vst.add.f32.msk $0xffff, v8  }
0xba: {  	[tilespmem:s24+$0x6470] =	vst.add.f32.msk $0xffff, v9  }
0xbb: {  	[tilespmem:s24+$0x6480] =	vst.add.f32.msk $0xffff, v10  }
.Ltmp2:
0xbc: {  	[tilespmem:s24+$0x6490] =	vst.add.f32.msk $0xffff, v11;
	(pc) =	sbr.rel @p0 .LBB2_7-.Ltmp2, $4  }
0xbd: {  	[tilespmem:s24+$0x64A0] =	vst.add.f32.msk $0xffff, v12  }
0xbe: {  	[tilespmem:s24+$0x64B0] =	vst.add.f32.msk $0xffff, v13  }
0xbf: {  	[tilespmem:s24+$0x64C0] =	vst.add.f32.msk $0xffff, v14  }
0xc0: {  	s26 =	sadd.s32 $0x400, s26;
	[tilespmem:s24+$0x64D0] =	vst.add.f32.msk $0xffff, v15  }
0xc1: {  	[tilespmem:s24+$0x64E0] =	vst.add.f32.msk $0xffff, v1;
	s31 =	sadd.s32 $0x280, s23  }
0xc2: {  	[tilespmem:s11], [sflag:$0x2] =	stream.indirect.gather [hbm4b:s3+s7], $0x20, s31, s7, $0xb8;
	[tilespmem:$0xB400] =	vst v63  }
0xc3: {  	_ =	swait.ge [sflag:s18], $0x1000  }
0xc4: {  	[sflag:s18] =	ssyncset.done $0x0  }
0xc5: {  	s24 =	simm.s32 $0x0;
	[sflag:s18] =	ssyncadd.s32 $0xFFFFF000  }
0xc6: {  	v1 =	vld [tilespmem:s24+$0x94F0]  }
0xc7: {  	v2 =	vld [tilespmem:s24+$0x9400]  }
0xc8: {  	v3 =	vld [tilespmem:s24+$0x9410]  }
0xc9: {  	v4 =	vld [tilespmem:s24+$0x9420]  }
0xca: {  	v5 =	vld [tilespmem:s24+$0x9430]  }
0xcb: {  	v6 =	vld [tilespmem:s24+$0x9440]  }
0xcc: {  	v7 =	vld [tilespmem:s24+$0x9450]  }
0xcd: {  	v8 =	vld [tilespmem:s24+$0x9460]  }
0xce: {  	v9 =	vld [tilespmem:s24+$0x9470]  }
0xcf: {  	v10 =	vld [tilespmem:s24+$0x9480]  }
0xd0: {  	v11 =	vld [tilespmem:s24+$0x9490]  }
0xd1: {  	v12 =	vld [tilespmem:s24+$0x94A0]  }
0xd2: {  	v13 =	vld [tilespmem:s24+$0x94B0]  }
0xd3: {  	v14 =	vld [tilespmem:s24+$0x94C0]  }
0xd4: {  	v15 =	vld [tilespmem:s24+$0x94D0]  }
0xd5: {  	[tilespmem:s24+$0x64F0] =	vst.add.f32.msk $0xffff, v1  }
0xd6: {  	v1 =	vld [tilespmem:s24+$0x94E0]  }
0xd7: {  	[tilespmem:s24+$0x6400] =	vst.add.f32.msk $0xffff, v2  }
0xd8: {  	[tilespmem:s24+$0x6410] =	vst.add.f32.msk $0xffff, v3  }
0xd9: {  	[tilespmem:s24+$0x6420] =	vst.add.f32.msk $0xffff, v4  }
0xda: {  	[tilespmem:s24+$0x6430] =	vst.add.f32.msk $0xffff, v5  }
0xdb: {  	[tilespmem:s24+$0x6440] =	vst.add.f32.msk $0xffff, v6  }
0xdc: {  	[tilespmem:s24+$0x6450] =	vst.add.f32.msk $0xffff, v7  }
0xdd: {  	[tilespmem:s24+$0x6460] =	vst.add.f32.msk $0xffff, v8  }
0xde: {  	[tilespmem:s24+$0x6470] =	vst.add.f32.msk $0xffff, v9  }
0xdf: {  	[tilespmem:s24+$0x6480] =	vst.add.f32.msk $0xffff, v10  }
0xe0: {  	[tilespmem:s24+$0x6490] =	vst.add.f32.msk $0xffff, v11  }
0xe1: {  	[tilespmem:s24+$0x64A0] =	vst.add.f32.msk $0xffff, v12  }
0xe2: {  	[tilespmem:s24+$0x64B0] =	vst.add.f32.msk $0xffff, v13  }
0xe3: {  	[tilespmem:s24+$0x64C0] =	vst.add.f32.msk $0xffff, v14  }
0xe4: {  	s25 =	simm.s32 $0x0;
	s26 =	simm.s32 $0x400;
	[tilespmem:s24+$0x64D0] =	vst.add.f32.msk $0xffff, v15  }
.LBB2_9:
0xe5: {  	s25 =	sadd.s32 $0x8, s25;
	[tilespmem:s24+$0x64E0] =	vst.add.f32.msk $0xffff, v1;
	s24 =	sshra.s32 s26, $0x2  }
0xe6: {  	v1 =	vld [tilespmem:s24+$0x94F0];
	p0 =	slt.u32 s25, $0x78  }
0xe7: {  	v2 =	vld [tilespmem:s24+$0x9400]  }
0xe8: {  	v3 =	vld [tilespmem:s24+$0x9410]  }
0xe9: {  	v4 =	vld [tilespmem:s24+$0x9420]  }
0xea: {  	v5 =	vld [tilespmem:s24+$0x9430]  }
0xeb: {  	[tilespmem:s24+$0x64F0] =	vst.add.f32.msk $0xffff, v1  }
0xec: {  	v6 =	vld [tilespmem:s24+$0x9440]  }
0xed: {  	v7 =	vld [tilespmem:s24+$0x9450]  }
0xee: {  	v8 =	vld [tilespmem:s24+$0x9460]  }
0xef: {  	v9 =	vld [tilespmem:s24+$0x9470]  }
0xf0: {  	v10 =	vld [tilespmem:s24+$0x9480]  }
0xf1: {  	v11 =	vld [tilespmem:s24+$0x9490]  }
0xf2: {  	v12 =	vld [tilespmem:s24+$0x94A0]  }
0xf3: {  	v13 =	vld [tilespmem:s24+$0x94B0]  }
0xf4: {  	v14 =	vld [tilespmem:s24+$0x94C0]  }
0xf5: {  	v15 =	vld [tilespmem:s24+$0x94D0]  }
0xf6: {  	v1 =	vld [tilespmem:s24+$0x94E0]  }
0xf7: {  	[tilespmem:s24+$0x6400] =	vst.add.f32.msk $0xffff, v2  }
0xf8: {  	[tilespmem:s24+$0x6410] =	vst.add.f32.msk $0xffff, v3  }
0xf9: {  	[tilespmem:s24+$0x6420] =	vst.add.f32.msk $0xffff, v4  }
0xfa: {  	[tilespmem:s24+$0x6430] =	vst.add.f32.msk $0xffff, v5  }
0xfb: {  	[tilespmem:s24+$0x6440] =	vst.add.f32.msk $0xffff, v6  }
0xfc: {  	[tilespmem:s24+$0x6450] =	vst.add.f32.msk $0xffff, v7  }
0xfd: {  	[tilespmem:s24+$0x6460] =	vst.add.f32.msk $0xffff, v8  }
0xfe: {  	[tilespmem:s24+$0x6470] =	vst.add.f32.msk $0xffff, v9  }
0xff: {  	[tilespmem:s24+$0x6480] =	vst.add.f32.msk $0xffff, v10  }
.Ltmp3:
0x100: {  	[tilespmem:s24+$0x6490] =	vst.add.f32.msk $0xffff, v11;
	(pc) =	sbr.rel @p0 .LBB2_9-.Ltmp3, $4  }
0x101: {  	[tilespmem:s24+$0x64A0] =	vst.add.f32.msk $0xffff, v12  }
0x102: {  	[tilespmem:s24+$0x64B0] =	vst.add.f32.msk $0xffff, v13  }
0x103: {  	[tilespmem:s24+$0x64C0] =	vst.add.f32.msk $0xffff, v14  }
0x104: {  	s26 =	sadd.s32 $0x400, s26;
	[tilespmem:s24+$0x64D0] =	vst.add.f32.msk $0xffff, v15  }
0x105: {  	[tilespmem:s24+$0x64E0] =	vst.add.f32.msk $0xffff, v1;
	s31 =	sadd.s32 $0x300, s23  }
0x106: {  	[tilespmem:s13], [sflag:$0x3] =	stream.indirect.gather [hbm4b:s3+s7], $0x20, s31, s7, $0xb8;
	[tilespmem:$0xB400] =	vst v63  }
0x107: {  	_ =	swait.ge [sflag:s19], $0x1000  }
0x108: {  	[sflag:s19] =	ssyncset.done $0x0  }
0x109: {  	s24 =	simm.s32 $0x0;
	[sflag:s19] =	ssyncadd.s32 $0xFFFFF000  }
0x10a: {  	v1 =	vld [tilespmem:s24+$0xA4F0]  }
0x10b: {  	v2 =	vld [tilespmem:s24+$0xA400]  }
0x10c: {  	v3 =	vld [tilespmem:s24+$0xA410]  }
0x10d: {  	v4 =	vld [tilespmem:s24+$0xA420]  }
0x10e: {  	v5 =	vld [tilespmem:s24+$0xA430]  }
0x10f: {  	v6 =	vld [tilespmem:s24+$0xA440]  }
0x110: {  	v7 =	vld [tilespmem:s24+$0xA450]  }
0x111: {  	v8 =	vld [tilespmem:s24+$0xA460]  }
0x112: {  	v9 =	vld [tilespmem:s24+$0xA470]  }
0x113: {  	v10 =	vld [tilespmem:s24+$0xA480]  }
0x114: {  	v11 =	vld [tilespmem:s24+$0xA490]  }
0x115: {  	v12 =	vld [tilespmem:s24+$0xA4A0]  }
0x116: {  	v13 =	vld [tilespmem:s24+$0xA4B0]  }
0x117: {  	v14 =	vld [tilespmem:s24+$0xA4C0]  }
0x118: {  	v15 =	vld [tilespmem:s24+$0xA4D0]  }
0x119: {  	[tilespmem:s24+$0x64F0] =	vst.add.f32.msk $0xffff, v1  }
0x11a: {  	v1 =	vld [tilespmem:s24+$0xA4E0]  }
0x11b: {  	[tilespmem:s24+$0x6400] =	vst.add.f32.msk $0xffff, v2  }
0x11c: {  	[tilespmem:s24+$0x6410] =	vst.add.f32.msk $0xffff, v3  }
0x11d: {  	[tilespmem:s24+$0x6420] =	vst.add.f32.msk $0xffff, v4  }
0x11e: {  	[tilespmem:s24+$0x6430] =	vst.add.f32.msk $0xffff, v5  }
0x11f: {  	[tilespmem:s24+$0x6440] =	vst.add.f32.msk $0xffff, v6  }
0x120: {  	[tilespmem:s24+$0x6450] =	vst.add.f32.msk $0xffff, v7  }
0x121: {  	[tilespmem:s24+$0x6460] =	vst.add.f32.msk $0xffff, v8  }
0x122: {  	[tilespmem:s24+$0x6470] =	vst.add.f32.msk $0xffff, v9  }
0x123: {  	[tilespmem:s24+$0x6480] =	vst.add.f32.msk $0xffff, v10  }
0x124: {  	[tilespmem:s24+$0x6490] =	vst.add.f32.msk $0xffff, v11  }
0x125: {  	[tilespmem:s24+$0x64A0] =	vst.add.f32.msk $0xffff, v12  }
0x126: {  	[tilespmem:s24+$0x64B0] =	vst.add.f32.msk $0xffff, v13  }
0x127: {  	[tilespmem:s24+$0x64C0] =	vst.add.f32.msk $0xffff, v14  }
0x128: {  	s25 =	simm.s32 $0x0;
	s26 =	simm.s32 $0x400;
	[tilespmem:s24+$0x64D0] =	vst.add.f32.msk $0xffff, v15  }
.LBB2_11:
0x129: {  	s25 =	sadd.s32 $0x8, s25;
	[tilespmem:s24+$0x64E0] =	vst.add.f32.msk $0xffff, v1;
	s24 =	sshra.s32 s26, $0x2  }
0x12a: {  	v1 =	vld [tilespmem:s24+$0xA4F0];
	p0 =	slt.u32 s25, $0x78  }
0x12b: {  	v2 =	vld [tilespmem:s24+$0xA400]  }
0x12c: {  	v3 =	vld [tilespmem:s24+$0xA410]  }
0x12d: {  	v4 =	vld [tilespmem:s24+$0xA420]  }
0x12e: {  	v5 =	vld [tilespmem:s24+$0xA430]  }
0x12f: {  	[tilespmem:s24+$0x64F0] =	vst.add.f32.msk $0xffff, v1  }
0x130: {  	v6 =	vld [tilespmem:s24+$0xA440]  }
0x131: {  	v7 =	vld [tilespmem:s24+$0xA450]  }
0x132: {  	v8 =	vld [tilespmem:s24+$0xA460]  }
0x133: {  	v9 =	vld [tilespmem:s24+$0xA470]  }
0x134: {  	v10 =	vld [tilespmem:s24+$0xA480]  }
0x135: {  	v11 =	vld [tilespmem:s24+$0xA490]  }
0x136: {  	v12 =	vld [tilespmem:s24+$0xA4A0]  }
0x137: {  	v13 =	vld [tilespmem:s24+$0xA4B0]  }
0x138: {  	v14 =	vld [tilespmem:s24+$0xA4C0]  }
0x139: {  	v15 =	vld [tilespmem:s24+$0xA4D0]  }
0x13a: {  	v1 =	vld [tilespmem:s24+$0xA4E0]  }
0x13b: {  	[tilespmem:s24+$0x6400] =	vst.add.f32.msk $0xffff, v2  }
0x13c: {  	[tilespmem:s24+$0x6410] =	vst.add.f32.msk $0xffff, v3  }
0x13d: {  	[tilespmem:s24+$0x6420] =	vst.add.f32.msk $0xffff, v4  }
0x13e: {  	[tilespmem:s24+$0x6430] =	vst.add.f32.msk $0xffff, v5  }
0x13f: {  	[tilespmem:s24+$0x6440] =	vst.add.f32.msk $0xffff, v6  }
0x140: {  	[tilespmem:s24+$0x6450] =	vst.add.f32.msk $0xffff, v7  }
0x141: {  	[tilespmem:s24+$0x6460] =	vst.add.f32.msk $0xffff, v8  }
0x142: {  	[tilespmem:s24+$0x6470] =	vst.add.f32.msk $0xffff, v9  }
0x143: {  	[tilespmem:s24+$0x6480] =	vst.add.f32.msk $0xffff, v10  }
.Ltmp4:
0x144: {  	[tilespmem:s24+$0x6490] =	vst.add.f32.msk $0xffff, v11;
	(pc) =	sbr.rel @p0 .LBB2_11-.Ltmp4, $4  }
0x145: {  	[tilespmem:s24+$0x64A0] =	vst.add.f32.msk $0xffff, v12  }
0x146: {  	[tilespmem:s24+$0x64B0] =	vst.add.f32.msk $0xffff, v13  }
0x147: {  	[tilespmem:s24+$0x64C0] =	vst.add.f32.msk $0xffff, v14  }
0x148: {  	s26 =	sadd.s32 $0x400, s26;
	[tilespmem:s24+$0x64D0] =	vst.add.f32.msk $0xffff, v15  }
0x149: {  	s22 =	sadd.s32 $0x1, s22  }
0x14a: {  	p0 =	sne.s32 s22, $0x31  }
.Ltmp5:
0x14b: {  	_ = 	snop;
	(pc) =	sbr.rel @p0 .LBB2_4-.Ltmp5, $3  }
0x14c: {  	_ =	sdelay $0x1  }
0x14d: {  	[tilespmem:s24+$0x64E0] =	vst.add.f32.msk $0xffff, v1;
	s23 =	sadd.s32 $0x380, s23  }
0x14e: {  	[tilespmem:s15], [sflag:$0x4] =	stream.indirect.gather [hbm4b:s3+s7], $0x20, s23, s7, $0xb8;
	[tilespmem:$0xB400] =	vst v63  }
0x14f: {  	_ =	swait.ge [sflag:s16], $0x1000  }
0x150: {  	[sflag:s16] =	ssyncset.done $0x0  }
0x151: {  	s22 =	simm.s32 $0x0;
	[sflag:s16] =	ssyncadd.s32 $0xFFFFF000  }
0x152: {  	v1 =	vld [tilespmem:s22+$0x74F0]  }
0x153: {  	v2 =	vld [tilespmem:s22+$0x7400]  }
0x154: {  	v3 =	vld [tilespmem:s22+$0x7410]  }
0x155: {  	v4 =	vld [tilespmem:s22+$0x7420]  }
0x156: {  	v5 =	vld [tilespmem:s22+$0x7430]  }
0x157: {  	v6 =	vld [tilespmem:s22+$0x7440]  }
0x158: {  	v7 =	vld [tilespmem:s22+$0x7450]  }
0x159: {  	v8 =	vld [tilespmem:s22+$0x7460]  }
0x15a: {  	v9 =	vld [tilespmem:s22+$0x7470]  }
0x15b: {  	v10 =	vld [tilespmem:s22+$0x7480]  }
0x15c: {  	v11 =	vld [tilespmem:s22+$0x7490]  }
0x15d: {  	v12 =	vld [tilespmem:s22+$0x74A0]  }
0x15e: {  	v13 =	vld [tilespmem:s22+$0x74B0]  }
0x15f: {  	v14 =	vld [tilespmem:s22+$0x74C0]  }
0x160: {  	v15 =	vld [tilespmem:s22+$0x74D0]  }
0x161: {  	[tilespmem:s22+$0x64F0] =	vst.add.f32.msk $0xffff, v1  }
0x162: {  	v1 =	vld [tilespmem:s22+$0x74E0]  }
0x163: {  	[tilespmem:s22+$0x6400] =	vst.add.f32.msk $0xffff, v2  }
0x164: {  	[tilespmem:s22+$0x6410] =	vst.add.f32.msk $0xffff, v3  }
0x165: {  	[tilespmem:s22+$0x6420] =	vst.add.f32.msk $0xffff, v4  }
0x166: {  	[tilespmem:s22+$0x6430] =	vst.add.f32.msk $0xffff, v5  }
0x167: {  	[tilespmem:s22+$0x6440] =	vst.add.f32.msk $0xffff, v6  }
0x168: {  	[tilespmem:s22+$0x6450] =	vst.add.f32.msk $0xffff, v7  }
0x169: {  	[tilespmem:s22+$0x6460] =	vst.add.f32.msk $0xffff, v8  }
0x16a: {  	[tilespmem:s22+$0x6470] =	vst.add.f32.msk $0xffff, v9  }
0x16b: {  	[tilespmem:s22+$0x6480] =	vst.add.f32.msk $0xffff, v10  }
0x16c: {  	[tilespmem:s22+$0x6490] =	vst.add.f32.msk $0xffff, v11  }
0x16d: {  	[tilespmem:s22+$0x64A0] =	vst.add.f32.msk $0xffff, v12  }
0x16e: {  	[tilespmem:s22+$0x64B0] =	vst.add.f32.msk $0xffff, v13  }
0x16f: {  	[tilespmem:s22+$0x64C0] =	vst.add.f32.msk $0xffff, v14  }
0x170: {  	s23 =	simm.s32 $0x0;
	s24 =	simm.s32 $0x400;
	[tilespmem:s22+$0x64D0] =	vst.add.f32.msk $0xffff, v15  }
.LBB2_14:
0x171: {  	s23 =	sadd.s32 $0x8, s23;
	[tilespmem:s22+$0x64E0] =	vst.add.f32.msk $0xffff, v1;
	s22 =	sshra.s32 s24, $0x2  }
0x172: {  	v1 =	vld [tilespmem:s22+$0x74F0];
	p0 =	slt.u32 s23, $0x78  }
0x173: {  	v2 =	vld [tilespmem:s22+$0x7400]  }
0x174: {  	v3 =	vld [tilespmem:s22+$0x7410]  }
0x175: {  	v4 =	vld [tilespmem:s22+$0x7420]  }
0x176: {  	v5 =	vld [tilespmem:s22+$0x7430]  }
0x177: {  	[tilespmem:s22+$0x64F0] =	vst.add.f32.msk $0xffff, v1  }
0x178: {  	v6 =	vld [tilespmem:s22+$0x7440]  }
0x179: {  	v7 =	vld [tilespmem:s22+$0x7450]  }
0x17a: {  	v8 =	vld [tilespmem:s22+$0x7460]  }
0x17b: {  	v9 =	vld [tilespmem:s22+$0x7470]  }
0x17c: {  	v10 =	vld [tilespmem:s22+$0x7480]  }
0x17d: {  	v11 =	vld [tilespmem:s22+$0x7490]  }
0x17e: {  	v12 =	vld [tilespmem:s22+$0x74A0]  }
0x17f: {  	v13 =	vld [tilespmem:s22+$0x74B0]  }
0x180: {  	v14 =	vld [tilespmem:s22+$0x74C0]  }
0x181: {  	v15 =	vld [tilespmem:s22+$0x74D0]  }
0x182: {  	v1 =	vld [tilespmem:s22+$0x74E0]  }
0x183: {  	[tilespmem:s22+$0x6400] =	vst.add.f32.msk $0xffff, v2  }
0x184: {  	[tilespmem:s22+$0x6410] =	vst.add.f32.msk $0xffff, v3  }
0x185: {  	[tilespmem:s22+$0x6420] =	vst.add.f32.msk $0xffff, v4  }
0x186: {  	[tilespmem:s22+$0x6430] =	vst.add.f32.msk $0xffff, v5  }
0x187: {  	[tilespmem:s22+$0x6440] =	vst.add.f32.msk $0xffff, v6  }
0x188: {  	[tilespmem:s22+$0x6450] =	vst.add.f32.msk $0xffff, v7  }
0x189: {  	[tilespmem:s22+$0x6460] =	vst.add.f32.msk $0xffff, v8  }
0x18a: {  	[tilespmem:s22+$0x6470] =	vst.add.f32.msk $0xffff, v9  }
0x18b: {  	[tilespmem:s22+$0x6480] =	vst.add.f32.msk $0xffff, v10  }
.Ltmp6:
0x18c: {  	[tilespmem:s22+$0x6490] =	vst.add.f32.msk $0xffff, v11;
	(pc) =	sbr.rel @p0 .LBB2_14-.Ltmp6, $4  }
0x18d: {  	[tilespmem:s22+$0x64A0] =	vst.add.f32.msk $0xffff, v12  }
0x18e: {  	[tilespmem:s22+$0x64B0] =	vst.add.f32.msk $0xffff, v13  }
0x18f: {  	[tilespmem:s22+$0x64C0] =	vst.add.f32.msk $0xffff, v14  }
0x190: {  	s24 =	sadd.s32 $0x400, s24;
	[tilespmem:s22+$0x64D0] =	vst.add.f32.msk $0xffff, v15  }
0x191: {  	[tilespmem:s22+$0x64E0] =	vst.add.f32.msk $0xffff, v1  }
0x192: {  	_ =	swait.ge [sflag:s17], $0x1000  }
0x193: {  	[sflag:s17] =	ssyncset.done $0x0  }
0x194: {  	s22 =	simm.s32 $0x0;
	[sflag:s17] =	ssyncadd.s32 $0xFFFFF000  }
0x195: {  	v1 =	vld [tilespmem:s22+$0x84F0]  }
0x196: {  	v2 =	vld [tilespmem:s22+$0x8400]  }
0x197: {  	v3 =	vld [tilespmem:s22+$0x8410]  }
0x198: {  	v4 =	vld [tilespmem:s22+$0x8420]  }
0x199: {  	v5 =	vld [tilespmem:s22+$0x8430]  }
0x19a: {  	v6 =	vld [tilespmem:s22+$0x8440]  }
0x19b: {  	v7 =	vld [tilespmem:s22+$0x8450]  }
0x19c: {  	v8 =	vld [tilespmem:s22+$0x8460]  }
0x19d: {  	v9 =	vld [tilespmem:s22+$0x8470]  }
0x19e: {  	v10 =	vld [tilespmem:s22+$0x8480]  }
0x19f: {  	v11 =	vld [tilespmem:s22+$0x8490]  }
0x1a0: {  	v12 =	vld [tilespmem:s22+$0x84A0]  }
0x1a1: {  	v13 =	vld [tilespmem:s22+$0x84B0]  }
0x1a2: {  	v14 =	vld [tilespmem:s22+$0x84C0]  }
0x1a3: {  	v15 =	vld [tilespmem:s22+$0x84D0]  }
0x1a4: {  	[tilespmem:s22+$0x64F0] =	vst.add.f32.msk $0xffff, v1  }
0x1a5: {  	v1 =	vld [tilespmem:s22+$0x84E0]  }
0x1a6: {  	[tilespmem:s22+$0x6400] =	vst.add.f32.msk $0xffff, v2  }
0x1a7: {  	[tilespmem:s22+$0x6410] =	vst.add.f32.msk $0xffff, v3  }
0x1a8: {  	[tilespmem:s22+$0x6420] =	vst.add.f32.msk $0xffff, v4  }
0x1a9: {  	[tilespmem:s22+$0x6430] =	vst.add.f32.msk $0xffff, v5  }
0x1aa: {  	[tilespmem:s22+$0x6440] =	vst.add.f32.msk $0xffff, v6  }
0x1ab: {  	[tilespmem:s22+$0x6450] =	vst.add.f32.msk $0xffff, v7  }
0x1ac: {  	[tilespmem:s22+$0x6460] =	vst.add.f32.msk $0xffff, v8  }
0x1ad: {  	[tilespmem:s22+$0x6470] =	vst.add.f32.msk $0xffff, v9  }
0x1ae: {  	[tilespmem:s22+$0x6480] =	vst.add.f32.msk $0xffff, v10  }
0x1af: {  	[tilespmem:s22+$0x6490] =	vst.add.f32.msk $0xffff, v11  }
0x1b0: {  	[tilespmem:s22+$0x64A0] =	vst.add.f32.msk $0xffff, v12  }
0x1b1: {  	[tilespmem:s22+$0x64B0] =	vst.add.f32.msk $0xffff, v13  }
0x1b2: {  	[tilespmem:s22+$0x64C0] =	vst.add.f32.msk $0xffff, v14  }
0x1b3: {  	s23 =	simm.s32 $0x0;
	s24 =	simm.s32 $0x400;
	[tilespmem:s22+$0x64D0] =	vst.add.f32.msk $0xffff, v15  }
.LBB2_16:
0x1b4: {  	s23 =	sadd.s32 $0x8, s23;
	[tilespmem:s22+$0x64E0] =	vst.add.f32.msk $0xffff, v1;
	s22 =	sshra.s32 s24, $0x2  }
0x1b5: {  	v1 =	vld [tilespmem:s22+$0x84F0];
	p0 =	slt.u32 s23, $0x78  }
0x1b6: {  	v2 =	vld [tilespmem:s22+$0x8400]  }
0x1b7: {  	v3 =	vld [tilespmem:s22+$0x8410]  }
0x1b8: {  	v4 =	vld [tilespmem:s22+$0x8420]  }
0x1b9: {  	v5 =	vld [tilespmem:s22+$0x8430]  }
0x1ba: {  	[tilespmem:s22+$0x64F0] =	vst.add.f32.msk $0xffff, v1  }
0x1bb: {  	v6 =	vld [tilespmem:s22+$0x8440]  }
0x1bc: {  	v7 =	vld [tilespmem:s22+$0x8450]  }
0x1bd: {  	v8 =	vld [tilespmem:s22+$0x8460]  }
0x1be: {  	v9 =	vld [tilespmem:s22+$0x8470]  }
0x1bf: {  	v10 =	vld [tilespmem:s22+$0x8480]  }
0x1c0: {  	v11 =	vld [tilespmem:s22+$0x8490]  }
0x1c1: {  	v12 =	vld [tilespmem:s22+$0x84A0]  }
0x1c2: {  	v13 =	vld [tilespmem:s22+$0x84B0]  }
0x1c3: {  	v14 =	vld [tilespmem:s22+$0x84C0]  }
0x1c4: {  	v15 =	vld [tilespmem:s22+$0x84D0]  }
0x1c5: {  	v1 =	vld [tilespmem:s22+$0x84E0]  }
0x1c6: {  	[tilespmem:s22+$0x6400] =	vst.add.f32.msk $0xffff, v2  }
0x1c7: {  	[tilespmem:s22+$0x6410] =	vst.add.f32.msk $0xffff, v3  }
0x1c8: {  	[tilespmem:s22+$0x6420] =	vst.add.f32.msk $0xffff, v4  }
0x1c9: {  	[tilespmem:s22+$0x6430] =	vst.add.f32.msk $0xffff, v5  }
0x1ca: {  	[tilespmem:s22+$0x6440] =	vst.add.f32.msk $0xffff, v6  }
0x1cb: {  	[tilespmem:s22+$0x6450] =	vst.add.f32.msk $0xffff, v7  }
0x1cc: {  	[tilespmem:s22+$0x6460] =	vst.add.f32.msk $0xffff, v8  }
0x1cd: {  	[tilespmem:s22+$0x6470] =	vst.add.f32.msk $0xffff, v9  }
0x1ce: {  	[tilespmem:s22+$0x6480] =	vst.add.f32.msk $0xffff, v10  }
.Ltmp7:
0x1cf: {  	[tilespmem:s22+$0x6490] =	vst.add.f32.msk $0xffff, v11;
	(pc) =	sbr.rel @p0 .LBB2_16-.Ltmp7, $4  }
0x1d0: {  	[tilespmem:s22+$0x64A0] =	vst.add.f32.msk $0xffff, v12  }
0x1d1: {  	[tilespmem:s22+$0x64B0] =	vst.add.f32.msk $0xffff, v13  }
0x1d2: {  	[tilespmem:s22+$0x64C0] =	vst.add.f32.msk $0xffff, v14  }
0x1d3: {  	s24 =	sadd.s32 $0x400, s24;
	[tilespmem:s22+$0x64D0] =	vst.add.f32.msk $0xffff, v15  }
0x1d4: {  	[tilespmem:s22+$0x64E0] =	vst.add.f32.msk $0xffff, v1  }
0x1d5: {  	_ =	swait.ge [sflag:s18], $0x1000  }
0x1d6: {  	[sflag:s18] =	ssyncset.done $0x0  }
0x1d7: {  	s22 =	simm.s32 $0x0;
	[sflag:s18] =	ssyncadd.s32 $0xFFFFF000  }
0x1d8: {  	v1 =	vld [tilespmem:s22+$0x94F0]  }
0x1d9: {  	v2 =	vld [tilespmem:s22+$0x9400]  }
0x1da: {  	v3 =	vld [tilespmem:s22+$0x9410]  }
0x1db: {  	v4 =	vld [tilespmem:s22+$0x9420]  }
0x1dc: {  	v5 =	vld [tilespmem:s22+$0x9430]  }
0x1dd: {  	v6 =	vld [tilespmem:s22+$0x9440]  }
0x1de: {  	v7 =	vld [tilespmem:s22+$0x9450]  }
0x1df: {  	v8 =	vld [tilespmem:s22+$0x9460]  }
0x1e0: {  	v9 =	vld [tilespmem:s22+$0x9470]  }
0x1e1: {  	v10 =	vld [tilespmem:s22+$0x9480]  }
0x1e2: {  	v11 =	vld [tilespmem:s22+$0x9490]  }
0x1e3: {  	v12 =	vld [tilespmem:s22+$0x94A0]  }
0x1e4: {  	v13 =	vld [tilespmem:s22+$0x94B0]  }
0x1e5: {  	v14 =	vld [tilespmem:s22+$0x94C0]  }
0x1e6: {  	v15 =	vld [tilespmem:s22+$0x94D0]  }
0x1e7: {  	[tilespmem:s22+$0x64F0] =	vst.add.f32.msk $0xffff, v1  }
0x1e8: {  	v1 =	vld [tilespmem:s22+$0x94E0]  }
0x1e9: {  	[tilespmem:s22+$0x6400] =	vst.add.f32.msk $0xffff, v2  }
0x1ea: {  	[tilespmem:s22+$0x6410] =	vst.add.f32.msk $0xffff, v3  }
0x1eb: {  	[tilespmem:s22+$0x6420] =	vst.add.f32.msk $0xffff, v4  }
0x1ec: {  	[tilespmem:s22+$0x6430] =	vst.add.f32.msk $0xffff, v5  }
0x1ed: {  	[tilespmem:s22+$0x6440] =	vst.add.f32.msk $0xffff, v6  }
0x1ee: {  	[tilespmem:s22+$0x6450] =	vst.add.f32.msk $0xffff, v7  }
0x1ef: {  	[tilespmem:s22+$0x6460] =	vst.add.f32.msk $0xffff, v8  }
0x1f0: {  	[tilespmem:s22+$0x6470] =	vst.add.f32.msk $0xffff, v9  }
0x1f1: {  	[tilespmem:s22+$0x6480] =	vst.add.f32.msk $0xffff, v10  }
0x1f2: {  	[tilespmem:s22+$0x6490] =	vst.add.f32.msk $0xffff, v11  }
0x1f3: {  	[tilespmem:s22+$0x64A0] =	vst.add.f32.msk $0xffff, v12  }
0x1f4: {  	[tilespmem:s22+$0x64B0] =	vst.add.f32.msk $0xffff, v13  }
0x1f5: {  	[tilespmem:s22+$0x64C0] =	vst.add.f32.msk $0xffff, v14  }
0x1f6: {  	s23 =	simm.s32 $0x0;
	s24 =	simm.s32 $0x400;
	[tilespmem:s22+$0x64D0] =	vst.add.f32.msk $0xffff, v15  }
.LBB2_18:
0x1f7: {  	s23 =	sadd.s32 $0x8, s23;
	[tilespmem:s22+$0x64E0] =	vst.add.f32.msk $0xffff, v1;
	s22 =	sshra.s32 s24, $0x2  }
0x1f8: {  	v1 =	vld [tilespmem:s22+$0x94F0];
	p0 =	slt.u32 s23, $0x78  }
0x1f9: {  	v2 =	vld [tilespmem:s22+$0x9400]  }
0x1fa: {  	v3 =	vld [tilespmem:s22+$0x9410]  }
0x1fb: {  	v4 =	vld [tilespmem:s22+$0x9420]  }
0x1fc: {  	v5 =	vld [tilespmem:s22+$0x9430]  }
0x1fd: {  	[tilespmem:s22+$0x64F0] =	vst.add.f32.msk $0xffff, v1  }
0x1fe: {  	v6 =	vld [tilespmem:s22+$0x9440]  }
0x1ff: {  	v7 =	vld [tilespmem:s22+$0x9450]  }
0x200: {  	v8 =	vld [tilespmem:s22+$0x9460]  }
0x201: {  	v9 =	vld [tilespmem:s22+$0x9470]  }
0x202: {  	v10 =	vld [tilespmem:s22+$0x9480]  }
0x203: {  	v11 =	vld [tilespmem:s22+$0x9490]  }
0x204: {  	v12 =	vld [tilespmem:s22+$0x94A0]  }
0x205: {  	v13 =	vld [tilespmem:s22+$0x94B0]  }
0x206: {  	v14 =	vld [tilespmem:s22+$0x94C0]  }
0x207: {  	v15 =	vld [tilespmem:s22+$0x94D0]  }
0x208: {  	v1 =	vld [tilespmem:s22+$0x94E0]  }
0x209: {  	[tilespmem:s22+$0x6400] =	vst.add.f32.msk $0xffff, v2  }
0x20a: {  	[tilespmem:s22+$0x6410] =	vst.add.f32.msk $0xffff, v3  }
0x20b: {  	[tilespmem:s22+$0x6420] =	vst.add.f32.msk $0xffff, v4  }
0x20c: {  	[tilespmem:s22+$0x6430] =	vst.add.f32.msk $0xffff, v5  }
0x20d: {  	[tilespmem:s22+$0x6440] =	vst.add.f32.msk $0xffff, v6  }
0x20e: {  	[tilespmem:s22+$0x6450] =	vst.add.f32.msk $0xffff, v7  }
0x20f: {  	[tilespmem:s22+$0x6460] =	vst.add.f32.msk $0xffff, v8  }
0x210: {  	[tilespmem:s22+$0x6470] =	vst.add.f32.msk $0xffff, v9  }
0x211: {  	[tilespmem:s22+$0x6480] =	vst.add.f32.msk $0xffff, v10  }
.Ltmp8:
0x212: {  	[tilespmem:s22+$0x6490] =	vst.add.f32.msk $0xffff, v11;
	(pc) =	sbr.rel @p0 .LBB2_18-.Ltmp8, $4  }
0x213: {  	[tilespmem:s22+$0x64A0] =	vst.add.f32.msk $0xffff, v12  }
0x214: {  	[tilespmem:s22+$0x64B0] =	vst.add.f32.msk $0xffff, v13  }
0x215: {  	[tilespmem:s22+$0x64C0] =	vst.add.f32.msk $0xffff, v14  }
0x216: {  	s24 =	sadd.s32 $0x400, s24;
	[tilespmem:s22+$0x64D0] =	vst.add.f32.msk $0xffff, v15  }
0x217: {  	[tilespmem:s22+$0x64E0] =	vst.add.f32.msk $0xffff, v1  }
0x218: {  	_ =	swait.ge [sflag:s19], $0x1000  }
0x219: {  	[sflag:s19] =	ssyncset.done $0x0  }
0x21a: {  	s22 =	simm.s32 $0x0;
	[sflag:s19] =	ssyncadd.s32 $0xFFFFF000  }
0x21b: {  	v1 =	vld [tilespmem:s22+$0xA4F0]  }
0x21c: {  	v2 =	vld [tilespmem:s22+$0xA400]  }
0x21d: {  	v3 =	vld [tilespmem:s22+$0xA410]  }
0x21e: {  	v4 =	vld [tilespmem:s22+$0xA420]  }
0x21f: {  	v5 =	vld [tilespmem:s22+$0xA430]  }
0x220: {  	v6 =	vld [tilespmem:s22+$0xA440]  }
0x221: {  	v7 =	vld [tilespmem:s22+$0xA450]  }
0x222: {  	v8 =	vld [tilespmem:s22+$0xA460]  }
0x223: {  	v9 =	vld [tilespmem:s22+$0xA470]  }
0x224: {  	v10 =	vld [tilespmem:s22+$0xA480]  }
0x225: {  	v11 =	vld [tilespmem:s22+$0xA490]  }
0x226: {  	v12 =	vld [tilespmem:s22+$0xA4A0]  }
0x227: {  	v13 =	vld [tilespmem:s22+$0xA4B0]  }
0x228: {  	v14 =	vld [tilespmem:s22+$0xA4C0]  }
0x229: {  	v15 =	vld [tilespmem:s22+$0xA4D0]  }
0x22a: {  	[tilespmem:s22+$0x64F0] =	vst.add.f32.msk $0xffff, v1  }
0x22b: {  	v1 =	vld [tilespmem:s22+$0xA4E0]  }
0x22c: {  	[tilespmem:s22+$0x6400] =	vst.add.f32.msk $0xffff, v2  }
0x22d: {  	[tilespmem:s22+$0x6410] =	vst.add.f32.msk $0xffff, v3  }
0x22e: {  	[tilespmem:s22+$0x6420] =	vst.add.f32.msk $0xffff, v4  }
0x22f: {  	[tilespmem:s22+$0x6430] =	vst.add.f32.msk $0xffff, v5  }
0x230: {  	[tilespmem:s22+$0x6440] =	vst.add.f32.msk $0xffff, v6  }
0x231: {  	[tilespmem:s22+$0x6450] =	vst.add.f32.msk $0xffff, v7  }
0x232: {  	[tilespmem:s22+$0x6460] =	vst.add.f32.msk $0xffff, v8  }
0x233: {  	[tilespmem:s22+$0x6470] =	vst.add.f32.msk $0xffff, v9  }
0x234: {  	[tilespmem:s22+$0x6480] =	vst.add.f32.msk $0xffff, v10  }
0x235: {  	[tilespmem:s22+$0x6490] =	vst.add.f32.msk $0xffff, v11  }
0x236: {  	[tilespmem:s22+$0x64A0] =	vst.add.f32.msk $0xffff, v12  }
0x237: {  	[tilespmem:s22+$0x64B0] =	vst.add.f32.msk $0xffff, v13  }
0x238: {  	[tilespmem:s22+$0x64C0] =	vst.add.f32.msk $0xffff, v14  }
0x239: {  	s23 =	simm.s32 $0x0;
	s24 =	simm.s32 $0x400;
	[tilespmem:s22+$0x64D0] =	vst.add.f32.msk $0xffff, v15  }
.LBB2_20:
0x23a: {  	s23 =	sadd.s32 $0x8, s23;
	[tilespmem:s22+$0x64E0] =	vst.add.f32.msk $0xffff, v1;
	s22 =	sshra.s32 s24, $0x2  }
0x23b: {  	v1 =	vld [tilespmem:s22+$0xA4F0];
	p0 =	slt.u32 s23, $0x78  }
0x23c: {  	v2 =	vld [tilespmem:s22+$0xA400]  }
0x23d: {  	v3 =	vld [tilespmem:s22+$0xA410]  }
0x23e: {  	v4 =	vld [tilespmem:s22+$0xA420]  }
0x23f: {  	v5 =	vld [tilespmem:s22+$0xA430]  }
0x240: {  	[tilespmem:s22+$0x64F0] =	vst.add.f32.msk $0xffff, v1  }
0x241: {  	v6 =	vld [tilespmem:s22+$0xA440]  }
0x242: {  	v7 =	vld [tilespmem:s22+$0xA450]  }
0x243: {  	v8 =	vld [tilespmem:s22+$0xA460]  }
0x244: {  	v9 =	vld [tilespmem:s22+$0xA470]  }
0x245: {  	v10 =	vld [tilespmem:s22+$0xA480]  }
0x246: {  	v11 =	vld [tilespmem:s22+$0xA490]  }
0x247: {  	v12 =	vld [tilespmem:s22+$0xA4A0]  }
0x248: {  	v13 =	vld [tilespmem:s22+$0xA4B0]  }
0x249: {  	v14 =	vld [tilespmem:s22+$0xA4C0]  }
0x24a: {  	v15 =	vld [tilespmem:s22+$0xA4D0]  }
0x24b: {  	v1 =	vld [tilespmem:s22+$0xA4E0]  }
0x24c: {  	[tilespmem:s22+$0x6400] =	vst.add.f32.msk $0xffff, v2  }
0x24d: {  	[tilespmem:s22+$0x6410] =	vst.add.f32.msk $0xffff, v3  }
0x24e: {  	[tilespmem:s22+$0x6420] =	vst.add.f32.msk $0xffff, v4  }
0x24f: {  	[tilespmem:s22+$0x6430] =	vst.add.f32.msk $0xffff, v5  }
0x250: {  	[tilespmem:s22+$0x6440] =	vst.add.f32.msk $0xffff, v6  }
0x251: {  	[tilespmem:s22+$0x6450] =	vst.add.f32.msk $0xffff, v7  }
0x252: {  	[tilespmem:s22+$0x6460] =	vst.add.f32.msk $0xffff, v8  }
0x253: {  	[tilespmem:s22+$0x6470] =	vst.add.f32.msk $0xffff, v9  }
0x254: {  	[tilespmem:s22+$0x6480] =	vst.add.f32.msk $0xffff, v10  }
.Ltmp9:
0x255: {  	[tilespmem:s22+$0x6490] =	vst.add.f32.msk $0xffff, v11;
	(pc) =	sbr.rel @p0 .LBB2_20-.Ltmp9, $4  }
0x256: {  	[tilespmem:s22+$0x64A0] =	vst.add.f32.msk $0xffff, v12  }
0x257: {  	[tilespmem:s22+$0x64B0] =	vst.add.f32.msk $0xffff, v13  }
0x258: {  	[tilespmem:s22+$0x64C0] =	vst.add.f32.msk $0xffff, v14  }
0x259: {  	s24 =	sadd.s32 $0x400, s24;
	[tilespmem:s22+$0x64D0] =	vst.add.f32.msk $0xffff, v15  }
0x25a: {  	s21 =	sadd.s32 $0x1, s21  }
0x25b: {  	p0 =	sne.s32 s21, s6  }
.Ltmp10:
0x25c: {  	[tilespmem:s22+$0x64E0] =	vst.add.f32.msk $0xffff, v1;
	(pc) =	sbr.rel @p0 .LBB2_1-.Ltmp10, $4  }
0x25d: {  	[hbm4b:s5+s2] =	stream.linear.scatter [tilespmem:s20], [sflag:$0x5], $0x1000, $0x38;
	[tilespmem:$0xB400] =	vst v63  }
0x25e: {  	_ =	swait.ge [sflag:s9], $0x1000  }
0x25f: {  	[sflag:s9] =	ssyncset.done $0x0  }
0x260: {  	[sflag:s9] =	ssyncadd.s32 $0xFFFFF000  }
0x261: {  	_ =	sfence.sel $0x180000  }
0x262: {  	[bflag:$0x0] =	sbarrier.arrive $0xFFFF  }
0x263: {  	p0 =	sne.s32 s1, $0x0;
	_ =	strace $0x9000004A  }
0x264: {  	s0 =	sadd.s32 @!p0 $0x100000, s0;
	[bflag:$0x2] =	sbarrier.arrive $0xFFFF  }
0x265: {  	[sflag:s0] =	ssyncadd.tile.s32 @!p0 $0x1;
	_ =	shalt  }
.Lfunc_end2:
_tile_overlayer_lowered:
.L_overlay_start_2:
0x266: {  	(tag) =	ssettag $0x2  }
0x267: {  	s0 =	rddreg [dreg:$0x0];
	s2 =	stileid.u32  }
0x268: {  	s1 =	rddreg [dreg:$0x1];
	p0 =	sne.s32 s2, $0x0  }
0x269: {  	s3 =	rddreg [dreg:$0x2];
	[bflag:$0x3] =	sbarrier.arrive $0xFFFF;
	s2 =	simm.s32 @!p0 $0x1C05  }
0x26a: {  	[timem:s3], [sflag:s2] =	dma.local @!p0 [hbm:s0], s1  }
0x26b: {  	s0 =	simm.s32 @!p0 $0x5  }
0x26c: {  	_ =	swait.ge @!p0 [sflag:s0], s1  }
0x26d: {  	s1 =	ssub.s32 @!p0 $0x0, s1;
	[sflag:s0] =	ssyncset.done @!p0 $0x0  }
0x26e: {  	[sflag:s0] =	ssyncadd.s32 @!p0 s1  }
0x26f: {  	[bflag:$0x3] =	sbarrier.arrive $0xFFFF  }
0x270: {  	_ =	shalt  }

</sc_bundles>
